<compile_context>
chip_gen: v7x
topology: tpu7x:2x2x1
jax: 0.10.2.dev20260603
libtpu: 0.0.44.dev20260713+nightly
codegen_flags: <defaults>
</compile_context>

<pallas_src>
import functools

import jax
import jax.numpy as jnp
from jax import lax
from jax.experimental import pallas as pl
from jax.experimental.pallas import tpu as pltpu
from jax.experimental.pallas import tpu_sc as plsc

N = 10000
D = 256
DH = 128
NT = 16
EB = 80
E_PAD = 163840
EPT = E_PAD // NT
NB = EPT // EB
RPT = 632
RPT_LAST = N - 15 * RPT

_sc_mesh = plsc.VectorSubcoreMesh(core_axis_name="c", subcore_axis_name="s")


def _deg_body(zer_hbm, dst_hbm, ew_hbm, degA_hbm, degB_hbm, dacc, idxv, ewv):
    cid = lax.axis_index("c")
    sid = lax.axis_index("s")

    @pl.when(sid == 0)
    def _():
        pltpu.sync_copy(zer_hbm, dacc)

    plsc.subcore_barrier()

    def body(g, carry):
        off = cid * (E_PAD // 2) + sid * (EPT // 2) + g * EB
        pltpu.sync_copy(dst_hbm.at[pl.ds(off, EB)], idxv)
        pltpu.sync_copy(ew_hbm.at[pl.ds(off, EB)], ewv)
        pltpu.sync_copy(ewv, dacc.at[idxv], add=True)
        return carry

    lax.fori_loop(0, NB // 2, body, 0)
    plsc.subcore_barrier()

    @pl.when((cid == 0) & (sid == 0))
    def _():
        pltpu.sync_copy(dacc, degA_hbm)

    @pl.when((cid == 1) & (sid == 0))
    def _():
        pltpu.sync_copy(dacc, degB_hbm)


_deg_kernel = functools.partial(
    pl.kernel,
    out_type=[jax.ShapeDtypeStruct((N,), jnp.float32),
              jax.ShapeDtypeStruct((N,), jnp.float32)],
    mesh=_sc_mesh,
    scratch_types=[
        pltpu.VMEM_SHARED((N,), jnp.float32),
        pltpu.VMEM((EB,), jnp.int32),
        pltpu.VMEM((EB,), jnp.float32),
    ],
)(_deg_body)


def _mp_body(hA_hbm, hB_hbm, src_hbm, dst_hbm, ew_hbm, sA_hbm,
             sB_hbm, acc, idx0, idx1, dst0, dst1, ew0, ew1, rows0, rows1,
             sem0, sem1, ssem0, ssem1):
    cid = lax.axis_index("c")
    sid = lax.axis_index("s")
    bufs = ((idx0, dst0, ew0, rows0, sem0, ssem0),
            (idx1, dst1, ew1, rows1, sem1, ssem1))

    base = pl.multiple_of(sid * RPT, 8)

    def zrow(r, c2):
        for k in range(8):
            rows0[r, pl.ds(k * 16, 16)] = jnp.zeros((16,), jnp.float32)
        return c2

    lax.fori_loop(0, EB, zrow, 0)
    nf, rf = RPT // EB, RPT % EB
    nl, rl = RPT_LAST // EB, RPT_LAST % EB
    for j in range(min(nf, nl)):
        pltpu.sync_copy(rows0, acc.at[pl.ds(base + j * EB, EB)])

    @pl.when(sid < 15)
    def _():
        for j in range(min(nf, nl), nf):
            pltpu.sync_copy(rows0, acc.at[pl.ds(base + j * EB, EB)])
        if rf:
            pltpu.sync_copy(rows0.at[pl.ds(0, rf)],
                            acc.at[pl.ds(base + nf * EB, rf)])

    @pl.when(sid == 15)
    def _():
        for j in range(min(nf, nl), nl):
            pltpu.sync_copy(rows0, acc.at[pl.ds(15 * RPT + j * EB, EB)])
        if rl:
            pltpu.sync_copy(rows0.at[pl.ds(0, rl)],
                            acc.at[pl.ds(15 * RPT + nl * EB, rl)])

    plsc.subcore_barrier()

    def stage_issue(g, b):
        idxb, dstb, ewb, rowsb, semb, ssemb = bufs[b]

        @pl.when(g >= 2)
        def _():
            pltpu.make_async_copy(hA_hbm.at[pl.ds(0, EB)], rowsb, ssemb).wait()

        off = sid * EPT + g * EB
        pltpu.sync_copy(src_hbm.at[pl.ds(off, EB)], idxb)
        pltpu.sync_copy(dst_hbm.at[pl.ds(off, EB)], dstb)
        pltpu.sync_copy(ew_hbm.at[pl.ds(off, EB)], ewb)

        @pl.when(cid == 0)
        def _():
            pltpu.async_copy(hA_hbm.at[idxb], rowsb, semb)

        @pl.when(cid == 1)
        def _():
            pltpu.async_copy(hB_hbm.at[idxb], rowsb, semb)

    def segment(g, b):
        idxb, dstb, ewb, rowsb, semb, ssemb = bufs[b]

        @pl.when(g + 1 < NB)
        def _():
            stage_issue(g + 1, 1 - b)

        pltpu.make_async_copy(hA_hbm.at[pl.ds(0, EB)], rowsb, semb).wait()

        def scale(r, c2):
            ewr = ewb[pl.ds(r, 1)][0]
            for k in range(8):
                sl = pl.ds(k * 16, 16)
                rowsb[r, sl] = rowsb[r, sl] * ewr
            return c2

        lax.fori_loop(0, EB, scale, 0)
        pltpu.async_copy(rowsb, acc.at[dstb], ssemb, add=True)

    stage_issue(0, 0)

    def body(p, carry):
        segment(2 * p, 0)
        segment(2 * p + 1, 1)
        return carry

    lax.fori_loop(0, NB // 2, body, 0)
    pltpu.make_async_copy(hA_hbm.at[pl.ds(0, EB)], rows0, ssem0).wait()
    pltpu.make_async_copy(hA_hbm.at[pl.ds(0, EB)], rows1, ssem1).wait()
    plsc.subcore_barrier()

    @pl.when((cid == 0) & (sid < 15))
    def _():
        pltpu.sync_copy(acc.at[pl.ds(base, RPT)], sA_hbm.at[pl.ds(base, RPT)])

    @pl.when((cid == 0) & (sid == 15))
    def _():
        pltpu.sync_copy(acc.at[pl.ds(15 * RPT, RPT_LAST)],
                        sA_hbm.at[pl.ds(15 * RPT, RPT_LAST)])

    @pl.when((cid == 1) & (sid < 15))
    def _():
        pltpu.sync_copy(acc.at[pl.ds(base, RPT)], sB_hbm.at[pl.ds(base, RPT)])

    @pl.when((cid == 1) & (sid == 15))
    def _():
        pltpu.sync_copy(acc.at[pl.ds(15 * RPT, RPT_LAST)],
                        sB_hbm.at[pl.ds(15 * RPT, RPT_LAST)])


_mp_kernel = functools.partial(
    pl.kernel,
    out_type=[jax.ShapeDtypeStruct((N, DH), jnp.float32),
              jax.ShapeDtypeStruct((N, DH), jnp.float32)],
    mesh=_sc_mesh,
    scratch_types=[
        pltpu.VMEM_SHARED((N, DH), jnp.float32),
        pltpu.VMEM((EB,), jnp.int32),
        pltpu.VMEM((EB,), jnp.int32),
        pltpu.VMEM((EB,), jnp.int32),
        pltpu.VMEM((EB,), jnp.int32),
        pltpu.VMEM((EB,), jnp.float32),
        pltpu.VMEM((EB,), jnp.float32),
        pltpu.VMEM((EB, DH), jnp.float32),
        pltpu.VMEM((EB, DH), jnp.float32),
        pltpu.SemaphoreType.DMA,
        pltpu.SemaphoreType.DMA,
        pltpu.SemaphoreType.DMA,
        pltpu.SemaphoreType.DMA,
    ],
)(_mp_body)


RB = 400


def _dinv(deg_blk):
    d = deg_blk + 1.0
    return jnp.where(d > 0, lax.rsqrt(d), 0.0)


def _mm1_body(x_ref, w_ref, dA_ref, dB_ref, hA_ref, hB_ref, dinv_ref):
    dinv = _dinv(dA_ref[...] + dB_ref[...])
    h = jnp.dot(x_ref[...], w_ref[...],
                preferred_element_type=jnp.float32) * dinv
    hA_ref[...] = h[:, :DH]
    hB_ref[...] = h[:, DH:]
    dinv_ref[...] = dinv


def _mm2_body(sA_ref, sB_ref, hA_ref, hB_ref, dinv_ref, b1_ref, w2_ref,
              h2A_ref, h2B_ref):
    dinv = dinv_ref[...]
    o = jnp.concatenate(
        [sA_ref[...] + hA_ref[...], sB_ref[...] + hB_ref[...]], axis=1)
    o = jnp.maximum(o * dinv + b1_ref[...], 0.0)
    h2 = jnp.dot(o, w2_ref[...], preferred_element_type=jnp.float32) * dinv
    h2A_ref[...] = h2[:, :DH]
    h2B_ref[...] = h2[:, DH:]


def _mm3_body(sA_ref, sB_ref, hA_ref, hB_ref, dinv_ref, b2_ref, out_ref):
    o = jnp.concatenate(
        [sA_ref[...] + hA_ref[...], sB_ref[...] + hB_ref[...]], axis=1)
    out_ref[...] = o * dinv_ref[...] + b2_ref[...]


_half = pl.BlockSpec((RB, DH), lambda i: (i, 0))
_full = pl.BlockSpec((RB, D), lambda i: (i, 0))
_degs = pl.BlockSpec((RB, 1), lambda i: (i, 0))
_wspec = pl.BlockSpec((D, D), lambda i: (0, 0))
_bspec = pl.BlockSpec((1, D), lambda i: (0, 0))

_mm1 = pl.pallas_call(
    _mm1_body,
    grid=(N // RB,),
    in_specs=[_full, _wspec, _degs, _degs],
    out_specs=[_half, _half, _degs],
    out_shape=[jax.ShapeDtypeStruct((N, DH), jnp.float32),
               jax.ShapeDtypeStruct((N, DH), jnp.float32),
               jax.ShapeDtypeStruct((N, 1), jnp.float32)],
)

_mm2 = pl.pallas_call(
    _mm2_body,
    grid=(N // RB,),
    in_specs=[_half, _half, _half, _half, _degs, _bspec, _wspec],
    out_specs=[_half, _half],
    out_shape=[jax.ShapeDtypeStruct((N, DH), jnp.float32),
               jax.ShapeDtypeStruct((N, DH), jnp.float32)],
)

_mm3 = pl.pallas_call(
    _mm3_body,
    grid=(N // RB,),
    in_specs=[_half, _half, _half, _half, _degs, _bspec],
    out_specs=_full,
    out_shape=jax.ShapeDtypeStruct((N, D), jnp.float32),
)


@jax.jit
def kernel(x, edge_index, edge_weight, W1, b1, W2, b2):
    src = edge_index[0].astype(jnp.int32)
    dst = edge_index[1].astype(jnp.int32)
    pad = E_PAD - src.shape[0]
    src = jnp.concatenate([src, jnp.zeros((pad,), jnp.int32)])
    dst = jnp.concatenate([dst, jnp.zeros((pad,), jnp.int32)])
    ew = jnp.concatenate([edge_weight, jnp.zeros((pad,), jnp.float32)])

    zer1 = jnp.zeros((N,), jnp.float32)

    degA, degB = _deg_kernel(zer1, dst, ew)
    b1r = b1.reshape(1, D)
    b2r = b2.reshape(1, D)

    hA, hB, dinv = _mm1(x, W1, degA.reshape(N, 1), degB.reshape(N, 1))
    sA, sB = _mp_kernel(hA, hB, src, dst, ew)
    h2A, h2B = _mm2(sA, sB, hA, hB, dinv, b1r, W2)
    s2A, s2B = _mp_kernel(h2A, h2B, src, dst, ew)
    return _mm3(s2A, s2B, h2A, h2B, dinv, b2r)

# --- scband reference (transcript-rebuilt; emitter-appended) ---
"""Pipeline reference for scband-gcn-26079041422088 (READ-ONLY COPY).

The authoritative reference and input builder live on the scoring server;
editing this copy changes nothing except your own understanding.
"""

import jax, jax.numpy as jnp
import numpy as np

N = 10000
E = 160000
D_IN = 256
D_H = 256
D_OUT = 256


def gcn_conv(x, edge_index, edge_weight, W, b, num_nodes):
    # PyG GCNConv semantics: x' = D^{-1/2} (A + I) D^{-1/2} (x W) + b, with edge weights
    src = edge_index[0]
    dst = edge_index[1]
    loop_idx = jnp.arange(num_nodes, dtype=edge_index.dtype)
    src = jnp.concatenate([src, loop_idx])
    dst = jnp.concatenate([dst, loop_idx])
    ew = jnp.concatenate([edge_weight, jnp.ones((num_nodes,), dtype=x.dtype)])
    deg = jax.ops.segment_sum(ew, dst, num_segments=num_nodes)
    deg_inv_sqrt = jnp.where(deg > 0, 1.0 / jnp.sqrt(deg), 0.0)
    norm = deg_inv_sqrt[src] * ew * deg_inv_sqrt[dst]
    h = x @ W
    msg = norm[:, None] * jnp.take(h, src, axis=0)
    out = jax.ops.segment_sum(msg, dst, num_segments=num_nodes)
    return out + b


def setup_inputs(seed: int = 0) -> dict:
    key = jax.random.key(seed)
    ks = jax.random.split(key, 8)
    x = jax.random.normal(ks[0], (N, D_IN), dtype=jnp.float32)
    edge_index = jax.random.randint(ks[1], (2, E), 0, N, dtype=jnp.int64) if jax.config.read('jax_enable_x64') else jax.random.randint(ks[1], (2, E), 0, N, dtype=jnp.int32)
    edge_weight = jax.random.uniform(ks[2], (E,), dtype=jnp.float32)
    W1 = jax.random.normal(ks[3], (D_IN, D_H), dtype=jnp.float32) * 0.05
    b1 = jnp.zeros((D_H,), dtype=jnp.float32)
    W2 = jax.random.normal(ks[4], (D_H, D_OUT), dtype=jnp.float32) * 0.05
    b2 = jnp.zeros((D_OUT,), dtype=jnp.float32)
    return {"x": x, "edge_index": edge_index, "edge_weight": edge_weight,
            "W1": W1, "b1": b1, "W2": W2, "b2": b2}


def reference(x, edge_index, edge_weight, W1, b1, W2, b2):
    # args.weighted == 1 -> use edge_weight; args.linear == 0 -> no classifier head
    h = gcn_conv(x, edge_index, edge_weight, W1, b1, N)
    h = jax.nn.relu(h)
    # dropout is a no-op in eval mode (training=False)
    out = gcn_conv(h, edge_index, edge_weight, W2, b2, N)
    return out

if __name__ == "__main__":
    import jax
    _d = setup_inputs()
    print(jax.jit(kernel)(*tuple(_d.values())))

</pallas_src>

<mosaic_0001>
#map = affine_map<(d0, d1) -> (0)>
module attributes {stable_mosaic.version = 14 : i64} {
  func.func @_deg_body(%arg0: i32, %arg1: i32, %arg2: memref<10000xf32, #tpu.memory_space<hbm>>, %arg3: memref<163840xi32, #tpu.memory_space<hbm>>, %arg4: memref<163840xf32, #tpu.memory_space<hbm>>, %arg5: memref<10000xf32, #tpu.memory_space<hbm>>, %arg6: memref<10000xf32, #tpu.memory_space<hbm>>, %arg7: memref<10000xf32, #tpu.memory_space<vmem_shared>>, %arg8: memref<80xi32, #tpu.memory_space<vmem>>, %arg9: memref<80xf32, #tpu.memory_space<vmem>>) attributes {dimension_semantics = [#tpu.dimension_semantics<core_parallel>, #tpu.dimension_semantics<subcore_parallel>], iteration_bounds = array<i64: 2, 16>, scalar_prefetch = 0 : i64, scratch_operands = 3 : i64, tpu.core_type = #tpu.core_type<sc_vector_subcore>, window_params = [{transform_indices = #map}, {transform_indices = #map}, {transform_indices = #map}, {transform_indices = #map}, {transform_indices = #map}]} {
    %eq3A = arith.constant 0 : i32
    %eq3A_0 = arith.cmpi eq, %arg1, %eq3A : i32
    %convert_element_type3A = arith.extui %eq3A_0 : i1 to i32
    %cond3A = arith.constant 0 : i32
    %cond3A_1 = arith.cmpi ne, %convert_element_type3A, %cond3A : i32
    scf.if %cond3A_1 {
      "tpu.region"() ({
        %run_scoped3A = tpu.sem_alloc : memref<!tpu.dma_semaphore, #tpu.memory_space<semaphore_mem>>
        tpu.enqueue_dma source(%arg2 : memref<10000xf32, #tpu.memory_space<hbm>>) target(%arg7 : memref<10000xf32, #tpu.memory_space<vmem_shared>>) target_semaphore(%run_scoped3A : memref<!tpu.dma_semaphore, #tpu.memory_space<semaphore_mem>>)
        tpu.wait_dma2 semaphore(%run_scoped3A : memref<!tpu.dma_semaphore, #tpu.memory_space<semaphore_mem>>) src(%arg2 : memref<10000xf32, #tpu.memory_space<hbm>>) dst(%arg7 : memref<10000xf32, #tpu.memory_space<vmem_shared>>)
        tpu.yield
      }) : () -> ()
    } else {
    }
    %barrier3A = arith.constant 0 : index
    tpu.barrier barrier_id(%barrier3A)
    %scan3A = arith.constant 0 : i32
    %scan3A_2 = arith.constant 0 : i32
    %scan3A_3 = arith.constant 64 : i32
    %scan3A_4 = arith.addi %scan3A_2, %scan3A_3 : i32
    %scan3A_5 = arith.constant 1 : i32
    scf.for %scan3A_23 = %scan3A_2 to %scan3A_4 step %scan3A_5  : i32 {
      %mul3A = arith.constant 81920 : i32
      %mul3A_24 = arith.muli %arg0, %mul3A : i32
      %mul3A_25 = arith.constant 5120 : i32
      %mul3A_26 = arith.muli %arg1, %mul3A_25 : i32
      %add3A = arith.addi %mul3A_24, %mul3A_26 : i32
      %mul3A_27 = arith.constant 80 : i32
      %mul3A_28 = arith.muli %scan3A_23, %mul3A_27 : i32
      %add3A_29 = arith.addi %add3A, %mul3A_28 : i32
      "tpu.region"() ({
        %run_scoped3A = tpu.sem_alloc : memref<!tpu.dma_semaphore, #tpu.memory_space<semaphore_mem>>
        %dma_start3A = tpu.memref_slice %arg3[%add3A_29] : memref<163840xi32, #tpu.memory_space<hbm>> -> memref<80xi32, #tpu.memory_space<hbm>>
        %dma_start3A_30 = tpu.memref_slice %arg3[%add3A_29] : memref<163840xi32, #tpu.memory_space<hbm>> -> memref<80xi32, #tpu.memory_space<hbm>>
        tpu.enqueue_dma source(%dma_start3A_30 : memref<80xi32, #tpu.memory_space<hbm>>) target(%arg8 : memref<80xi32, #tpu.memory_space<vmem>>) target_semaphore(%run_scoped3A : memref<!tpu.dma_semaphore, #tpu.memory_space<semaphore_mem>>)
        %dma_wait3A = tpu.memref_slice %arg3[%add3A_29] : memref<163840xi32, #tpu.memory_space<hbm>> -> memref<80xi32, #tpu.memory_space<hbm>>
        %dma_wait3A_31 = tpu.memref_slice %arg3[%add3A_29] : memref<163840xi32, #tpu.memory_space<hbm>> -> memref<80xi32, #tpu.memory_space<hbm>>
        tpu.wait_dma2 semaphore(%run_scoped3A : memref<!tpu.dma_semaphore, #tpu.memory_space<semaphore_mem>>) src(%dma_wait3A_31 : memref<80xi32, #tpu.memory_space<hbm>>) dst(%arg8 : memref<80xi32, #tpu.memory_space<vmem>>)
        tpu.yield
      }) : () -> ()
      "tpu.region"() ({
        %run_scoped3A = tpu.sem_alloc : memref<!tpu.dma_semaphore, #tpu.memory_space<semaphore_mem>>
        %dma_start3A = tpu.memref_slice %arg4[%add3A_29] : memref<163840xf32, #tpu.memory_space<hbm>> -> memref<80xf32, #tpu.memory_space<hbm>>
        %dma_start3A_30 = tpu.memref_slice %arg4[%add3A_29] : memref<163840xf32, #tpu.memory_space<hbm>> -> memref<80xf32, #tpu.memory_space<hbm>>
        tpu.enqueue_dma source(%dma_start3A_30 : memref<80xf32, #tpu.memory_space<hbm>>) target(%arg9 : memref<80xf32, #tpu.memory_space<vmem>>) target_semaphore(%run_scoped3A : memref<!tpu.dma_semaphore, #tpu.memory_space<semaphore_mem>>)
        %dma_wait3A = tpu.memref_slice %arg4[%add3A_29] : memref<163840xf32, #tpu.memory_space<hbm>> -> memref<80xf32, #tpu.memory_space<hbm>>
        %dma_wait3A_31 = tpu.memref_slice %arg4[%add3A_29] : memref<163840xf32, #tpu.memory_space<hbm>> -> memref<80xf32, #tpu.memory_space<hbm>>
        tpu.wait_dma2 semaphore(%run_scoped3A : memref<!tpu.dma_semaphore, #tpu.memory_space<semaphore_mem>>) src(%dma_wait3A_31 : memref<80xf32, #tpu.memory_space<hbm>>) dst(%arg9 : memref<80xf32, #tpu.memory_space<vmem>>)
        tpu.yield
      }) : () -> ()
      "tpu.region"() ({
        %run_scoped3A = tpu.sem_alloc : memref<!tpu.dma_semaphore, #tpu.memory_space<semaphore_mem>>
        %dma_start3A = arith.constant 0 : i32
        %dma_start3A_30 = tpu.memref_slice %arg7[%dma_start3A] : memref<10000xf32, #tpu.memory_space<vmem_shared>> -> memref<10000xf32, #tpu.memory_space<vmem_shared>>
        tpu.enqueue_indirect_dma source(%arg9 : memref<80xf32, #tpu.memory_space<vmem>>) target(%dma_start3A_30 : memref<10000xf32, #tpu.memory_space<vmem_shared>>) offsets(%arg8 : memref<80xi32, #tpu.memory_space<vmem>>) semaphore(%run_scoped3A : memref<!tpu.dma_semaphore, #tpu.memory_space<semaphore_mem>>) {add = true}
        %dma_wait3A = arith.constant 0 : i32
        %dma_wait3A_31 = tpu.memref_slice %arg7[%dma_wait3A] : memref<10000xf32, #tpu.memory_space<vmem_shared>> -> memref<10000xf32, #tpu.memory_space<vmem_shared>>
        tpu.wait_indirect_dma semaphore(%run_scoped3A : memref<!tpu.dma_semaphore, #tpu.memory_space<semaphore_mem>>) src(%arg9 : memref<80xf32, #tpu.memory_space<vmem>>) dst(%dma_wait3A_31 : memref<10000xf32, #tpu.memory_space<vmem_shared>>)
        tpu.yield
      }) : () -> ()
    }
    %scan3A_6 = arith.constant 64 : i32
    %barrier3A_7 = arith.constant 0 : index
    tpu.barrier barrier_id(%barrier3A_7)
    %eq3A_8 = arith.constant 0 : i32
    %eq3A_9 = arith.cmpi eq, %arg0, %eq3A_8 : i32
    %eq3A_10 = arith.constant 0 : i32
    %eq3A_11 = arith.cmpi eq, %arg1, %eq3A_10 : i32
    %and3A = arith.andi %eq3A_9, %eq3A_11 : i1
    %convert_element_type3A_12 = arith.extui %and3A : i1 to i32
    %cond3A_13 = arith.constant 0 : i32
    %cond3A_14 = arith.cmpi ne, %convert_element_type3A_12, %cond3A_13 : i32
    scf.if %cond3A_14 {
      "tpu.region"() ({
        %run_scoped3A = tpu.sem_alloc : memref<!tpu.dma_semaphore, #tpu.memory_space<semaphore_mem>>
        tpu.enqueue_dma source(%arg7 : memref<10000xf32, #tpu.memory_space<vmem_shared>>) target(%arg5 : memref<10000xf32, #tpu.memory_space<hbm>>) target_semaphore(%run_scoped3A : memref<!tpu.dma_semaphore, #tpu.memory_space<semaphore_mem>>)
        tpu.wait_dma2 semaphore(%run_scoped3A : memref<!tpu.dma_semaphore, #tpu.memory_space<semaphore_mem>>) src(%arg7 : memref<10000xf32, #tpu.memory_space<vmem_shared>>) dst(%arg5 : memref<10000xf32, #tpu.memory_space<hbm>>)
        tpu.yield
      }) : () -> ()
    } else {
    }
    %eq3A_15 = arith.constant 1 : i32
    %eq3A_16 = arith.cmpi eq, %arg0, %eq3A_15 : i32
    %eq3A_17 = arith.constant 0 : i32
    %eq3A_18 = arith.cmpi eq, %arg1, %eq3A_17 : i32
    %and3A_19 = arith.andi %eq3A_16, %eq3A_18 : i1
    %convert_element_type3A_20 = arith.extui %and3A_19 : i1 to i32
    %cond3A_21 = arith.constant 0 : i32
    %cond3A_22 = arith.cmpi ne, %convert_element_type3A_20, %cond3A_21 : i32
    scf.if %cond3A_22 {
      "tpu.region"() ({
        %run_scoped3A = tpu.sem_alloc : memref<!tpu.dma_semaphore, #tpu.memory_space<semaphore_mem>>
        tpu.enqueue_dma source(%arg7 : memref<10000xf32, #tpu.memory_space<vmem_shared>>) target(%arg6 : memref<10000xf32, #tpu.memory_space<hbm>>) target_semaphore(%run_scoped3A : memref<!tpu.dma_semaphore, #tpu.memory_space<semaphore_mem>>)
        tpu.wait_dma2 semaphore(%run_scoped3A : memref<!tpu.dma_semaphore, #tpu.memory_space<semaphore_mem>>) src(%arg7 : memref<10000xf32, #tpu.memory_space<vmem_shared>>) dst(%arg6 : memref<10000xf32, #tpu.memory_space<hbm>>)
        tpu.yield
      }) : () -> ()
    } else {
    }
    return
  }
}

#map = affine_map<(d0, d1) -> (0, 0)>
#map1 = affine_map<(d0, d1) -> (0)>
module attributes {stable_mosaic.version = 14 : i64} {
  func.func @_mp_body(%arg0: i32, %arg1: i32, %arg2: memref<10000x128xf32, #tpu.memory_space<hbm>>, %arg3: memref<10000x128xf32, #tpu.memory_space<hbm>>, %arg4: memref<163840xi32, #tpu.memory_space<hbm>>, %arg5: memref<163840xi32, #tpu.memory_space<hbm>>, %arg6: memref<163840xf32, #tpu.memory_space<hbm>>, %arg7: memref<10000x128xf32, #tpu.memory_space<hbm>>, %arg8: memref<10000x128xf32, #tpu.memory_space<hbm>>, %arg9: memref<10000x128xf32, #tpu.memory_space<vmem_shared>>, %arg10: memref<80xi32, #tpu.memory_space<vmem>>, %arg11: memref<80xi32, #tpu.memory_space<vmem>>, %arg12: memref<80xi32, #tpu.memory_space<vmem>>, %arg13: memref<80xi32, #tpu.memory_space<vmem>>, %arg14: memref<80xf32, #tpu.memory_space<vmem>>, %arg15: memref<80xf32, #tpu.memory_space<vmem>>, %arg16: memref<80x128xf32, #tpu.memory_space<vmem>>, %arg17: memref<80x128xf32, #tpu.memory_space<vmem>>, %arg18: memref<!tpu.dma_semaphore, #tpu.memory_space<semaphore_mem>>, %arg19: memref<!tpu.dma_semaphore, #tpu.memory_space<semaphore_mem>>, %arg20: memref<!tpu.dma_semaphore, #tpu.memory_space<semaphore_mem>>, %arg21: memref<!tpu.dma_semaphore, #tpu.memory_space<semaphore_mem>>) attributes {dimension_semantics = [#tpu.dimension_semantics<core_parallel>, #tpu.dimension_semantics<subcore_parallel>], iteration_bounds = array<i64: 2, 16>, scalar_prefetch = 0 : i64, scratch_operands = 13 : i64, tpu.core_type = #tpu.core_type<sc_vector_subcore>, window_params = [{transform_indices = #map}, {transform_indices = #map}, {transform_indices = #map1}, {transform_indices = #map1}, {transform_indices = #map1}, {transform_indices = #map}, {transform_indices = #map}]} {
    %mul3A = arith.constant 632 : i32
    %mul3A_0 = arith.muli %arg1, %mul3A : i32
    %multiple_of3A = tpu.assume_multiple %mul3A_0, 8 : i32
    %scan3A = arith.constant 0 : i32
    %scan3A_1 = arith.constant 0 : i32
    %scan3A_2 = arith.constant 80 : i32
    %scan3A_3 = arith.addi %scan3A_1, %scan3A_2 : i32
    %scan3A_4 = arith.constant 1 : i32
    scf.for %scan3A_86 = %scan3A_1 to %scan3A_3 step %scan3A_4  : i32 {
      %broadcast_in_dim3A = arith.constant 0.000000e+00 : f32
      %broadcast_in_dim3A_87 = vector.broadcast %broadcast_in_dim3A : f32 to vector<16xf32>
      %swap3A = arith.index_cast %scan3A_86 : i32 to index
      %swap3A_88 = arith.constant 0 : index
      %swap3A_89 = tpu.vector_load %arg16[%swap3A, %swap3A_88] {strides = array<i32>} : memref<80x128xf32, #tpu.memory_space<vmem>>, vector<1x16xf32>,
      %swap3A_90 = vector.shape_cast %swap3A_89 : vector<1x16xf32> to vector<16xf32>
      %swap3A_91 = vector.shape_cast %broadcast_in_dim3A_87 : vector<16xf32> to vector<1x16xf32>
      tpu.vector_store %arg16[%swap3A, %swap3A_88], %swap3A_91 {strides = array<i32>} : memref<80x128xf32, #tpu.memory_space<vmem>>, vector<1x16xf32>,
      %broadcast_in_dim3A_92 = arith.constant 0.000000e+00 : f32
      %broadcast_in_dim3A_93 = vector.broadcast %broadcast_in_dim3A_92 : f32 to vector<16xf32>
      %swap3A_94 = arith.index_cast %scan3A_86 : i32 to index
      %swap3A_95 = arith.constant 16 : index
      %swap3A_96 = tpu.vector_load %arg16[%swap3A_94, %swap3A_95] {strides = array<i32>} : memref<80x128xf32, #tpu.memory_space<vmem>>, vector<1x16xf32>,
      %swap3A_97 = vector.shape_cast %swap3A_96 : vector<1x16xf32> to vector<16xf32>
      %swap3A_98 = vector.shape_cast %broadcast_in_dim3A_93 : vector<16xf32> to vector<1x16xf32>
      tpu.vector_store %arg16[%swap3A_94, %swap3A_95], %swap3A_98 {strides = array<i32>} : memref<80x128xf32, #tpu.memory_space<vmem>>, vector<1x16xf32>,
      %broadcast_in_dim3A_99 = arith.constant 0.000000e+00 : f32
      %broadcast_in_dim3A_100 = vector.broadcast %broadcast_in_dim3A_99 : f32 to vector<16xf32>
      %swap3A_101 = arith.index_cast %scan3A_86 : i32 to index
      %swap3A_102 = arith.constant 32 : index
      %swap3A_103 = tpu.vector_load %arg16[%swap3A_101, %swap3A_102] {strides = array<i32>} : memref<80x128xf32, #tpu.memory_space<vmem>>, vector<1x16xf32>,
      %swap3A_104 = vector.shape_cast %swap3A_103 : vector<1x16xf32> to vector<16xf32>
      %swap3A_105 = vector.shape_cast %broadcast_in_dim3A_100 : vector<16xf32> to vector<1x16xf32>
      tpu.vector_store %arg16[%swap3A_101, %swap3A_102], %swap3A_105 {strides = array<i32>} : memref<80x128xf32, #tpu.memory_space<vmem>>, vector<1x16xf32>,
      %broadcast_in_dim3A_106 = arith.constant 0.000000e+00 : f32
      %broadcast_in_dim3A_107 = vector.broadcast %broadcast_in_dim3A_106 : f32 to vector<16xf32>
      %swap3A_108 = arith.index_cast %scan3A_86 : i32 to index
      %swap3A_109 = arith.constant 48 : index
      %swap3A_110 = tpu.vector_load %arg16[%swap3A_108, %swap3A_109] {strides = array<i32>} : memref<80x128xf32, #tpu.memory_space<vmem>>, vector<1x16xf32>,
      %swap3A_111 = vector.shape_cast %swap3A_110 : vector<1x16xf32> to vector<16xf32>
      %swap3A_112 = vector.shape_cast %broadcast_in_dim3A_107 : vector<16xf32> to vector<1x16xf32>
      tpu.vector_store %arg16[%swap3A_108, %swap3A_109], %swap3A_112 {strides = array<i32>} : memref<80x128xf32, #tpu.memory_space<vmem>>, vector<1x16xf32>,
      %broadcast_in_dim3A_113 = arith.constant 0.000000e+00 : f32
      %broadcast_in_dim3A_114 = vector.broadcast %broadcast_in_dim3A_113 : f32 to vector<16xf32>
      %swap3A_115 = arith.index_cast %scan3A_86 : i32 to index
      %swap3A_116 = arith.constant 64 : index
      %swap3A_117 = tpu.vector_load %arg16[%swap3A_115, %swap3A_116] {strides = array<i32>} : memref<80x128xf32, #tpu.memory_space<vmem>>, vector<1x16xf32>,
      %swap3A_118 = vector.shape_cast %swap3A_117 : vector<1x16xf32> to vector<16xf32>
      %swap3A_119 = vector.shape_cast %broadcast_in_dim3A_114 : vector<16xf32> to vector<1x16xf32>
      tpu.vector_store %arg16[%swap3A_115, %swap3A_116], %swap3A_119 {strides = array<i32>} : memref<80x128xf32, #tpu.memory_space<vmem>>, vector<1x16xf32>,
      %broadcast_in_dim3A_120 = arith.constant 0.000000e+00 : f32
      %broadcast_in_dim3A_121 = vector.broadcast %broadcast_in_dim3A_120 : f32 to vector<16xf32>
      %swap3A_122 = arith.index_cast %scan3A_86 : i32 to index
      %swap3A_123 = arith.constant 80 : index
      %swap3A_124 = tpu.vector_load %arg16[%swap3A_122, %swap3A_123] {strides = array<i32>} : memref<80x128xf32, #tpu.memory_space<vmem>>, vector<1x16xf32>,
      %swap3A_125 = vector.shape_cast %swap3A_124 : vector<1x16xf32> to vector<16xf32>
      %swap3A_126 = vector.shape_cast %broadcast_in_dim3A_121 : vector<16xf32> to vector<1x16xf32>
      tpu.vector_store %arg16[%swap3A_122, %swap3A_123], %swap3A_126 {strides = array<i32>} : memref<80x128xf32, #tpu.memory_space<vmem>>, vector<1x16xf32>,
      %broadcast_in_dim3A_127 = arith.constant 0.000000e+00 : f32
      %broadcast_in_dim3A_128 = vector.broadcast %broadcast_in_dim3A_127 : f32 to vector<16xf32>
      %swap3A_129 = arith.index_cast %scan3A_86 : i32 to index
      %swap3A_130 = arith.constant 96 : index
      %swap3A_131 = tpu.vector_load %arg16[%swap3A_129, %swap3A_130] {strides = array<i32>} : memref<80x128xf32, #tpu.memory_space<vmem>>, vector<1x16xf32>,
      %swap3A_132 = vector.shape_cast %swap3A_131 : vector<1x16xf32> to vector<16xf32>
      %swap3A_133 = vector.shape_cast %broadcast_in_dim3A_128 : vector<16xf32> to vector<1x16xf32>
      tpu.vector_store %arg16[%swap3A_129, %swap3A_130], %swap3A_133 {strides = array<i32>} : memref<80x128xf32, #tpu.memory_space<vmem>>, vector<1x16xf32>,
      %broadcast_in_dim3A_134 = arith.constant 0.000000e+00 : f32
      %broadcast_in_dim3A_135 = vector.broadcast %broadcast_in_dim3A_134 : f32 to vector<16xf32>
      %swap3A_136 = arith.index_cast %scan3A_86 : i32 to index
      %swap3A_137 = arith.constant 112 : index
      %swap3A_138 = tpu.vector_load %arg16[%swap3A_136, %swap3A_137] {strides = array<i32>} : memref<80x128xf32, #tpu.memory_space<vmem>>, vector<1x16xf32>,
      %swap3A_139 = vector.shape_cast %swap3A_138 : vector<1x16xf32> to vector<16xf32>
      %swap3A_140 = vector.shape_cast %broadcast_in_dim3A_135 : vector<16xf32> to vector<1x16xf32>
      tpu.vector_store %arg16[%swap3A_136, %swap3A_137], %swap3A_140 {strides = array<i32>} : memref<80x128xf32, #tpu.memory_space<vmem>>, vector<1x16xf32>,
    }
    %scan3A_5 = arith.constant 80 : i32
    %add3A = arith.constant 0 : i32
    %add3A_6 = arith.addi %multiple_of3A, %add3A : i32
    "tpu.region"() ({
      %run_scoped3A = tpu.sem_alloc : memref<!tpu.dma_semaphore, #tpu.memory_space<semaphore_mem>>
      %dma_start3A = arith.constant 0 : i32
      %dma_start3A_86 = tpu.memref_slice %arg9[%add3A_6, %dma_start3A] : memref<10000x128xf32, #tpu.memory_space<vmem_shared>> -> memref<80x128xf32, #tpu.memory_space<vmem_shared>>
      %dma_start3A_87 = arith.constant 0 : i32
      %dma_start3A_88 = tpu.memref_slice %arg9[%add3A_6, %dma_start3A_87] : memref<10000x128xf32, #tpu.memory_space<vmem_shared>> -> memref<80x128xf32, #tpu.memory_space<vmem_shared>>
      tpu.enqueue_dma source(%arg16 : memref<80x128xf32, #tpu.memory_space<vmem>>) target(%dma_start3A_88 : memref<80x128xf32, #tpu.memory_space<vmem_shared>>) target_semaphore(%run_scoped3A : memref<!tpu.dma_semaphore, #tpu.memory_space<semaphore_mem>>)
      %dma_wait3A_89 = arith.constant 0 : i32
      %dma_wait3A_90 = tpu.memref_slice %arg9[%add3A_6, %dma_wait3A_89] : memref<10000x128xf32, #tpu.memory_space<vmem_shared>> -> memref<80x128xf32, #tpu.memory_space<vmem_shared>>
      %dma_wait3A_91 = arith.constant 0 : i32
      %dma_wait3A_92 = tpu.memref_slice %arg9[%add3A_6, %dma_wait3A_91] : memref<10000x128xf32, #tpu.memory_space<vmem_shared>> -> memref<80x128xf32, #tpu.memory_space<vmem_shared>>
      tpu.wait_dma2 semaphore(%run_scoped3A : memref<!tpu.dma_semaphore, #tpu.memory_space<semaphore_mem>>) src(%arg16 : memref<80x128xf32, #tpu.memory_space<vmem>>) dst(%dma_wait3A_92 : memref<80x128xf32, #tpu.memory_space<vmem_shared>>)
      tpu.yield
    }) : () -> ()
    %add3A_7 = arith.constant 80 : i32
    %add3A_8 = arith.addi %multiple_of3A, %add3A_7 : i32
    "tpu.region"() ({
      %run_scoped3A = tpu.sem_alloc : memref<!tpu.dma_semaphore, #tpu.memory_space<semaphore_mem>>
      %dma_start3A = arith.constant 0 : i32
      %dma_start3A_86 = tpu.memref_slice %arg9[%add3A_8, %dma_start3A] : memref<10000x128xf32, #tpu.memory_space<vmem_shared>> -> memref<80x128xf32, #tpu.memory_space<vmem_shared>>
      %dma_start3A_87 = arith.constant 0 : i32
      %dma_start3A_88 = tpu.memref_slice %arg9[%add3A_8, %dma_start3A_87] : memref<10000x128xf32, #tpu.memory_space<vmem_shared>> -> memref<80x128xf32, #tpu.memory_space<vmem_shared>>
      tpu.enqueue_dma source(%arg16 : memref<80x128xf32, #tpu.memory_space<vmem>>) target(%dma_start3A_88 : memref<80x128xf32, #tpu.memory_space<vmem_shared>>) target_semaphore(%run_scoped3A : memref<!tpu.dma_semaphore, #tpu.memory_space<semaphore_mem>>)
      %dma_wait3A_89 = arith.constant 0 : i32
      %dma_wait3A_90 = tpu.memref_slice %arg9[%add3A_8, %dma_wait3A_89] : memref<10000x128xf32, #tpu.memory_space<vmem_shared>> -> memref<80x128xf32, #tpu.memory_space<vmem_shared>>
      %dma_wait3A_91 = arith.constant 0 : i32
      %dma_wait3A_92 = tpu.memref_slice %arg9[%add3A_8, %dma_wait3A_91] : memref<10000x128xf32, #tpu.memory_space<vmem_shared>> -> memref<80x128xf32, #tpu.memory_space<vmem_shared>>
      tpu.wait_dma2 semaphore(%run_scoped3A : memref<!tpu.dma_semaphore, #tpu.memory_space<semaphore_mem>>) src(%arg16 : memref<80x128xf32, #tpu.memory_space<vmem>>) dst(%dma_wait3A_92 : memref<80x128xf32, #tpu.memory_space<vmem_shared>>)
      tpu.yield
    }) : () -> ()
    %add3A_9 = arith.constant 160 : i32
    %add3A_10 = arith.addi %multiple_of3A, %add3A_9 : i32
    "tpu.region"() ({
      %run_scoped3A = tpu.sem_alloc : memref<!tpu.dma_semaphore, #tpu.memory_space<semaphore_mem>>
      %dma_start3A = arith.constant 0 : i32
      %dma_start3A_86 = tpu.memref_slice %arg9[%add3A_10, %dma_start3A] : memref<10000x128xf32, #tpu.memory_space<vmem_shared>> -> memref<80x128xf32, #tpu.memory_space<vmem_shared>>
      %dma_start3A_87 = arith.constant 0 : i32
      %dma_start3A_88 = tpu.memref_slice %arg9[%add3A_10, %dma_start3A_87] : memref<10000x128xf32, #tpu.memory_space<vmem_shared>> -> memref<80x128xf32, #tpu.memory_space<vmem_shared>>
      tpu.enqueue_dma source(%arg16 : memref<80x128xf32, #tpu.memory_space<vmem>>) target(%dma_start3A_88 : memref<80x128xf32, #tpu.memory_space<vmem_shared>>) target_semaphore(%run_scoped3A : memref<!tpu.dma_semaphore, #tpu.memory_space<semaphore_mem>>)
      %dma_wait3A_89 = arith.constant 0 : i32
      %dma_wait3A_90 = tpu.memref_slice %arg9[%add3A_10, %dma_wait3A_89] : memref<10000x128xf32, #tpu.memory_space<vmem_shared>> -> memref<80x128xf32, #tpu.memory_space<vmem_shared>>
      %dma_wait3A_91 = arith.constant 0 : i32
      %dma_wait3A_92 = tpu.memref_slice %arg9[%add3A_10, %dma_wait3A_91] : memref<10000x128xf32, #tpu.memory_space<vmem_shared>> -> memref<80x128xf32, #tpu.memory_space<vmem_shared>>
      tpu.wait_dma2 semaphore(%run_scoped3A : memref<!tpu.dma_semaphore, #tpu.memory_space<semaphore_mem>>) src(%arg16 : memref<80x128xf32, #tpu.memory_space<vmem>>) dst(%dma_wait3A_92 : memref<80x128xf32, #tpu.memory_space<vmem_shared>>)
      tpu.yield
    }) : () -> ()
    %add3A_11 = arith.constant 240 : i32
    %add3A_12 = arith.addi %multiple_of3A, %add3A_11 : i32
    "tpu.region"() ({
      %run_scoped3A = tpu.sem_alloc : memref<!tpu.dma_semaphore, #tpu.memory_space<semaphore_mem>>
      %dma_start3A = arith.constant 0 : i32
      %dma_start3A_86 = tpu.memref_slice %arg9[%add3A_12, %dma_start3A] : memref<10000x128xf32, #tpu.memory_space<vmem_shared>> -> memref<80x128xf32, #tpu.memory_space<vmem_shared>>
      %dma_start3A_87 = arith.constant 0 : i32
      %dma_start3A_88 = tpu.memref_slice %arg9[%add3A_12, %dma_start3A_87] : memref<10000x128xf32, #tpu.memory_space<vmem_shared>> -> memref<80x128xf32, #tpu.memory_space<vmem_shared>>
      tpu.enqueue_dma source(%arg16 : memref<80x128xf32, #tpu.memory_space<vmem>>) target(%dma_start3A_88 : memref<80x128xf32, #tpu.memory_space<vmem_shared>>) target_semaphore(%run_scoped3A : memref<!tpu.dma_semaphore, #tpu.memory_space<semaphore_mem>>)
      %dma_wait3A_89 = arith.constant 0 : i32
      %dma_wait3A_90 = tpu.memref_slice %arg9[%add3A_12, %dma_wait3A_89] : memref<10000x128xf32, #tpu.memory_space<vmem_shared>> -> memref<80x128xf32, #tpu.memory_space<vmem_shared>>
      %dma_wait3A_91 = arith.constant 0 : i32
      %dma_wait3A_92 = tpu.memref_slice %arg9[%add3A_12, %dma_wait3A_91] : memref<10000x128xf32, #tpu.memory_space<vmem_shared>> -> memref<80x128xf32, #tpu.memory_space<vmem_shared>>
      tpu.wait_dma2 semaphore(%run_scoped3A : memref<!tpu.dma_semaphore, #tpu.memory_space<semaphore_mem>>) src(%arg16 : memref<80x128xf32, #tpu.memory_space<vmem>>) dst(%dma_wait3A_92 : memref<80x128xf32, #tpu.memory_space<vmem_shared>>)
      tpu.yield
    }) : () -> ()
    %add3A_13 = arith.constant 320 : i32
    %add3A_14 = arith.addi %multiple_of3A, %add3A_13 : i32
    "tpu.region"() ({
      %run_scoped3A = tpu.sem_alloc : memref<!tpu.dma_semaphore, #tpu.memory_space<semaphore_mem>>
      %dma_start3A = arith.constant 0 : i32
      %dma_start3A_86 = tpu.memref_slice %arg9[%add3A_14, %dma_start3A] : memref<10000x128xf32, #tpu.memory_space<vmem_shared>> -> memref<80x128xf32, #tpu.memory_space<vmem_shared>>
      %dma_start3A_87 = arith.constant 0 : i32
      %dma_start3A_88 = tpu.memref_slice %arg9[%add3A_14, %dma_start3A_87] : memref<10000x128xf32, #tpu.memory_space<vmem_shared>> -> memref<80x128xf32, #tpu.memory_space<vmem_shared>>
      tpu.enqueue_dma source(%arg16 : memref<80x128xf32, #tpu.memory_space<vmem>>) target(%dma_start3A_88 : memref<80x128xf32, #tpu.memory_space<vmem_shared>>) target_semaphore(%run_scoped3A : memref<!tpu.dma_semaphore, #tpu.memory_space<semaphore_mem>>)
      %dma_wait3A_89 = arith.constant 0 : i32
      %dma_wait3A_90 = tpu.memref_slice %arg9[%add3A_14, %dma_wait3A_89] : memref<10000x128xf32, #tpu.memory_space<vmem_shared>> -> memref<80x128xf32, #tpu.memory_space<vmem_shared>>
      %dma_wait3A_91 = arith.constant 0 : i32
      %dma_wait3A_92 = tpu.memref_slice %arg9[%add3A_14, %dma_wait3A_91] : memref<10000x128xf32, #tpu.memory_space<vmem_shared>> -> memref<80x128xf32, #tpu.memory_space<vmem_shared>>
      tpu.wait_dma2 semaphore(%run_scoped3A : memref<!tpu.dma_semaphore, #tpu.memory_space<semaphore_mem>>) src(%arg16 : memref<80x128xf32, #tpu.memory_space<vmem>>) dst(%dma_wait3A_92 : memref<80x128xf32, #tpu.memory_space<vmem_shared>>)
      tpu.yield
    }) : () -> ()
    %add3A_15 = arith.constant 400 : i32
    %add3A_16 = arith.addi %multiple_of3A, %add3A_15 : i32
    "tpu.region"() ({
      %run_scoped3A = tpu.sem_alloc : memref<!tpu.dma_semaphore, #tpu.memory_space<semaphore_mem>>
      %dma_start3A = arith.constant 0 : i32
      %dma_start3A_86 = tpu.memref_slice %arg9[%add3A_16, %dma_start3A] : memref<10000x128xf32, #tpu.memory_space<vmem_shared>> -> memref<80x128xf32, #tpu.memory_space<vmem_shared>>
      %dma_start3A_87 = arith.constant 0 : i32
      %dma_start3A_88 = tpu.memref_slice %arg9[%add3A_16, %dma_start3A_87] : memref<10000x128xf32, #tpu.memory_space<vmem_shared>> -> memref<80x128xf32, #tpu.memory_space<vmem_shared>>
      tpu.enqueue_dma source(%arg16 : memref<80x128xf32, #tpu.memory_space<vmem>>) target(%dma_start3A_88 : memref<80x128xf32, #tpu.memory_space<vmem_shared>>) target_semaphore(%run_scoped3A : memref<!tpu.dma_semaphore, #tpu.memory_space<semaphore_mem>>)
      %dma_wait3A_89 = arith.constant 0 : i32
      %dma_wait3A_90 = tpu.memref_slice %arg9[%add3A_16, %dma_wait3A_89] : memref<10000x128xf32, #tpu.memory_space<vmem_shared>> -> memref<80x128xf32, #tpu.memory_space<vmem_shared>>
      %dma_wait3A_91 = arith.constant 0 : i32
      %dma_wait3A_92 = tpu.memref_slice %arg9[%add3A_16, %dma_wait3A_91] : memref<10000x128xf32, #tpu.memory_space<vmem_shared>> -> memref<80x128xf32, #tpu.memory_space<vmem_shared>>
      tpu.wait_dma2 semaphore(%run_scoped3A : memref<!tpu.dma_semaphore, #tpu.memory_space<semaphore_mem>>) src(%arg16 : memref<80x128xf32, #tpu.memory_space<vmem>>) dst(%dma_wait3A_92 : memref<80x128xf32, #tpu.memory_space<vmem_shared>>)
      tpu.yield
    }) : () -> ()
    %lt3A = arith.constant 15 : i32
    %lt3A_17 = arith.cmpi slt, %arg1, %lt3A : i32
    %convert_element_type3A = arith.extui %lt3A_17 : i1 to i32
    %cond3A = arith.constant 0 : i32
    %cond3A_18 = arith.cmpi ne, %convert_element_type3A, %cond3A : i32
    scf.if %cond3A_18 {
      %add3A_86 = arith.constant 480 : i32
      %add3A_87 = arith.addi %multiple_of3A, %add3A_86 : i32
      "tpu.region"() ({
        %run_scoped3A = tpu.sem_alloc : memref<!tpu.dma_semaphore, #tpu.memory_space<semaphore_mem>>
        %dma_start3A = arith.constant 0 : i32
        %dma_start3A_90 = tpu.memref_slice %arg9[%add3A_87, %dma_start3A] : memref<10000x128xf32, #tpu.memory_space<vmem_shared>> -> memref<80x128xf32, #tpu.memory_space<vmem_shared>>
        %dma_start3A_91 = arith.constant 0 : i32
        %dma_start3A_92 = tpu.memref_slice %arg9[%add3A_87, %dma_start3A_91] : memref<10000x128xf32, #tpu.memory_space<vmem_shared>> -> memref<80x128xf32, #tpu.memory_space<vmem_shared>>
        tpu.enqueue_dma source(%arg16 : memref<80x128xf32, #tpu.memory_space<vmem>>) target(%dma_start3A_92 : memref<80x128xf32, #tpu.memory_space<vmem_shared>>) target_semaphore(%run_scoped3A : memref<!tpu.dma_semaphore, #tpu.memory_space<semaphore_mem>>)
        %dma_wait3A_93 = arith.constant 0 : i32
        %dma_wait3A_94 = tpu.memref_slice %arg9[%add3A_87, %dma_wait3A_93] : memref<10000x128xf32, #tpu.memory_space<vmem_shared>> -> memref<80x128xf32, #tpu.memory_space<vmem_shared>>
        %dma_wait3A_95 = arith.constant 0 : i32
        %dma_wait3A_96 = tpu.memref_slice %arg9[%add3A_87, %dma_wait3A_95] : memref<10000x128xf32, #tpu.memory_space<vmem_shared>> -> memref<80x128xf32, #tpu.memory_space<vmem_shared>>
        tpu.wait_dma2 semaphore(%run_scoped3A : memref<!tpu.dma_semaphore, #tpu.memory_space<semaphore_mem>>) src(%arg16 : memref<80x128xf32, #tpu.memory_space<vmem>>) dst(%dma_wait3A_96 : memref<80x128xf32, #tpu.memory_space<vmem_shared>>)
        tpu.yield
      }) : () -> ()
      %add3A_88 = arith.constant 560 : i32
      %add3A_89 = arith.addi %multiple_of3A, %add3A_88 : i32
      "tpu.region"() ({
        %run_scoped3A = tpu.sem_alloc : memref<!tpu.dma_semaphore, #tpu.memory_space<semaphore_mem>>
        %dma_start3A = arith.constant 0 : i32
        %dma_start3A_90 = arith.constant 0 : i32
        %dma_start3A_91 = tpu.memref_slice %arg16[%dma_start3A, %dma_start3A_90] : memref<80x128xf32, #tpu.memory_space<vmem>> -> memref<72x128xf32, #tpu.memory_space<vmem>>
        %dma_start3A_92 = arith.constant 0 : i32
        %dma_start3A_93 = tpu.memref_slice %arg9[%add3A_89, %dma_start3A_92] : memref<10000x128xf32, #tpu.memory_space<vmem_shared>> -> memref<72x128xf32, #tpu.memory_space<vmem_shared>>
        %dma_start3A_94 = arith.constant 0 : i32
        %dma_start3A_95 = tpu.memref_slice %arg9[%add3A_89, %dma_start3A_94] : memref<10000x128xf32, #tpu.memory_space<vmem_shared>> -> memref<72x128xf32, #tpu.memory_space<vmem_shared>>
        %dma_start3A_96 = arith.constant 0 : i32
        %dma_start3A_97 = arith.constant 0 : i32
        %dma_start3A_98 = tpu.memref_slice %arg16[%dma_start3A_96, %dma_start3A_97] : memref<80x128xf32, #tpu.memory_space<vmem>> -> memref<72x128xf32, #tpu.memory_space<vmem>>
        tpu.enqueue_dma source(%dma_start3A_98 : memref<72x128xf32, #tpu.memory_space<vmem>>) target(%dma_start3A_95 : memref<72x128xf32, #tpu.memory_space<vmem_shared>>) target_semaphore(%run_scoped3A : memref<!tpu.dma_semaphore, #tpu.memory_space<semaphore_mem>>)
        %dma_wait3A_99 = arith.constant 0 : i32
        %dma_wait3A_100 = arith.constant 0 : i32
        %dma_wait3A_101 = tpu.memref_slice %arg16[%dma_wait3A_99, %dma_wait3A_100] : memref<80x128xf32, #tpu.memory_space<vmem>> -> memref<72x128xf32, #tpu.memory_space<vmem>>
        %dma_wait3A_102 = arith.constant 0 : i32
        %dma_wait3A_103 = tpu.memref_slice %arg9[%add3A_89, %dma_wait3A_102] : memref<10000x128xf32, #tpu.memory_space<vmem_shared>> -> memref<72x128xf32, #tpu.memory_space<vmem_shared>>
        %dma_wait3A_104 = arith.constant 0 : i32
        %dma_wait3A_105 = tpu.memref_slice %arg9[%add3A_89, %dma_wait3A_104] : memref<10000x128xf32, #tpu.memory_space<vmem_shared>> -> memref<72x128xf32, #tpu.memory_space<vmem_shared>>
        %dma_wait3A_106 = arith.constant 0 : i32
        %dma_wait3A_107 = arith.constant 0 : i32
        %dma_wait3A_108 = tpu.memref_slice %arg16[%dma_wait3A_106, %dma_wait3A_107] : memref<80x128xf32, #tpu.memory_space<vmem>> -> memref<72x128xf32, #tpu.memory_space<vmem>>
        tpu.wait_dma2 semaphore(%run_scoped3A : memref<!tpu.dma_semaphore, #tpu.memory_space<semaphore_mem>>) src(%dma_wait3A_108 : memref<72x128xf32, #tpu.memory_space<vmem>>) dst(%dma_wait3A_105 : memref<72x128xf32, #tpu.memory_space<vmem_shared>>)
        tpu.yield
      }) : () -> ()
    } else {
    }
    %eq3A = arith.constant 15 : i32
    %eq3A_19 = arith.cmpi eq, %arg1, %eq3A : i32
    %convert_element_type3A_20 = arith.extui %eq3A_19 : i1 to i32
    %cond3A_21 = arith.constant 0 : i32
    %cond3A_22 = arith.cmpi ne, %convert_element_type3A_20, %cond3A_21 : i32
    scf.if %cond3A_22 {
      "tpu.region"() ({
        %run_scoped3A = tpu.sem_alloc : memref<!tpu.dma_semaphore, #tpu.memory_space<semaphore_mem>>
        %dma_start3A = arith.constant 0 : i32
        %dma_start3A_86 = arith.constant 0 : i32
        %dma_start3A_87 = tpu.memref_slice %arg16[%dma_start3A, %dma_start3A_86] : memref<80x128xf32, #tpu.memory_space<vmem>> -> memref<40x128xf32, #tpu.memory_space<vmem>>
        %dma_start3A_88 = arith.constant 9960 : i32
        %dma_start3A_89 = arith.constant 0 : i32
        %dma_start3A_90 = tpu.memref_slice %arg9[%dma_start3A_88, %dma_start3A_89] : memref<10000x128xf32, #tpu.memory_space<vmem_shared>> -> memref<40x128xf32, #tpu.memory_space<vmem_shared>>
        %dma_start3A_91 = arith.constant 9960 : i32
        %dma_start3A_92 = arith.constant 0 : i32
        %dma_start3A_93 = tpu.memref_slice %arg9[%dma_start3A_91, %dma_start3A_92] : memref<10000x128xf32, #tpu.memory_space<vmem_shared>> -> memref<40x128xf32, #tpu.memory_space<vmem_shared>>
        %dma_start3A_94 = arith.constant 0 : i32
        %dma_start3A_95 = arith.constant 0 : i32
        %dma_start3A_96 = tpu.memref_slice %arg16[%dma_start3A_94, %dma_start3A_95] : memref<80x128xf32, #tpu.memory_space<vmem>> -> memref<40x128xf32, #tpu.memory_space<vmem>>
        tpu.enqueue_dma source(%dma_start3A_96 : memref<40x128xf32, #tpu.memory_space<vmem>>) target(%dma_start3A_93 : memref<40x128xf32, #tpu.memory_space<vmem_shared>>) target_semaphore(%run_scoped3A : memref<!tpu.dma_semaphore, #tpu.memory_space<semaphore_mem>>)
        %dma_wait3A_97 = arith.constant 0 : i32
        %dma_wait3A_98 = arith.constant 0 : i32
        %dma_wait3A_99 = tpu.memref_slice %arg16[%dma_wait3A_97, %dma_wait3A_98] : memref<80x128xf32, #tpu.memory_space<vmem>> -> memref<40x128xf32, #tpu.memory_space<vmem>>
        %dma_wait3A_100 = arith.constant 9960 : i32
        %dma_wait3A_101 = arith.constant 0 : i32
        %dma_wait3A_102 = tpu.memref_slice %arg9[%dma_wait3A_100, %dma_wait3A_101] : memref<10000x128xf32, #tpu.memory_space<vmem_shared>> -> memref<40x128xf32, #tpu.memory_space<vmem_shared>>
        %dma_wait3A_103 = arith.constant 9960 : i32
        %dma_wait3A_104 = arith.constant 0 : i32
        %dma_wait3A_105 = tpu.memref_slice %arg9[%dma_wait3A_103, %dma_wait3A_104] : memref<10000x128xf32, #tpu.memory_space<vmem_shared>> -> memref<40x128xf32, #tpu.memory_space<vmem_shared>>
        %dma_wait3A_106 = arith.constant 0 : i32
        %dma_wait3A_107 = arith.constant 0 : i32
        %dma_wait3A_108 = tpu.memref_slice %arg16[%dma_wait3A_106, %dma_wait3A_107] : memref<80x128xf32, #tpu.memory_space<vmem>> -> memref<40x128xf32, #tpu.memory_space<vmem>>
        tpu.wait_dma2 semaphore(%run_scoped3A : memref<!tpu.dma_semaphore, #tpu.memory_space<semaphore_mem>>) src(%dma_wait3A_108 : memref<40x128xf32, #tpu.memory_space<vmem>>) dst(%dma_wait3A_105 : memref<40x128xf32, #tpu.memory_space<vmem_shared>>)
        tpu.yield
      }) : () -> ()
    } else {
    }
    %barrier3A = arith.constant 0 : index
    tpu.barrier barrier_id(%barrier3A)
    %mul3A_23 = arith.constant 10240 : i32
    %mul3A_24 = arith.muli %arg1, %mul3A_23 : i32
    %add3A_25 = arith.constant 0 : i32
    %add3A_26 = arith.addi %mul3A_24, %add3A_25 : i32
    "tpu.region"() ({
      %run_scoped3A = tpu.sem_alloc : memref<!tpu.dma_semaphore, #tpu.memory_space<semaphore_mem>>
      %dma_start3A = tpu.memref_slice %arg4[%add3A_26] : memref<163840xi32, #tpu.memory_space<hbm>> -> memref<80xi32, #tpu.memory_space<hbm>>
      %dma_start3A_86 = tpu.memref_slice %arg4[%add3A_26] : memref<163840xi32, #tpu.memory_space<hbm>> -> memref<80xi32, #tpu.memory_space<hbm>>
      tpu.enqueue_dma source(%dma_start3A_86 : memref<80xi32, #tpu.memory_space<hbm>>) target(%arg10 : memref<80xi32, #tpu.memory_space<vmem>>) target_semaphore(%run_scoped3A : memref<!tpu.dma_semaphore, #tpu.memory_space<semaphore_mem>>)
      %dma_wait3A_87 = tpu.memref_slice %arg4[%add3A_26] : memref<163840xi32, #tpu.memory_space<hbm>> -> memref<80xi32, #tpu.memory_space<hbm>>
      %dma_wait3A_88 = tpu.memref_slice %arg4[%add3A_26] : memref<163840xi32, #tpu.memory_space<hbm>> -> memref<80xi32, #tpu.memory_space<hbm>>
      tpu.wait_dma2 semaphore(%run_scoped3A : memref<!tpu.dma_semaphore, #tpu.memory_space<semaphore_mem>>) src(%dma_wait3A_88 : memref<80xi32, #tpu.memory_space<hbm>>) dst(%arg10 : memref<80xi32, #tpu.memory_space<vmem>>)
      tpu.yield
    }) : () -> ()
    "tpu.region"() ({
      %run_scoped3A = tpu.sem_alloc : memref<!tpu.dma_semaphore, #tpu.memory_space<semaphore_mem>>
      %dma_start3A = tpu.memref_slice %arg5[%add3A_26] : memref<163840xi32, #tpu.memory_space<hbm>> -> memref<80xi32, #tpu.memory_space<hbm>>
      %dma_start3A_86 = tpu.memref_slice %arg5[%add3A_26] : memref<163840xi32, #tpu.memory_space<hbm>> -> memref<80xi32, #tpu.memory_space<hbm>>
      tpu.enqueue_dma source(%dma_start3A_86 : memref<80xi32, #tpu.memory_space<hbm>>) target(%arg12 : memref<80xi32, #tpu.memory_space<vmem>>) target_semaphore(%run_scoped3A : memref<!tpu.dma_semaphore, #tpu.memory_space<semaphore_mem>>)
      %dma_wait3A_87 = tpu.memref_slice %arg5[%add3A_26] : memref<163840xi32, #tpu.memory_space<hbm>> -> memref<80xi32, #tpu.memory_space<hbm>>
      %dma_wait3A_88 = tpu.memref_slice %arg5[%add3A_26] : memref<163840xi32, #tpu.memory_space<hbm>> -> memref<80xi32, #tpu.memory_space<hbm>>
      tpu.wait_dma2 semaphore(%run_scoped3A : memref<!tpu.dma_semaphore, #tpu.memory_space<semaphore_mem>>) src(%dma_wait3A_88 : memref<80xi32, #tpu.memory_space<hbm>>) dst(%arg12 : memref<80xi32, #tpu.memory_space<vmem>>)
      tpu.yield
    }) : () -> ()
    "tpu.region"() ({
      %run_scoped3A = tpu.sem_alloc : memref<!tpu.dma_semaphore, #tpu.memory_space<semaphore_mem>>
      %dma_start3A = tpu.memref_slice %arg6[%add3A_26] : memref<163840xf32, #tpu.memory_space<hbm>> -> memref<80xf32, #tpu.memory_space<hbm>>
      %dma_start3A_86 = tpu.memref_slice %arg6[%add3A_26] : memref<163840xf32, #tpu.memory_space<hbm>> -> memref<80xf32, #tpu.memory_space<hbm>>
      tpu.enqueue_dma source(%dma_start3A_86 : memref<80xf32, #tpu.memory_space<hbm>>) target(%arg14 : memref<80xf32, #tpu.memory_space<vmem>>) target_semaphore(%run_scoped3A : memref<!tpu.dma_semaphore, #tpu.memory_space<semaphore_mem>>)
      %dma_wait3A_87 = tpu.memref_slice %arg6[%add3A_26] : memref<163840xf32, #tpu.memory_space<hbm>> -> memref<80xf32, #tpu.memory_space<hbm>>
      %dma_wait3A_88 = tpu.memref_slice %arg6[%add3A_26] : memref<163840xf32, #tpu.memory_space<hbm>> -> memref<80xf32, #tpu.memory_space<hbm>>
      tpu.wait_dma2 semaphore(%run_scoped3A : memref<!tpu.dma_semaphore, #tpu.memory_space<semaphore_mem>>) src(%dma_wait3A_88 : memref<80xf32, #tpu.memory_space<hbm>>) dst(%arg14 : memref<80xf32, #tpu.memory_space<vmem>>)
      tpu.yield
    }) : () -> ()
    %eq3A_27 = arith.constant 0 : i32
    %eq3A_28 = arith.cmpi eq, %arg0, %eq3A_27 : i32
    %convert_element_type3A_29 = arith.extui %eq3A_28 : i1 to i32
    %cond3A_30 = arith.constant 0 : i32
    %cond3A_31 = arith.cmpi ne, %convert_element_type3A_29, %cond3A_30 : i32
    scf.if %cond3A_31 {
      %dma_start3A = arith.constant 0 : i32
      %dma_start3A_86 = arith.constant 0 : i32
      %dma_start3A_87 = tpu.memref_slice %arg2[%dma_start3A, %dma_start3A_86] : memref<10000x128xf32, #tpu.memory_space<hbm>> -> memref<10000x128xf32, #tpu.memory_space<hbm>>
      tpu.enqueue_indirect_dma source(%dma_start3A_87 : memref<10000x128xf32, #tpu.memory_space<hbm>>) target(%arg16 : memref<80x128xf32, #tpu.memory_space<vmem>>) offsets(%arg10 : memref<80xi32, #tpu.memory_space<vmem>>) semaphore(%arg18 : memref<!tpu.dma_semaphore, #tpu.memory_space<semaphore_mem>>)
    } else {
    }
    %eq3A_32 = arith.constant 1 : i32
    %eq3A_33 = arith.cmpi eq, %arg0, %eq3A_32 : i32
    %convert_element_type3A_34 = arith.extui %eq3A_33 : i1 to i32
    %cond3A_35 = arith.constant 0 : i32
    %cond3A_36 = arith.cmpi ne, %convert_element_type3A_34, %cond3A_35 : i32
    scf.if %cond3A_36 {
      %dma_start3A = arith.constant 0 : i32
      %dma_start3A_86 = arith.constant 0 : i32
      %dma_start3A_87 = tpu.memref_slice %arg3[%dma_start3A, %dma_start3A_86] : memref<10000x128xf32, #tpu.memory_space<hbm>> -> memref<10000x128xf32, #tpu.memory_space<hbm>>
      tpu.enqueue_indirect_dma source(%dma_start3A_87 : memref<10000x128xf32, #tpu.memory_space<hbm>>) target(%arg16 : memref<80x128xf32, #tpu.memory_space<vmem>>) offsets(%arg10 : memref<80xi32, #tpu.memory_space<vmem>>) semaphore(%arg18 : memref<!tpu.dma_semaphore, #tpu.memory_space<semaphore_mem>>)
    } else {
    }
    %scan3A_37 = arith.constant 0 : i32
    %scan3A_38 = arith.constant 0 : i32
    %scan3A_39 = arith.constant 64 : i32
    %scan3A_40 = arith.addi %scan3A_38, %scan3A_39 : i32
    %scan3A_41 = arith.constant 1 : i32
    scf.for %scan3A_86 = %scan3A_38 to %scan3A_40 step %scan3A_41  : i32 {
      %mul3A_87 = arith.constant 2 : i32
      %mul3A_88 = arith.muli %mul3A_87, %scan3A_86 : i32
      %add3A_89 = arith.constant 1 : i32
      %add3A_90 = arith.addi %mul3A_88, %add3A_89 : i32
      %lt3A_91 = arith.constant 128 : i32
      %lt3A_92 = arith.cmpi slt, %add3A_90, %lt3A_91 : i32
      %convert_element_type3A_93 = arith.extui %lt3A_92 : i1 to i32
      %cond3A_94 = arith.constant 0 : i32
      %cond3A_95 = arith.cmpi ne, %convert_element_type3A_93, %cond3A_94 : i32
      scf.if %cond3A_95 {
        %add3A_136 = arith.constant 1 : i32
        %add3A_137 = arith.addi %mul3A_88, %add3A_136 : i32
        %ge3A = arith.constant 2 : i32
        %ge3A_138 = arith.cmpi sge, %add3A_137, %ge3A : i32
        %convert_element_type3A_139 = arith.extui %ge3A_138 : i1 to i32
        %cond3A_140 = arith.constant 0 : i32
        %cond3A_141 = arith.cmpi ne, %convert_element_type3A_139, %cond3A_140 : i32
        scf.if %cond3A_141 {
          %dma_wait3A_157 = arith.constant 0 : i32
          %dma_wait3A_158 = arith.constant 0 : i32
          %dma_wait3A_159 = tpu.memref_slice %arg2[%dma_wait3A_157, %dma_wait3A_158] : memref<10000x128xf32, #tpu.memory_space<hbm>> -> memref<80x128xf32, #tpu.memory_space<hbm>>
          %dma_wait3A_160 = arith.constant 0 : i32
          %dma_wait3A_161 = arith.constant 0 : i32
          %dma_wait3A_162 = tpu.memref_slice %arg2[%dma_wait3A_160, %dma_wait3A_161] : memref<10000x128xf32, #tpu.memory_space<hbm>> -> memref<80x128xf32, #tpu.memory_space<hbm>>
          tpu.wait_dma2 semaphore(%arg21 : memref<!tpu.dma_semaphore, #tpu.memory_space<semaphore_mem>>) src(%dma_wait3A_162 : memref<80x128xf32, #tpu.memory_space<hbm>>) dst(%arg17 : memref<80x128xf32, #tpu.memory_space<vmem>>)
        } else {
        }
        %mul3A_142 = arith.constant 10240 : i32
        %mul3A_143 = arith.muli %arg1, %mul3A_142 : i32
        %mul3A_144 = arith.constant 80 : i32
        %mul3A_145 = arith.muli %add3A_137, %mul3A_144 : i32
        %add3A_146 = arith.addi %mul3A_143, %mul3A_145 : i32
        "tpu.region"() ({
          %run_scoped3A = tpu.sem_alloc : memref<!tpu.dma_semaphore, #tpu.memory_space<semaphore_mem>>
          %dma_start3A_157 = tpu.memref_slice %arg4[%add3A_146] : memref<163840xi32, #tpu.memory_space<hbm>> -> memref<80xi32, #tpu.memory_space<hbm>>
          %dma_start3A_158 = tpu.memref_slice %arg4[%add3A_146] : memref<163840xi32, #tpu.memory_space<hbm>> -> memref<80xi32, #tpu.memory_space<hbm>>
          tpu.enqueue_dma source(%dma_start3A_158 : memref<80xi32, #tpu.memory_space<hbm>>) target(%arg11 : memref<80xi32, #tpu.memory_space<vmem>>) target_semaphore(%run_scoped3A : memref<!tpu.dma_semaphore, #tpu.memory_space<semaphore_mem>>)
          %dma_wait3A_159 = tpu.memref_slice %arg4[%add3A_146] : memref<163840xi32, #tpu.memory_space<hbm>> -> memref<80xi32, #tpu.memory_space<hbm>>
          %dma_wait3A_160 = tpu.memref_slice %arg4[%add3A_146] : memref<163840xi32, #tpu.memory_space<hbm>> -> memref<80xi32, #tpu.memory_space<hbm>>
          tpu.wait_dma2 semaphore(%run_scoped3A : memref<!tpu.dma_semaphore, #tpu.memory_space<semaphore_mem>>) src(%dma_wait3A_160 : memref<80xi32, #tpu.memory_space<hbm>>) dst(%arg11 : memref<80xi32, #tpu.memory_space<vmem>>)
          tpu.yield
        }) : () -> ()
        "tpu.region"() ({
          %run_scoped3A = tpu.sem_alloc : memref<!tpu.dma_semaphore, #tpu.memory_space<semaphore_mem>>
          %dma_start3A_157 = tpu.memref_slice %arg5[%add3A_146] : memref<163840xi32, #tpu.memory_space<hbm>> -> memref<80xi32, #tpu.memory_space<hbm>>
          %dma_start3A_158 = tpu.memref_slice %arg5[%add3A_146] : memref<163840xi32, #tpu.memory_space<hbm>> -> memref<80xi32, #tpu.memory_space<hbm>>
          tpu.enqueue_dma source(%dma_start3A_158 : memref<80xi32, #tpu.memory_space<hbm>>) target(%arg13 : memref<80xi32, #tpu.memory_space<vmem>>) target_semaphore(%run_scoped3A : memref<!tpu.dma_semaphore, #tpu.memory_space<semaphore_mem>>)
          %dma_wait3A_159 = tpu.memref_slice %arg5[%add3A_146] : memref<163840xi32, #tpu.memory_space<hbm>> -> memref<80xi32, #tpu.memory_space<hbm>>
          %dma_wait3A_160 = tpu.memref_slice %arg5[%add3A_146] : memref<163840xi32, #tpu.memory_space<hbm>> -> memref<80xi32, #tpu.memory_space<hbm>>
          tpu.wait_dma2 semaphore(%run_scoped3A : memref<!tpu.dma_semaphore, #tpu.memory_space<semaphore_mem>>) src(%dma_wait3A_160 : memref<80xi32, #tpu.memory_space<hbm>>) dst(%arg13 : memref<80xi32, #tpu.memory_space<vmem>>)
          tpu.yield
        }) : () -> ()
        "tpu.region"() ({
          %run_scoped3A = tpu.sem_alloc : memref<!tpu.dma_semaphore, #tpu.memory_space<semaphore_mem>>
          %dma_start3A_157 = tpu.memref_slice %arg6[%add3A_146] : memref<163840xf32, #tpu.memory_space<hbm>> -> memref<80xf32, #tpu.memory_space<hbm>>
          %dma_start3A_158 = tpu.memref_slice %arg6[%add3A_146] : memref<163840xf32, #tpu.memory_space<hbm>> -> memref<80xf32, #tpu.memory_space<hbm>>
          tpu.enqueue_dma source(%dma_start3A_158 : memref<80xf32, #tpu.memory_space<hbm>>) target(%arg15 : memref<80xf32, #tpu.memory_space<vmem>>) target_semaphore(%run_scoped3A : memref<!tpu.dma_semaphore, #tpu.memory_space<semaphore_mem>>)
          %dma_wait3A_159 = tpu.memref_slice %arg6[%add3A_146] : memref<163840xf32, #tpu.memory_space<hbm>> -> memref<80xf32, #tpu.memory_space<hbm>>
          %dma_wait3A_160 = tpu.memref_slice %arg6[%add3A_146] : memref<163840xf32, #tpu.memory_space<hbm>> -> memref<80xf32, #tpu.memory_space<hbm>>
          tpu.wait_dma2 semaphore(%run_scoped3A : memref<!tpu.dma_semaphore, #tpu.memory_space<semaphore_mem>>) src(%dma_wait3A_160 : memref<80xf32, #tpu.memory_space<hbm>>) dst(%arg15 : memref<80xf32, #tpu.memory_space<vmem>>)
          tpu.yield
        }) : () -> ()
        %eq3A_147 = arith.constant 0 : i32
        %eq3A_148 = arith.cmpi eq, %arg0, %eq3A_147 : i32
        %convert_element_type3A_149 = arith.extui %eq3A_148 : i1 to i32
        %cond3A_150 = arith.constant 0 : i32
        %cond3A_151 = arith.cmpi ne, %convert_element_type3A_149, %cond3A_150 : i32
        scf.if %cond3A_151 {
          %dma_start3A_157 = arith.constant 0 : i32
          %dma_start3A_158 = arith.constant 0 : i32
          %dma_start3A_159 = tpu.memref_slice %arg2[%dma_start3A_157, %dma_start3A_158] : memref<10000x128xf32, #tpu.memory_space<hbm>> -> memref<10000x128xf32, #tpu.memory_space<hbm>>
          tpu.enqueue_indirect_dma source(%dma_start3A_159 : memref<10000x128xf32, #tpu.memory_space<hbm>>) target(%arg17 : memref<80x128xf32, #tpu.memory_space<vmem>>) offsets(%arg11 : memref<80xi32, #tpu.memory_space<vmem>>) semaphore(%arg19 : memref<!tpu.dma_semaphore, #tpu.memory_space<semaphore_mem>>)
        } else {
        }
        %eq3A_152 = arith.constant 1 : i32
        %eq3A_153 = arith.cmpi eq, %arg0, %eq3A_152 : i32
        %convert_element_type3A_154 = arith.extui %eq3A_153 : i1 to i32
        %cond3A_155 = arith.constant 0 : i32
        %cond3A_156 = arith.cmpi ne, %convert_element_type3A_154, %cond3A_155 : i32
        scf.if %cond3A_156 {
          %dma_start3A_157 = arith.constant 0 : i32
          %dma_start3A_158 = arith.constant 0 : i32
          %dma_start3A_159 = tpu.memref_slice %arg3[%dma_start3A_157, %dma_start3A_158] : memref<10000x128xf32, #tpu.memory_space<hbm>> -> memref<10000x128xf32, #tpu.memory_space<hbm>>
          tpu.enqueue_indirect_dma source(%dma_start3A_159 : memref<10000x128xf32, #tpu.memory_space<hbm>>) target(%arg17 : memref<80x128xf32, #tpu.memory_space<vmem>>) offsets(%arg11 : memref<80xi32, #tpu.memory_space<vmem>>) semaphore(%arg19 : memref<!tpu.dma_semaphore, #tpu.memory_space<semaphore_mem>>)
        } else {
        }
      } else {
      }
      %dma_wait3A_96 = arith.constant 0 : i32
      %dma_wait3A_97 = arith.constant 0 : i32
      %dma_wait3A_98 = tpu.memref_slice %arg2[%dma_wait3A_96, %dma_wait3A_97] : memref<10000x128xf32, #tpu.memory_space<hbm>> -> memref<80x128xf32, #tpu.memory_space<hbm>>
      %dma_wait3A_99 = arith.constant 0 : i32
      %dma_wait3A_100 = arith.constant 0 : i32
      %dma_wait3A_101 = tpu.memref_slice %arg2[%dma_wait3A_99, %dma_wait3A_100] : memref<10000x128xf32, #tpu.memory_space<hbm>> -> memref<80x128xf32, #tpu.memory_space<hbm>>
      tpu.wait_dma2 semaphore(%arg18 : memref<!tpu.dma_semaphore, #tpu.memory_space<semaphore_mem>>) src(%dma_wait3A_101 : memref<80x128xf32, #tpu.memory_space<hbm>>) dst(%arg16 : memref<80x128xf32, #tpu.memory_space<vmem>>)
      %scan3A_102 = arith.constant 0 : i32
      %scan3A_103 = arith.constant 0 : i32
      %scan3A_104 = arith.constant 80 : i32
      %scan3A_105 = arith.addi %scan3A_103, %scan3A_104 : i32
      %scan3A_106 = arith.constant 1 : i32
      scf.for %scan3A_136 = %scan3A_103 to %scan3A_105 step %scan3A_106  : i32 {
        %get3A = arith.index_cast %scan3A_136 : i32 to index
        %get3A_137 = tpu.vector_load %arg14[%get3A] {strides = array<i32>} : memref<80xf32, #tpu.memory_space<vmem>>, vector<1xf32>,
        %get3A_138 = vector.shape_cast %get3A_137 : vector<1xf32> to vector<1xf32>
        %squeeze3A = vector.extract %get3A_138[0] : f32 from vector<1xf32>
        %get3A_139 = arith.index_cast %scan3A_136 : i32 to index
        %get3A_140 = arith.constant 0 : index
        %get3A_141 = tpu.vector_load %arg16[%get3A_139, %get3A_140] {strides = array<i32>} : memref<80x128xf32, #tpu.memory_space<vmem>>, vector<1x16xf32>,
        %get3A_142 = vector.shape_cast %get3A_141 : vector<1x16xf32> to vector<16xf32>
        %mul3A_143 = vector.broadcast %squeeze3A : f32 to vector<16xf32>
        %mul3A_144 = arith.mulf %get3A_142, %mul3A_143 : vector<16xf32>
        %swap3A = arith.index_cast %scan3A_136 : i32 to index
        %swap3A_145 = arith.constant 0 : index
        %swap3A_146 = tpu.vector_load %arg16[%swap3A, %swap3A_145] {strides = array<i32>} : memref<80x128xf32, #tpu.memory_space<vmem>>, vector<1x16xf32>,
        %swap3A_147 = vector.shape_cast %swap3A_146 : vector<1x16xf32> to vector<16xf32>
        %swap3A_148 = vector.shape_cast %mul3A_144 : vector<16xf32> to vector<1x16xf32>
        tpu.vector_store %arg16[%swap3A, %swap3A_145], %swap3A_148 {strides = array<i32>} : memref<80x128xf32, #tpu.memory_space<vmem>>, vector<1x16xf32>,
        %get3A_149 = arith.index_cast %scan3A_136 : i32 to index
        %get3A_150 = arith.constant 16 : index
        %get3A_151 = tpu.vector_load %arg16[%get3A_149, %get3A_150] {strides = array<i32>} : memref<80x128xf32, #tpu.memory_space<vmem>>, vector<1x16xf32>,
        %get3A_152 = vector.shape_cast %get3A_151 : vector<1x16xf32> to vector<16xf32>
        %mul3A_153 = vector.broadcast %squeeze3A : f32 to vector<16xf32>
        %mul3A_154 = arith.mulf %get3A_152, %mul3A_153 : vector<16xf32>
        %swap3A_155 = arith.index_cast %scan3A_136 : i32 to index
        %swap3A_156 = arith.constant 16 : index
        %swap3A_157 = tpu.vector_load %arg16[%swap3A_155, %swap3A_156] {strides = array<i32>} : memref<80x128xf32, #tpu.memory_space<vmem>>, vector<1x16xf32>,
        %swap3A_158 = vector.shape_cast %swap3A_157 : vector<1x16xf32> to vector<16xf32>
        %swap3A_159 = vector.shape_cast %mul3A_154 : vector<16xf32> to vector<1x16xf32>
        tpu.vector_store %arg16[%swap3A_155, %swap3A_156], %swap3A_159 {strides = array<i32>} : memref<80x128xf32, #tpu.memory_space<vmem>>, vector<1x16xf32>,
        %get3A_160 = arith.index_cast %scan3A_136 : i32 to index
        %get3A_161 = arith.constant 32 : index
        %get3A_162 = tpu.vector_load %arg16[%get3A_160, %get3A_161] {strides = array<i32>} : memref<80x128xf32, #tpu.memory_space<vmem>>, vector<1x16xf32>,
        %get3A_163 = vector.shape_cast %get3A_162 : vector<1x16xf32> to vector<16xf32>
        %mul3A_164 = vector.broadcast %squeeze3A : f32 to vector<16xf32>
        %mul3A_165 = arith.mulf %get3A_163, %mul3A_164 : vector<16xf32>
        %swap3A_166 = arith.index_cast %scan3A_136 : i32 to index
        %swap3A_167 = arith.constant 32 : index
        %swap3A_168 = tpu.vector_load %arg16[%swap3A_166, %swap3A_167] {strides = array<i32>} : memref<80x128xf32, #tpu.memory_space<vmem>>, vector<1x16xf32>,
        %swap3A_169 = vector.shape_cast %swap3A_168 : vector<1x16xf32> to vector<16xf32>
        %swap3A_170 = vector.shape_cast %mul3A_165 : vector<16xf32> to vector<1x16xf32>
        tpu.vector_store %arg16[%swap3A_166, %swap3A_167], %swap3A_170 {strides = array<i32>} : memref<80x128xf32, #tpu.memory_space<vmem>>, vector<1x16xf32>,
        %get3A_171 = arith.index_cast %scan3A_136 : i32 to index
        %get3A_172 = arith.constant 48 : index
        %get3A_173 = tpu.vector_load %arg16[%get3A_171, %get3A_172] {strides = array<i32>} : memref<80x128xf32, #tpu.memory_space<vmem>>, vector<1x16xf32>,
        %get3A_174 = vector.shape_cast %get3A_173 : vector<1x16xf32> to vector<16xf32>
        %mul3A_175 = vector.broadcast %squeeze3A : f32 to vector<16xf32>
        %mul3A_176 = arith.mulf %get3A_174, %mul3A_175 : vector<16xf32>
        %swap3A_177 = arith.index_cast %scan3A_136 : i32 to index
        %swap3A_178 = arith.constant 48 : index
        %swap3A_179 = tpu.vector_load %arg16[%swap3A_177, %swap3A_178] {strides = array<i32>} : memref<80x128xf32, #tpu.memory_space<vmem>>, vector<1x16xf32>,
        %swap3A_180 = vector.shape_cast %swap3A_179 : vector<1x16xf32> to vector<16xf32>
        %swap3A_181 = vector.shape_cast %mul3A_176 : vector<16xf32> to vector<1x16xf32>
        tpu.vector_store %arg16[%swap3A_177, %swap3A_178], %swap3A_181 {strides = array<i32>} : memref<80x128xf32, #tpu.memory_space<vmem>>, vector<1x16xf32>,
        %get3A_182 = arith.index_cast %scan3A_136 : i32 to index
        %get3A_183 = arith.constant 64 : index
        %get3A_184 = tpu.vector_load %arg16[%get3A_182, %get3A_183] {strides = array<i32>} : memref<80x128xf32, #tpu.memory_space<vmem>>, vector<1x16xf32>,
        %get3A_185 = vector.shape_cast %get3A_184 : vector<1x16xf32> to vector<16xf32>
        %mul3A_186 = vector.broadcast %squeeze3A : f32 to vector<16xf32>
        %mul3A_187 = arith.mulf %get3A_185, %mul3A_186 : vector<16xf32>
        %swap3A_188 = arith.index_cast %scan3A_136 : i32 to index
        %swap3A_189 = arith.constant 64 : index
        %swap3A_190 = tpu.vector_load %arg16[%swap3A_188, %swap3A_189] {strides = array<i32>} : memref<80x128xf32, #tpu.memory_space<vmem>>, vector<1x16xf32>,
        %swap3A_191 = vector.shape_cast %swap3A_190 : vector<1x16xf32> to vector<16xf32>
        %swap3A_192 = vector.shape_cast %mul3A_187 : vector<16xf32> to vector<1x16xf32>
        tpu.vector_store %arg16[%swap3A_188, %swap3A_189], %swap3A_192 {strides = array<i32>} : memref<80x128xf32, #tpu.memory_space<vmem>>, vector<1x16xf32>,
        %get3A_193 = arith.index_cast %scan3A_136 : i32 to index
        %get3A_194 = arith.constant 80 : index
        %get3A_195 = tpu.vector_load %arg16[%get3A_193, %get3A_194] {strides = array<i32>} : memref<80x128xf32, #tpu.memory_space<vmem>>, vector<1x16xf32>,
        %get3A_196 = vector.shape_cast %get3A_195 : vector<1x16xf32> to vector<16xf32>
        %mul3A_197 = vector.broadcast %squeeze3A : f32 to vector<16xf32>
        %mul3A_198 = arith.mulf %get3A_196, %mul3A_197 : vector<16xf32>
        %swap3A_199 = arith.index_cast %scan3A_136 : i32 to index
        %swap3A_200 = arith.constant 80 : index
        %swap3A_201 = tpu.vector_load %arg16[%swap3A_199, %swap3A_200] {strides = array<i32>} : memref<80x128xf32, #tpu.memory_space<vmem>>, vector<1x16xf32>,
        %swap3A_202 = vector.shape_cast %swap3A_201 : vector<1x16xf32> to vector<16xf32>
        %swap3A_203 = vector.shape_cast %mul3A_198 : vector<16xf32> to vector<1x16xf32>
        tpu.vector_store %arg16[%swap3A_199, %swap3A_200], %swap3A_203 {strides = array<i32>} : memref<80x128xf32, #tpu.memory_space<vmem>>, vector<1x16xf32>,
        %get3A_204 = arith.index_cast %scan3A_136 : i32 to index
        %get3A_205 = arith.constant 96 : index
        %get3A_206 = tpu.vector_load %arg16[%get3A_204, %get3A_205] {strides = array<i32>} : memref<80x128xf32, #tpu.memory_space<vmem>>, vector<1x16xf32>,
        %get3A_207 = vector.shape_cast %get3A_206 : vector<1x16xf32> to vector<16xf32>
        %mul3A_208 = vector.broadcast %squeeze3A : f32 to vector<16xf32>
        %mul3A_209 = arith.mulf %get3A_207, %mul3A_208 : vector<16xf32>
        %swap3A_210 = arith.index_cast %scan3A_136 : i32 to index
        %swap3A_211 = arith.constant 96 : index
        %swap3A_212 = tpu.vector_load %arg16[%swap3A_210, %swap3A_211] {strides = array<i32>} : memref<80x128xf32, #tpu.memory_space<vmem>>, vector<1x16xf32>,
        %swap3A_213 = vector.shape_cast %swap3A_212 : vector<1x16xf32> to vector<16xf32>
        %swap3A_214 = vector.shape_cast %mul3A_209 : vector<16xf32> to vector<1x16xf32>
        tpu.vector_store %arg16[%swap3A_210, %swap3A_211], %swap3A_214 {strides = array<i32>} : memref<80x128xf32, #tpu.memory_space<vmem>>, vector<1x16xf32>,
        %get3A_215 = arith.index_cast %scan3A_136 : i32 to index
        %get3A_216 = arith.constant 112 : index
        %get3A_217 = tpu.vector_load %arg16[%get3A_215, %get3A_216] {strides = array<i32>} : memref<80x128xf32, #tpu.memory_space<vmem>>, vector<1x16xf32>,
        %get3A_218 = vector.shape_cast %get3A_217 : vector<1x16xf32> to vector<16xf32>
        %mul3A_219 = vector.broadcast %squeeze3A : f32 to vector<16xf32>
        %mul3A_220 = arith.mulf %get3A_218, %mul3A_219 : vector<16xf32>
        %swap3A_221 = arith.index_cast %scan3A_136 : i32 to index
        %swap3A_222 = arith.constant 112 : index
        %swap3A_223 = tpu.vector_load %arg16[%swap3A_221, %swap3A_222] {strides = array<i32>} : memref<80x128xf32, #tpu.memory_space<vmem>>, vector<1x16xf32>,
        %swap3A_224 = vector.shape_cast %swap3A_223 : vector<1x16xf32> to vector<16xf32>
        %swap3A_225 = vector.shape_cast %mul3A_220 : vector<16xf32> to vector<1x16xf32>
        tpu.vector_store %arg16[%swap3A_221, %swap3A_222], %swap3A_225 {strides = array<i32>} : memref<80x128xf32, #tpu.memory_space<vmem>>, vector<1x16xf32>,
      }
      %scan3A_107 = arith.constant 80 : i32
      %dma_start3A = arith.constant 0 : i32
      %dma_start3A_108 = arith.constant 0 : i32
      %dma_start3A_109 = tpu.memref_slice %arg9[%dma_start3A, %dma_start3A_108] : memref<10000x128xf32, #tpu.memory_space<vmem_shared>> -> memref<10000x128xf32, #tpu.memory_space<vmem_shared>>
      tpu.enqueue_indirect_dma source(%arg16 : memref<80x128xf32, #tpu.memory_space<vmem>>) target(%dma_start3A_109 : memref<10000x128xf32, #tpu.memory_space<vmem_shared>>) offsets(%arg12 : memref<80xi32, #tpu.memory_space<vmem>>) semaphore(%arg20 : memref<!tpu.dma_semaphore, #tpu.memory_space<semaphore_mem>>) {add = true}
      %mul3A_110 = arith.constant 2 : i32
      %mul3A_111 = arith.muli %mul3A_110, %scan3A_86 : i32
      %add3A_112 = arith.constant 1 : i32
      %add3A_113 = arith.addi %mul3A_111, %add3A_112 : i32
      %add3A_114 = arith.constant 1 : i32
      %add3A_115 = arith.addi %add3A_113, %add3A_114 : i32
      %lt3A_116 = arith.constant 128 : i32
      %lt3A_117 = arith.cmpi slt, %add3A_115, %lt3A_116 : i32
      %convert_element_type3A_118 = arith.extui %lt3A_117 : i1 to i32
      %cond3A_119 = arith.constant 0 : i32
      %cond3A_120 = arith.cmpi ne, %convert_element_type3A_118, %cond3A_119 : i32
      scf.if %cond3A_120 {
        %add3A_136 = arith.constant 1 : i32
        %add3A_137 = arith.addi %add3A_113, %add3A_136 : i32
        %ge3A = arith.constant 2 : i32
        %ge3A_138 = arith.cmpi sge, %add3A_137, %ge3A : i32
        %convert_element_type3A_139 = arith.extui %ge3A_138 : i1 to i32
        %cond3A_140 = arith.constant 0 : i32
        %cond3A_141 = arith.cmpi ne, %convert_element_type3A_139, %cond3A_140 : i32
        scf.if %cond3A_141 {
          %dma_wait3A_157 = arith.constant 0 : i32
          %dma_wait3A_158 = arith.constant 0 : i32
          %dma_wait3A_159 = tpu.memref_slice %arg2[%dma_wait3A_157, %dma_wait3A_158] : memref<10000x128xf32, #tpu.memory_space<hbm>> -> memref<80x128xf32, #tpu.memory_space<hbm>>
          %dma_wait3A_160 = arith.constant 0 : i32
          %dma_wait3A_161 = arith.constant 0 : i32
          %dma_wait3A_162 = tpu.memref_slice %arg2[%dma_wait3A_160, %dma_wait3A_161] : memref<10000x128xf32, #tpu.memory_space<hbm>> -> memref<80x128xf32, #tpu.memory_space<hbm>>
          tpu.wait_dma2 semaphore(%arg20 : memref<!tpu.dma_semaphore, #tpu.memory_space<semaphore_mem>>) src(%dma_wait3A_162 : memref<80x128xf32, #tpu.memory_space<hbm>>) dst(%arg16 : memref<80x128xf32, #tpu.memory_space<vmem>>)
        } else {
        }
        %mul3A_142 = arith.constant 10240 : i32
        %mul3A_143 = arith.muli %arg1, %mul3A_142 : i32
        %mul3A_144 = arith.constant 80 : i32
        %mul3A_145 = arith.muli %add3A_137, %mul3A_144 : i32
        %add3A_146 = arith.addi %mul3A_143, %mul3A_145 : i32
        "tpu.region"() ({
          %run_scoped3A = tpu.sem_alloc : memref<!tpu.dma_semaphore, #tpu.memory_space<semaphore_mem>>
          %dma_start3A_157 = tpu.memref_slice %arg4[%add3A_146] : memref<163840xi32, #tpu.memory_space<hbm>> -> memref<80xi32, #tpu.memory_space<hbm>>
          %dma_start3A_158 = tpu.memref_slice %arg4[%add3A_146] : memref<163840xi32, #tpu.memory_space<hbm>> -> memref<80xi32, #tpu.memory_space<hbm>>
          tpu.enqueue_dma source(%dma_start3A_158 : memref<80xi32, #tpu.memory_space<hbm>>) target(%arg10 : memref<80xi32, #tpu.memory_space<vmem>>) target_semaphore(%run_scoped3A : memref<!tpu.dma_semaphore, #tpu.memory_space<semaphore_mem>>)
          %dma_wait3A_159 = tpu.memref_slice %arg4[%add3A_146] : memref<163840xi32, #tpu.memory_space<hbm>> -> memref<80xi32, #tpu.memory_space<hbm>>
          %dma_wait3A_160 = tpu.memref_slice %arg4[%add3A_146] : memref<163840xi32, #tpu.memory_space<hbm>> -> memref<80xi32, #tpu.memory_space<hbm>>
          tpu.wait_dma2 semaphore(%run_scoped3A : memref<!tpu.dma_semaphore, #tpu.memory_space<semaphore_mem>>) src(%dma_wait3A_160 : memref<80xi32, #tpu.memory_space<hbm>>) dst(%arg10 : memref<80xi32, #tpu.memory_space<vmem>>)
          tpu.yield
        }) : () -> ()
        "tpu.region"() ({
          %run_scoped3A = tpu.sem_alloc : memref<!tpu.dma_semaphore, #tpu.memory_space<semaphore_mem>>
          %dma_start3A_157 = tpu.memref_slice %arg5[%add3A_146] : memref<163840xi32, #tpu.memory_space<hbm>> -> memref<80xi32, #tpu.memory_space<hbm>>
          %dma_start3A_158 = tpu.memref_slice %arg5[%add3A_146] : memref<163840xi32, #tpu.memory_space<hbm>> -> memref<80xi32, #tpu.memory_space<hbm>>
          tpu.enqueue_dma source(%dma_start3A_158 : memref<80xi32, #tpu.memory_space<hbm>>) target(%arg12 : memref<80xi32, #tpu.memory_space<vmem>>) target_semaphore(%run_scoped3A : memref<!tpu.dma_semaphore, #tpu.memory_space<semaphore_mem>>)
          %dma_wait3A_159 = tpu.memref_slice %arg5[%add3A_146] : memref<163840xi32, #tpu.memory_space<hbm>> -> memref<80xi32, #tpu.memory_space<hbm>>
          %dma_wait3A_160 = tpu.memref_slice %arg5[%add3A_146] : memref<163840xi32, #tpu.memory_space<hbm>> -> memref<80xi32, #tpu.memory_space<hbm>>
          tpu.wait_dma2 semaphore(%run_scoped3A : memref<!tpu.dma_semaphore, #tpu.memory_space<semaphore_mem>>) src(%dma_wait3A_160 : memref<80xi32, #tpu.memory_space<hbm>>) dst(%arg12 : memref<80xi32, #tpu.memory_space<vmem>>)
          tpu.yield
        }) : () -> ()
        "tpu.region"() ({
          %run_scoped3A = tpu.sem_alloc : memref<!tpu.dma_semaphore, #tpu.memory_space<semaphore_mem>>
          %dma_start3A_157 = tpu.memref_slice %arg6[%add3A_146] : memref<163840xf32, #tpu.memory_space<hbm>> -> memref<80xf32, #tpu.memory_space<hbm>>
          %dma_start3A_158 = tpu.memref_slice %arg6[%add3A_146] : memref<163840xf32, #tpu.memory_space<hbm>> -> memref<80xf32, #tpu.memory_space<hbm>>
          tpu.enqueue_dma source(%dma_start3A_158 : memref<80xf32, #tpu.memory_space<hbm>>) target(%arg14 : memref<80xf32, #tpu.memory_space<vmem>>) target_semaphore(%run_scoped3A : memref<!tpu.dma_semaphore, #tpu.memory_space<semaphore_mem>>)
          %dma_wait3A_159 = tpu.memref_slice %arg6[%add3A_146] : memref<163840xf32, #tpu.memory_space<hbm>> -> memref<80xf32, #tpu.memory_space<hbm>>
          %dma_wait3A_160 = tpu.memref_slice %arg6[%add3A_146] : memref<163840xf32, #tpu.memory_space<hbm>> -> memref<80xf32, #tpu.memory_space<hbm>>
          tpu.wait_dma2 semaphore(%run_scoped3A : memref<!tpu.dma_semaphore, #tpu.memory_space<semaphore_mem>>) src(%dma_wait3A_160 : memref<80xf32, #tpu.memory_space<hbm>>) dst(%arg14 : memref<80xf32, #tpu.memory_space<vmem>>)
          tpu.yield
        }) : () -> ()
        %eq3A_147 = arith.constant 0 : i32
        %eq3A_148 = arith.cmpi eq, %arg0, %eq3A_147 : i32
        %convert_element_type3A_149 = arith.extui %eq3A_148 : i1 to i32
        %cond3A_150 = arith.constant 0 : i32
        %cond3A_151 = arith.cmpi ne, %convert_element_type3A_149, %cond3A_150 : i32
        scf.if %cond3A_151 {
          %dma_start3A_157 = arith.constant 0 : i32
          %dma_start3A_158 = arith.constant 0 : i32
          %dma_start3A_159 = tpu.memref_slice %arg2[%dma_start3A_157, %dma_start3A_158] : memref<10000x128xf32, #tpu.memory_space<hbm>> -> memref<10000x128xf32, #tpu.memory_space<hbm>>
          tpu.enqueue_indirect_dma source(%dma_start3A_159 : memref<10000x128xf32, #tpu.memory_space<hbm>>) target(%arg16 : memref<80x128xf32, #tpu.memory_space<vmem>>) offsets(%arg10 : memref<80xi32, #tpu.memory_space<vmem>>) semaphore(%arg18 : memref<!tpu.dma_semaphore, #tpu.memory_space<semaphore_mem>>)
        } else {
        }
        %eq3A_152 = arith.constant 1 : i32
        %eq3A_153 = arith.cmpi eq, %arg0, %eq3A_152 : i32
        %convert_element_type3A_154 = arith.extui %eq3A_153 : i1 to i32
        %cond3A_155 = arith.constant 0 : i32
        %cond3A_156 = arith.cmpi ne, %convert_element_type3A_154, %cond3A_155 : i32
        scf.if %cond3A_156 {
          %dma_start3A_157 = arith.constant 0 : i32
          %dma_start3A_158 = arith.constant 0 : i32
          %dma_start3A_159 = tpu.memref_slice %arg3[%dma_start3A_157, %dma_start3A_158] : memref<10000x128xf32, #tpu.memory_space<hbm>> -> memref<10000x128xf32, #tpu.memory_space<hbm>>
          tpu.enqueue_indirect_dma source(%dma_start3A_159 : memref<10000x128xf32, #tpu.memory_space<hbm>>) target(%arg16 : memref<80x128xf32, #tpu.memory_space<vmem>>) offsets(%arg10 : memref<80xi32, #tpu.memory_space<vmem>>) semaphore(%arg18 : memref<!tpu.dma_semaphore, #tpu.memory_space<semaphore_mem>>)
        } else {
        }
      } else {
      }
      %dma_wait3A_121 = arith.constant 0 : i32
      %dma_wait3A_122 = arith.constant 0 : i32
      %dma_wait3A_123 = tpu.memref_slice %arg2[%dma_wait3A_121, %dma_wait3A_122] : memref<10000x128xf32, #tpu.memory_space<hbm>> -> memref<80x128xf32, #tpu.memory_space<hbm>>
      %dma_wait3A_124 = arith.constant 0 : i32
      %dma_wait3A_125 = arith.constant 0 : i32
      %dma_wait3A_126 = tpu.memref_slice %arg2[%dma_wait3A_124, %dma_wait3A_125] : memref<10000x128xf32, #tpu.memory_space<hbm>> -> memref<80x128xf32, #tpu.memory_space<hbm>>
      tpu.wait_dma2 semaphore(%arg19 : memref<!tpu.dma_semaphore, #tpu.memory_space<semaphore_mem>>) src(%dma_wait3A_126 : memref<80x128xf32, #tpu.memory_space<hbm>>) dst(%arg17 : memref<80x128xf32, #tpu.memory_space<vmem>>)
      %scan3A_127 = arith.constant 0 : i32
      %scan3A_128 = arith.constant 0 : i32
      %scan3A_129 = arith.constant 80 : i32
      %scan3A_130 = arith.addi %scan3A_128, %scan3A_129 : i32
      %scan3A_131 = arith.constant 1 : i32
      scf.for %scan3A_136 = %scan3A_128 to %scan3A_130 step %scan3A_131  : i32 {
        %get3A = arith.index_cast %scan3A_136 : i32 to index
        %get3A_137 = tpu.vector_load %arg15[%get3A] {strides = array<i32>} : memref<80xf32, #tpu.memory_space<vmem>>, vector<1xf32>,
        %get3A_138 = vector.shape_cast %get3A_137 : vector<1xf32> to vector<1xf32>
        %squeeze3A = vector.extract %get3A_138[0] : f32 from vector<1xf32>
        %get3A_139 = arith.index_cast %scan3A_136 : i32 to index
        %get3A_140 = arith.constant 0 : index
        %get3A_141 = tpu.vector_load %arg17[%get3A_139, %get3A_140] {strides = array<i32>} : memref<80x128xf32, #tpu.memory_space<vmem>>, vector<1x16xf32>,
        %get3A_142 = vector.shape_cast %get3A_141 : vector<1x16xf32> to vector<16xf32>
        %mul3A_143 = vector.broadcast %squeeze3A : f32 to vector<16xf32>
        %mul3A_144 = arith.mulf %get3A_142, %mul3A_143 : vector<16xf32>
        %swap3A = arith.index_cast %scan3A_136 : i32 to index
        %swap3A_145 = arith.constant 0 : index
        %swap3A_146 = tpu.vector_load %arg17[%swap3A, %swap3A_145] {strides = array<i32>} : memref<80x128xf32, #tpu.memory_space<vmem>>, vector<1x16xf32>,
        %swap3A_147 = vector.shape_cast %swap3A_146 : vector<1x16xf32> to vector<16xf32>
        %swap3A_148 = vector.shape_cast %mul3A_144 : vector<16xf32> to vector<1x16xf32>
        tpu.vector_store %arg17[%swap3A, %swap3A_145], %swap3A_148 {strides = array<i32>} : memref<80x128xf32, #tpu.memory_space<vmem>>, vector<1x16xf32>,
        %get3A_149 = arith.index_cast %scan3A_136 : i32 to index
        %get3A_150 = arith.constant 16 : index
        %get3A_151 = tpu.vector_load %arg17[%get3A_149, %get3A_150] {strides = array<i32>} : memref<80x128xf32, #tpu.memory_space<vmem>>, vector<1x16xf32>,
        %get3A_152 = vector.shape_cast %get3A_151 : vector<1x16xf32> to vector<16xf32>
        %mul3A_153 = vector.broadcast %squeeze3A : f32 to vector<16xf32>
        %mul3A_154 = arith.mulf %get3A_152, %mul3A_153 : vector<16xf32>
        %swap3A_155 = arith.index_cast %scan3A_136 : i32 to index
        %swap3A_156 = arith.constant 16 : index
        %swap3A_157 = tpu.vector_load %arg17[%swap3A_155, %swap3A_156] {strides = array<i32>} : memref<80x128xf32, #tpu.memory_space<vmem>>, vector<1x16xf32>,
        %swap3A_158 = vector.shape_cast %swap3A_157 : vector<1x16xf32> to vector<16xf32>
        %swap3A_159 = vector.shape_cast %mul3A_154 : vector<16xf32> to vector<1x16xf32>
        tpu.vector_store %arg17[%swap3A_155, %swap3A_156], %swap3A_159 {strides = array<i32>} : memref<80x128xf32, #tpu.memory_space<vmem>>, vector<1x16xf32>,
        %get3A_160 = arith.index_cast %scan3A_136 : i32 to index
        %get3A_161 = arith.constant 32 : index
        %get3A_162 = tpu.vector_load %arg17[%get3A_160, %get3A_161] {strides = array<i32>} : memref<80x128xf32, #tpu.memory_space<vmem>>, vector<1x16xf32>,
        %get3A_163 = vector.shape_cast %get3A_162 : vector<1x16xf32> to vector<16xf32>
        %mul3A_164 = vector.broadcast %squeeze3A : f32 to vector<16xf32>
        %mul3A_165 = arith.mulf %get3A_163, %mul3A_164 : vector<16xf32>
        %swap3A_166 = arith.index_cast %scan3A_136 : i32 to index
        %swap3A_167 = arith.constant 32 : index
        %swap3A_168 = tpu.vector_load %arg17[%swap3A_166, %swap3A_167] {strides = array<i32>} : memref<80x128xf32, #tpu.memory_space<vmem>>, vector<1x16xf32>,
        %swap3A_169 = vector.shape_cast %swap3A_168 : vector<1x16xf32> to vector<16xf32>
        %swap3A_170 = vector.shape_cast %mul3A_165 : vector<16xf32> to vector<1x16xf32>
        tpu.vector_store %arg17[%swap3A_166, %swap3A_167], %swap3A_170 {strides = array<i32>} : memref<80x128xf32, #tpu.memory_space<vmem>>, vector<1x16xf32>,
        %get3A_171 = arith.index_cast %scan3A_136 : i32 to index
        %get3A_172 = arith.constant 48 : index
        %get3A_173 = tpu.vector_load %arg17[%get3A_171, %get3A_172] {strides = array<i32>} : memref<80x128xf32, #tpu.memory_space<vmem>>, vector<1x16xf32>,
        %get3A_174 = vector.shape_cast %get3A_173 : vector<1x16xf32> to vector<16xf32>
        %mul3A_175 = vector.broadcast %squeeze3A : f32 to vector<16xf32>
        %mul3A_176 = arith.mulf %get3A_174, %mul3A_175 : vector<16xf32>
        %swap3A_177 = arith.index_cast %scan3A_136 : i32 to index
        %swap3A_178 = arith.constant 48 : index
        %swap3A_179 = tpu.vector_load %arg17[%swap3A_177, %swap3A_178] {strides = array<i32>} : memref<80x128xf32, #tpu.memory_space<vmem>>, vector<1x16xf32>,
        %swap3A_180 = vector.shape_cast %swap3A_179 : vector<1x16xf32> to vector<16xf32>
        %swap3A_181 = vector.shape_cast %mul3A_176 : vector<16xf32> to vector<1x16xf32>
        tpu.vector_store %arg17[%swap3A_177, %swap3A_178], %swap3A_181 {strides = array<i32>} : memref<80x128xf32, #tpu.memory_space<vmem>>, vector<1x16xf32>,
        %get3A_182 = arith.index_cast %scan3A_136 : i32 to index
        %get3A_183 = arith.constant 64 : index
        %get3A_184 = tpu.vector_load %arg17[%get3A_182, %get3A_183] {strides = array<i32>} : memref<80x128xf32, #tpu.memory_space<vmem>>, vector<1x16xf32>,
        %get3A_185 = vector.shape_cast %get3A_184 : vector<1x16xf32> to vector<16xf32>
        %mul3A_186 = vector.broadcast %squeeze3A : f32 to vector<16xf32>
        %mul3A_187 = arith.mulf %get3A_185, %mul3A_186 : vector<16xf32>
        %swap3A_188 = arith.index_cast %scan3A_136 : i32 to index
        %swap3A_189 = arith.constant 64 : index
        %swap3A_190 = tpu.vector_load %arg17[%swap3A_188, %swap3A_189] {strides = array<i32>} : memref<80x128xf32, #tpu.memory_space<vmem>>, vector<1x16xf32>,
        %swap3A_191 = vector.shape_cast %swap3A_190 : vector<1x16xf32> to vector<16xf32>
        %swap3A_192 = vector.shape_cast %mul3A_187 : vector<16xf32> to vector<1x16xf32>
        tpu.vector_store %arg17[%swap3A_188, %swap3A_189], %swap3A_192 {strides = array<i32>} : memref<80x128xf32, #tpu.memory_space<vmem>>, vector<1x16xf32>,
        %get3A_193 = arith.index_cast %scan3A_136 : i32 to index
        %get3A_194 = arith.constant 80 : index
        %get3A_195 = tpu.vector_load %arg17[%get3A_193, %get3A_194] {strides = array<i32>} : memref<80x128xf32, #tpu.memory_space<vmem>>, vector<1x16xf32>,
        %get3A_196 = vector.shape_cast %get3A_195 : vector<1x16xf32> to vector<16xf32>
        %mul3A_197 = vector.broadcast %squeeze3A : f32 to vector<16xf32>
        %mul3A_198 = arith.mulf %get3A_196, %mul3A_197 : vector<16xf32>
        %swap3A_199 = arith.index_cast %scan3A_136 : i32 to index
        %swap3A_200 = arith.constant 80 : index
        %swap3A_201 = tpu.vector_load %arg17[%swap3A_199, %swap3A_200] {strides = array<i32>} : memref<80x128xf32, #tpu.memory_space<vmem>>, vector<1x16xf32>,
        %swap3A_202 = vector.shape_cast %swap3A_201 : vector<1x16xf32> to vector<16xf32>
        %swap3A_203 = vector.shape_cast %mul3A_198 : vector<16xf32> to vector<1x16xf32>
        tpu.vector_store %arg17[%swap3A_199, %swap3A_200], %swap3A_203 {strides = array<i32>} : memref<80x128xf32, #tpu.memory_space<vmem>>, vector<1x16xf32>,
        %get3A_204 = arith.index_cast %scan3A_136 : i32 to index
        %get3A_205 = arith.constant 96 : index
        %get3A_206 = tpu.vector_load %arg17[%get3A_204, %get3A_205] {strides = array<i32>} : memref<80x128xf32, #tpu.memory_space<vmem>>, vector<1x16xf32>,
        %get3A_207 = vector.shape_cast %get3A_206 : vector<1x16xf32> to vector<16xf32>
        %mul3A_208 = vector.broadcast %squeeze3A : f32 to vector<16xf32>
        %mul3A_209 = arith.mulf %get3A_207, %mul3A_208 : vector<16xf32>
        %swap3A_210 = arith.index_cast %scan3A_136 : i32 to index
        %swap3A_211 = arith.constant 96 : index
        %swap3A_212 = tpu.vector_load %arg17[%swap3A_210, %swap3A_211] {strides = array<i32>} : memref<80x128xf32, #tpu.memory_space<vmem>>, vector<1x16xf32>,
        %swap3A_213 = vector.shape_cast %swap3A_212 : vector<1x16xf32> to vector<16xf32>
        %swap3A_214 = vector.shape_cast %mul3A_209 : vector<16xf32> to vector<1x16xf32>
        tpu.vector_store %arg17[%swap3A_210, %swap3A_211], %swap3A_214 {strides = array<i32>} : memref<80x128xf32, #tpu.memory_space<vmem>>, vector<1x16xf32>,
        %get3A_215 = arith.index_cast %scan3A_136 : i32 to index
        %get3A_216 = arith.constant 112 : index
        %get3A_217 = tpu.vector_load %arg17[%get3A_215, %get3A_216] {strides = array<i32>} : memref<80x128xf32, #tpu.memory_space<vmem>>, vector<1x16xf32>,
        %get3A_218 = vector.shape_cast %get3A_217 : vector<1x16xf32> to vector<16xf32>
        %mul3A_219 = vector.broadcast %squeeze3A : f32 to vector<16xf32>
        %mul3A_220 = arith.mulf %get3A_218, %mul3A_219 : vector<16xf32>
        %swap3A_221 = arith.index_cast %scan3A_136 : i32 to index
        %swap3A_222 = arith.constant 112 : index
        %swap3A_223 = tpu.vector_load %arg17[%swap3A_221, %swap3A_222] {strides = array<i32>} : memref<80x128xf32, #tpu.memory_space<vmem>>, vector<1x16xf32>,
        %swap3A_224 = vector.shape_cast %swap3A_223 : vector<1x16xf32> to vector<16xf32>
        %swap3A_225 = vector.shape_cast %mul3A_220 : vector<16xf32> to vector<1x16xf32>
        tpu.vector_store %arg17[%swap3A_221, %swap3A_222], %swap3A_225 {strides = array<i32>} : memref<80x128xf32, #tpu.memory_space<vmem>>, vector<1x16xf32>,
      }
      %scan3A_132 = arith.constant 80 : i32
      %dma_start3A_133 = arith.constant 0 : i32
      %dma_start3A_134 = arith.constant 0 : i32
      %dma_start3A_135 = tpu.memref_slice %arg9[%dma_start3A_133, %dma_start3A_134] : memref<10000x128xf32, #tpu.memory_space<vmem_shared>> -> memref<10000x128xf32, #tpu.memory_space<vmem_shared>>
      tpu.enqueue_indirect_dma source(%arg17 : memref<80x128xf32, #tpu.memory_space<vmem>>) target(%dma_start3A_135 : memref<10000x128xf32, #tpu.memory_space<vmem_shared>>) offsets(%arg13 : memref<80xi32, #tpu.memory_space<vmem>>) semaphore(%arg21 : memref<!tpu.dma_semaphore, #tpu.memory_space<semaphore_mem>>) {add = true}
    }
    %scan3A_42 = arith.constant 64 : i32
    %dma_wait3A = arith.constant 0 : i32
    %dma_wait3A_43 = arith.constant 0 : i32
    %dma_wait3A_44 = tpu.memref_slice %arg2[%dma_wait3A, %dma_wait3A_43] : memref<10000x128xf32, #tpu.memory_space<hbm>> -> memref<80x128xf32, #tpu.memory_space<hbm>>
    %dma_wait3A_45 = arith.constant 0 : i32
    %dma_wait3A_46 = arith.constant 0 : i32
    %dma_wait3A_47 = tpu.memref_slice %arg2[%dma_wait3A_45, %dma_wait3A_46] : memref<10000x128xf32, #tpu.memory_space<hbm>> -> memref<80x128xf32, #tpu.memory_space<hbm>>
    tpu.wait_dma2 semaphore(%arg20 : memref<!tpu.dma_semaphore, #tpu.memory_space<semaphore_mem>>) src(%dma_wait3A_47 : memref<80x128xf32, #tpu.memory_space<hbm>>) dst(%arg16 : memref<80x128xf32, #tpu.memory_space<vmem>>)
    %dma_wait3A_48 = arith.constant 0 : i32
    %dma_wait3A_49 = arith.constant 0 : i32
    %dma_wait3A_50 = tpu.memref_slice %arg2[%dma_wait3A_48, %dma_wait3A_49] : memref<10000x128xf32, #tpu.memory_space<hbm>> -> memref<80x128xf32, #tpu.memory_space<hbm>>
    %dma_wait3A_51 = arith.constant 0 : i32
    %dma_wait3A_52 = arith.constant 0 : i32
    %dma_wait3A_53 = tpu.memref_slice %arg2[%dma_wait3A_51, %dma_wait3A_52] : memref<10000x128xf32, #tpu.memory_space<hbm>> -> memref<80x128xf32, #tpu.memory_space<hbm>>
    tpu.wait_dma2 semaphore(%arg21 : memref<!tpu.dma_semaphore, #tpu.memory_space<semaphore_mem>>) src(%dma_wait3A_53 : memref<80x128xf32, #tpu.memory_space<hbm>>) dst(%arg17 : memref<80x128xf32, #tpu.memory_space<vmem>>)
    %barrier3A_54 = arith.constant 0 : index
    tpu.barrier barrier_id(%barrier3A_54)
    %eq3A_55 = arith.constant 0 : i32
    %eq3A_56 = arith.cmpi eq, %arg0, %eq3A_55 : i32
    %lt3A_57 = arith.constant 15 : i32
    %lt3A_58 = arith.cmpi slt, %arg1, %lt3A_57 : i32
    %and3A = arith.andi %eq3A_56, %lt3A_58 : i1
    %convert_element_type3A_59 = arith.extui %and3A : i1 to i32
    %cond3A_60 = arith.constant 0 : i32
    %cond3A_61 = arith.cmpi ne, %convert_element_type3A_59, %cond3A_60 : i32
    scf.if %cond3A_61 {
      "tpu.region"() ({
        %run_scoped3A = tpu.sem_alloc : memref<!tpu.dma_semaphore, #tpu.memory_space<semaphore_mem>>
        %dma_start3A = arith.constant 0 : i32
        %dma_start3A_86 = tpu.memref_slice %arg7[%multiple_of3A, %dma_start3A] : memref<10000x128xf32, #tpu.memory_space<hbm>> -> memref<632x128xf32, #tpu.memory_space<hbm>>
        %dma_start3A_87 = arith.constant 0 : i32
        %dma_start3A_88 = tpu.memref_slice %arg9[%multiple_of3A, %dma_start3A_87] : memref<10000x128xf32, #tpu.memory_space<vmem_shared>> -> memref<632x128xf32, #tpu.memory_space<vmem_shared>>
        tpu.enqueue_dma source(%dma_start3A_88 : memref<632x128xf32, #tpu.memory_space<vmem_shared>>) target(%dma_start3A_86 : memref<632x128xf32, #tpu.memory_space<hbm>>) target_semaphore(%run_scoped3A : memref<!tpu.dma_semaphore, #tpu.memory_space<semaphore_mem>>)
        %dma_wait3A_89 = arith.constant 0 : i32
        %dma_wait3A_90 = tpu.memref_slice %arg7[%multiple_of3A, %dma_wait3A_89] : memref<10000x128xf32, #tpu.memory_space<hbm>> -> memref<632x128xf32, #tpu.memory_space<hbm>>
        %dma_wait3A_91 = arith.constant 0 : i32
        %dma_wait3A_92 = tpu.memref_slice %arg9[%multiple_of3A, %dma_wait3A_91] : memref<10000x128xf32, #tpu.memory_space<vmem_shared>> -> memref<632x128xf32, #tpu.memory_space<vmem_shared>>
        tpu.wait_dma2 semaphore(%run_scoped3A : memref<!tpu.dma_semaphore, #tpu.memory_space<semaphore_mem>>) src(%dma_wait3A_92 : memref<632x128xf32, #tpu.memory_space<vmem_shared>>) dst(%dma_wait3A_90 : memref<632x128xf32, #tpu.memory_space<hbm>>)
        tpu.yield
      }) : () -> ()
    } else {
    }
    %eq3A_62 = arith.constant 0 : i32
    %eq3A_63 = arith.cmpi eq, %arg0, %eq3A_62 : i32
    %eq3A_64 = arith.constant 15 : i32
    %eq3A_65 = arith.cmpi eq, %arg1, %eq3A_64 : i32
    %and3A_66 = arith.andi %eq3A_63, %eq3A_65 : i1
    %convert_element_type3A_67 = arith.extui %and3A_66 : i1 to i32
    %cond3A_68 = arith.constant 0 : i32
    %cond3A_69 = arith.cmpi ne, %convert_element_type3A_67, %cond3A_68 : i32
    scf.if %cond3A_69 {
      "tpu.region"() ({
        %run_scoped3A = tpu.sem_alloc : memref<!tpu.dma_semaphore, #tpu.memory_space<semaphore_mem>>
        %dma_start3A = arith.constant 9480 : i32
        %dma_start3A_86 = arith.constant 0 : i32
        %dma_start3A_87 = tpu.memref_slice %arg7[%dma_start3A, %dma_start3A_86] : memref<10000x128xf32, #tpu.memory_space<hbm>> -> memref<520x128xf32, #tpu.memory_space<hbm>>
        %dma_start3A_88 = arith.constant 9480 : i32
        %dma_start3A_89 = arith.constant 0 : i32
        %dma_start3A_90 = tpu.memref_slice %arg9[%dma_start3A_88, %dma_start3A_89] : memref<10000x128xf32, #tpu.memory_space<vmem_shared>> -> memref<520x128xf32, #tpu.memory_space<vmem_shared>>
        tpu.enqueue_dma source(%dma_start3A_90 : memref<520x128xf32, #tpu.memory_space<vmem_shared>>) target(%dma_start3A_87 : memref<520x128xf32, #tpu.memory_space<hbm>>) target_semaphore(%run_scoped3A : memref<!tpu.dma_semaphore, #tpu.memory_space<semaphore_mem>>)
        %dma_wait3A_91 = arith.constant 9480 : i32
        %dma_wait3A_92 = arith.constant 0 : i32
        %dma_wait3A_93 = tpu.memref_slice %arg7[%dma_wait3A_91, %dma_wait3A_92] : memref<10000x128xf32, #tpu.memory_space<hbm>> -> memref<520x128xf32, #tpu.memory_space<hbm>>
        %dma_wait3A_94 = arith.constant 9480 : i32
        %dma_wait3A_95 = arith.constant 0 : i32
        %dma_wait3A_96 = tpu.memref_slice %arg9[%dma_wait3A_94, %dma_wait3A_95] : memref<10000x128xf32, #tpu.memory_space<vmem_shared>> -> memref<520x128xf32, #tpu.memory_space<vmem_shared>>
        tpu.wait_dma2 semaphore(%run_scoped3A : memref<!tpu.dma_semaphore, #tpu.memory_space<semaphore_mem>>) src(%dma_wait3A_96 : memref<520x128xf32, #tpu.memory_space<vmem_shared>>) dst(%dma_wait3A_93 : memref<520x128xf32, #tpu.memory_space<hbm>>)
        tpu.yield
      }) : () -> ()
    } else {
    }
    %eq3A_70 = arith.constant 1 : i32
    %eq3A_71 = arith.cmpi eq, %arg0, %eq3A_70 : i32
    %lt3A_72 = arith.constant 15 : i32
    %lt3A_73 = arith.cmpi slt, %arg1, %lt3A_72 : i32
    %and3A_74 = arith.andi %eq3A_71, %lt3A_73 : i1
    %convert_element_type3A_75 = arith.extui %and3A_74 : i1 to i32
    %cond3A_76 = arith.constant 0 : i32
    %cond3A_77 = arith.cmpi ne, %convert_element_type3A_75, %cond3A_76 : i32
    scf.if %cond3A_77 {
      "tpu.region"() ({
        %run_scoped3A = tpu.sem_alloc : memref<!tpu.dma_semaphore, #tpu.memory_space<semaphore_mem>>
        %dma_start3A = arith.constant 0 : i32
        %dma_start3A_86 = tpu.memref_slice %arg8[%multiple_of3A, %dma_start3A] : memref<10000x128xf32, #tpu.memory_space<hbm>> -> memref<632x128xf32, #tpu.memory_space<hbm>>
        %dma_start3A_87 = arith.constant 0 : i32
        %dma_start3A_88 = tpu.memref_slice %arg9[%multiple_of3A, %dma_start3A_87] : memref<10000x128xf32, #tpu.memory_space<vmem_shared>> -> memref<632x128xf32, #tpu.memory_space<vmem_shared>>
        tpu.enqueue_dma source(%dma_start3A_88 : memref<632x128xf32, #tpu.memory_space<vmem_shared>>) target(%dma_start3A_86 : memref<632x128xf32, #tpu.memory_space<hbm>>) target_semaphore(%run_scoped3A : memref<!tpu.dma_semaphore, #tpu.memory_space<semaphore_mem>>)
        %dma_wait3A_89 = arith.constant 0 : i32
        %dma_wait3A_90 = tpu.memref_slice %arg8[%multiple_of3A, %dma_wait3A_89] : memref<10000x128xf32, #tpu.memory_space<hbm>> -> memref<632x128xf32, #tpu.memory_space<hbm>>
        %dma_wait3A_91 = arith.constant 0 : i32
        %dma_wait3A_92 = tpu.memref_slice %arg9[%multiple_of3A, %dma_wait3A_91] : memref<10000x128xf32, #tpu.memory_space<vmem_shared>> -> memref<632x128xf32, #tpu.memory_space<vmem_shared>>
        tpu.wait_dma2 semaphore(%run_scoped3A : memref<!tpu.dma_semaphore, #tpu.memory_space<semaphore_mem>>) src(%dma_wait3A_92 : memref<632x128xf32, #tpu.memory_space<vmem_shared>>) dst(%dma_wait3A_90 : memref<632x128xf32, #tpu.memory_space<hbm>>)
        tpu.yield
      }) : () -> ()
    } else {
    }
    %eq3A_78 = arith.constant 1 : i32
    %eq3A_79 = arith.cmpi eq, %arg0, %eq3A_78 : i32
    %eq3A_80 = arith.constant 15 : i32
    %eq3A_81 = arith.cmpi eq, %arg1, %eq3A_80 : i32
    %and3A_82 = arith.andi %eq3A_79, %eq3A_81 : i1
    %convert_element_type3A_83 = arith.extui %and3A_82 : i1 to i32
    %cond3A_84 = arith.constant 0 : i32
    %cond3A_85 = arith.cmpi ne, %convert_element_type3A_83, %cond3A_84 : i32
    scf.if %cond3A_85 {
      "tpu.region"() ({
        %run_scoped3A = tpu.sem_alloc : memref<!tpu.dma_semaphore, #tpu.memory_space<semaphore_mem>>
        %dma_start3A = arith.constant 9480 : i32
        %dma_start3A_86 = arith.constant 0 : i32
        %dma_start3A_87 = tpu.memref_slice %arg8[%dma_start3A, %dma_start3A_86] : memref<10000x128xf32, #tpu.memory_space<hbm>> -> memref<520x128xf32, #tpu.memory_space<hbm>>
        %dma_start3A_88 = arith.constant 9480 : i32
        %dma_start3A_89 = arith.constant 0 : i32
        %dma_start3A_90 = tpu.memref_slice %arg9[%dma_start3A_88, %dma_start3A_89] : memref<10000x128xf32, #tpu.memory_space<vmem_shared>> -> memref<520x128xf32, #tpu.memory_space<vmem_shared>>
        tpu.enqueue_dma source(%dma_start3A_90 : memref<520x128xf32, #tpu.memory_space<vmem_shared>>) target(%dma_start3A_87 : memref<520x128xf32, #tpu.memory_space<hbm>>) target_semaphore(%run_scoped3A : memref<!tpu.dma_semaphore, #tpu.memory_space<semaphore_mem>>)
        %dma_wait3A_91 = arith.constant 9480 : i32
        %dma_wait3A_92 = arith.constant 0 : i32
        %dma_wait3A_93 = tpu.memref_slice %arg8[%dma_wait3A_91, %dma_wait3A_92] : memref<10000x128xf32, #tpu.memory_space<hbm>> -> memref<520x128xf32, #tpu.memory_space<hbm>>
        %dma_wait3A_94 = arith.constant 9480 : i32
        %dma_wait3A_95 = arith.constant 0 : i32
        %dma_wait3A_96 = tpu.memref_slice %arg9[%dma_wait3A_94, %dma_wait3A_95] : memref<10000x128xf32, #tpu.memory_space<vmem_shared>> -> memref<520x128xf32, #tpu.memory_space<vmem_shared>>
        tpu.wait_dma2 semaphore(%run_scoped3A : memref<!tpu.dma_semaphore, #tpu.memory_space<semaphore_mem>>) src(%dma_wait3A_96 : memref<520x128xf32, #tpu.memory_space<vmem_shared>>) dst(%dma_wait3A_93 : memref<520x128xf32, #tpu.memory_space<hbm>>)
        tpu.yield
      }) : () -> ()
    } else {
    }
    return
  }
}

#map = affine_map<(d0, d1) -> (0, 0)>
#map1 = affine_map<(d0, d1) -> (0)>
module attributes {stable_mosaic.version = 14 : i64} {
  func.func @_mp_body(%arg0: i32, %arg1: i32, %arg2: memref<10000x128xf32, #tpu.memory_space<hbm>>, %arg3: memref<10000x128xf32, #tpu.memory_space<hbm>>, %arg4: memref<163840xi32, #tpu.memory_space<hbm>>, %arg5: memref<163840xi32, #tpu.memory_space<hbm>>, %arg6: memref<163840xf32, #tpu.memory_space<hbm>>, %arg7: memref<10000x128xf32, #tpu.memory_space<hbm>>, %arg8: memref<10000x128xf32, #tpu.memory_space<hbm>>, %arg9: memref<10000x128xf32, #tpu.memory_space<vmem_shared>>, %arg10: memref<80xi32, #tpu.memory_space<vmem>>, %arg11: memref<80xi32, #tpu.memory_space<vmem>>, %arg12: memref<80xi32, #tpu.memory_space<vmem>>, %arg13: memref<80xi32, #tpu.memory_space<vmem>>, %arg14: memref<80xf32, #tpu.memory_space<vmem>>, %arg15: memref<80xf32, #tpu.memory_space<vmem>>, %arg16: memref<80x128xf32, #tpu.memory_space<vmem>>, %arg17: memref<80x128xf32, #tpu.memory_space<vmem>>, %arg18: memref<!tpu.dma_semaphore, #tpu.memory_space<semaphore_mem>>, %arg19: memref<!tpu.dma_semaphore, #tpu.memory_space<semaphore_mem>>, %arg20: memref<!tpu.dma_semaphore, #tpu.memory_space<semaphore_mem>>, %arg21: memref<!tpu.dma_semaphore, #tpu.memory_space<semaphore_mem>>) attributes {dimension_semantics = [#tpu.dimension_semantics<core_parallel>, #tpu.dimension_semantics<subcore_parallel>], iteration_bounds = array<i64: 2, 16>, scalar_prefetch = 0 : i64, scratch_operands = 13 : i64, tpu.core_type = #tpu.core_type<sc_vector_subcore>, window_params = [{transform_indices = #map}, {transform_indices = #map}, {transform_indices = #map1}, {transform_indices = #map1}, {transform_indices = #map1}, {transform_indices = #map}, {transform_indices = #map}]} {
    %mul3A = arith.constant 632 : i32
    %mul3A_0 = arith.muli %arg1, %mul3A : i32
    %multiple_of3A = tpu.assume_multiple %mul3A_0, 8 : i32
    %scan3A = arith.constant 0 : i32
    %scan3A_1 = arith.constant 0 : i32
    %scan3A_2 = arith.constant 80 : i32
    %scan3A_3 = arith.addi %scan3A_1, %scan3A_2 : i32
    %scan3A_4 = arith.constant 1 : i32
    scf.for %scan3A_86 = %scan3A_1 to %scan3A_3 step %scan3A_4  : i32 {
      %broadcast_in_dim3A = arith.constant 0.000000e+00 : f32
      %broadcast_in_dim3A_87 = vector.broadcast %broadcast_in_dim3A : f32 to vector<16xf32>
      %swap3A = arith.index_cast %scan3A_86 : i32 to index
      %swap3A_88 = arith.constant 0 : index
      %swap3A_89 = tpu.vector_load %arg16[%swap3A, %swap3A_88] {strides = array<i32>} : memref<80x128xf32, #tpu.memory_space<vmem>>, vector<1x16xf32>,
      %swap3A_90 = vector.shape_cast %swap3A_89 : vector<1x16xf32> to vector<16xf32>
      %swap3A_91 = vector.shape_cast %broadcast_in_dim3A_87 : vector<16xf32> to vector<1x16xf32>
      tpu.vector_store %arg16[%swap3A, %swap3A_88], %swap3A_91 {strides = array<i32>} : memref<80x128xf32, #tpu.memory_space<vmem>>, vector<1x16xf32>,
      %broadcast_in_dim3A_92 = arith.constant 0.000000e+00 : f32
      %broadcast_in_dim3A_93 = vector.broadcast %broadcast_in_dim3A_92 : f32 to vector<16xf32>
      %swap3A_94 = arith.index_cast %scan3A_86 : i32 to index
      %swap3A_95 = arith.constant 16 : index
      %swap3A_96 = tpu.vector_load %arg16[%swap3A_94, %swap3A_95] {strides = array<i32>} : memref<80x128xf32, #tpu.memory_space<vmem>>, vector<1x16xf32>,
      %swap3A_97 = vector.shape_cast %swap3A_96 : vector<1x16xf32> to vector<16xf32>
      %swap3A_98 = vector.shape_cast %broadcast_in_dim3A_93 : vector<16xf32> to vector<1x16xf32>
      tpu.vector_store %arg16[%swap3A_94, %swap3A_95], %swap3A_98 {strides = array<i32>} : memref<80x128xf32, #tpu.memory_space<vmem>>, vector<1x16xf32>,
      %broadcast_in_dim3A_99 = arith.constant 0.000000e+00 : f32
      %broadcast_in_dim3A_100 = vector.broadcast %broadcast_in_dim3A_99 : f32 to vector<16xf32>
      %swap3A_101 = arith.index_cast %scan3A_86 : i32 to index
      %swap3A_102 = arith.constant 32 : index
      %swap3A_103 = tpu.vector_load %arg16[%swap3A_101, %swap3A_102] {strides = array<i32>} : memref<80x128xf32, #tpu.memory_space<vmem>>, vector<1x16xf32>,
      %swap3A_104 = vector.shape_cast %swap3A_103 : vector<1x16xf32> to vector<16xf32>
      %swap3A_105 = vector.shape_cast %broadcast_in_dim3A_100 : vector<16xf32> to vector<1x16xf32>
      tpu.vector_store %arg16[%swap3A_101, %swap3A_102], %swap3A_105 {strides = array<i32>} : memref<80x128xf32, #tpu.memory_space<vmem>>, vector<1x16xf32>,
      %broadcast_in_dim3A_106 = arith.constant 0.000000e+00 : f32
      %broadcast_in_dim3A_107 = vector.broadcast %broadcast_in_dim3A_106 : f32 to vector<16xf32>
      %swap3A_108 = arith.index_cast %scan3A_86 : i32 to index
      %swap3A_109 = arith.constant 48 : index
      %swap3A_110 = tpu.vector_load %arg16[%swap3A_108, %swap3A_109] {strides = array<i32>} : memref<80x128xf32, #tpu.memory_space<vmem>>, vector<1x16xf32>,
      %swap3A_111 = vector.shape_cast %swap3A_110 : vector<1x16xf32> to vector<16xf32>
      %swap3A_112 = vector.shape_cast %broadcast_in_dim3A_107 : vector<16xf32> to vector<1x16xf32>
      tpu.vector_store %arg16[%swap3A_108, %swap3A_109], %swap3A_112 {strides = array<i32>} : memref<80x128xf32, #tpu.memory_space<vmem>>, vector<1x16xf32>,
      %broadcast_in_dim3A_113 = arith.constant 0.000000e+00 : f32
      %broadcast_in_dim3A_114 = vector.broadcast %broadcast_in_dim3A_113 : f32 to vector<16xf32>
      %swap3A_115 = arith.index_cast %scan3A_86 : i32 to index
      %swap3A_116 = arith.constant 64 : index
      %swap3A_117 = tpu.vector_load %arg16[%swap3A_115, %swap3A_116] {strides = array<i32>} : memref<80x128xf32, #tpu.memory_space<vmem>>, vector<1x16xf32>,
      %swap3A_118 = vector.shape_cast %swap3A_117 : vector<1x16xf32> to vector<16xf32>
      %swap3A_119 = vector.shape_cast %broadcast_in_dim3A_114 : vector<16xf32> to vector<1x16xf32>
      tpu.vector_store %arg16[%swap3A_115, %swap3A_116], %swap3A_119 {strides = array<i32>} : memref<80x128xf32, #tpu.memory_space<vmem>>, vector<1x16xf32>,
      %broadcast_in_dim3A_120 = arith.constant 0.000000e+00 : f32
      %broadcast_in_dim3A_121 = vector.broadcast %broadcast_in_dim3A_120 : f32 to vector<16xf32>
      %swap3A_122 = arith.index_cast %scan3A_86 : i32 to index
      %swap3A_123 = arith.constant 80 : index
      %swap3A_124 = tpu.vector_load %arg16[%swap3A_122, %swap3A_123] {strides = array<i32>} : memref<80x128xf32, #tpu.memory_space<vmem>>, vector<1x16xf32>,
      %swap3A_125 = vector.shape_cast %swap3A_124 : vector<1x16xf32> to vector<16xf32>
      %swap3A_126 = vector.shape_cast %broadcast_in_dim3A_121 : vector<16xf32> to vector<1x16xf32>
      tpu.vector_store %arg16[%swap3A_122, %swap3A_123], %swap3A_126 {strides = array<i32>} : memref<80x128xf32, #tpu.memory_space<vmem>>, vector<1x16xf32>,
      %broadcast_in_dim3A_127 = arith.constant 0.000000e+00 : f32
      %broadcast_in_dim3A_128 = vector.broadcast %broadcast_in_dim3A_127 : f32 to vector<16xf32>
      %swap3A_129 = arith.index_cast %scan3A_86 : i32 to index
      %swap3A_130 = arith.constant 96 : index
      %swap3A_131 = tpu.vector_load %arg16[%swap3A_129, %swap3A_130] {strides = array<i32>} : memref<80x128xf32, #tpu.memory_space<vmem>>, vector<1x16xf32>,
      %swap3A_132 = vector.shape_cast %swap3A_131 : vector<1x16xf32> to vector<16xf32>
      %swap3A_133 = vector.shape_cast %broadcast_in_dim3A_128 : vector<16xf32> to vector<1x16xf32>
      tpu.vector_store %arg16[%swap3A_129, %swap3A_130], %swap3A_133 {strides = array<i32>} : memref<80x128xf32, #tpu.memory_space<vmem>>, vector<1x16xf32>,
      %broadcast_in_dim3A_134 = arith.constant 0.000000e+00 : f32
      %broadcast_in_dim3A_135 = vector.broadcast %broadcast_in_dim3A_134 : f32 to vector<16xf32>
      %swap3A_136 = arith.index_cast %scan3A_86 : i32 to index
      %swap3A_137 = arith.constant 112 : index
      %swap3A_138 = tpu.vector_load %arg16[%swap3A_136, %swap3A_137] {strides = array<i32>} : memref<80x128xf32, #tpu.memory_space<vmem>>, vector<1x16xf32>,
      %swap3A_139 = vector.shape_cast %swap3A_138 : vector<1x16xf32> to vector<16xf32>
      %swap3A_140 = vector.shape_cast %broadcast_in_dim3A_135 : vector<16xf32> to vector<1x16xf32>
      tpu.vector_store %arg16[%swap3A_136, %swap3A_137], %swap3A_140 {strides = array<i32>} : memref<80x128xf32, #tpu.memory_space<vmem>>, vector<1x16xf32>,
    }
    %scan3A_5 = arith.constant 80 : i32
    %add3A = arith.constant 0 : i32
    %add3A_6 = arith.addi %multiple_of3A, %add3A : i32
    "tpu.region"() ({
      %run_scoped3A = tpu.sem_alloc : memref<!tpu.dma_semaphore, #tpu.memory_space<semaphore_mem>>
      %dma_start3A = arith.constant 0 : i32
      %dma_start3A_86 = tpu.memref_slice %arg9[%add3A_6, %dma_start3A] : memref<10000x128xf32, #tpu.memory_space<vmem_shared>> -> memref<80x128xf32, #tpu.memory_space<vmem_shared>>
      %dma_start3A_87 = arith.constant 0 : i32
      %dma_start3A_88 = tpu.memref_slice %arg9[%add3A_6, %dma_start3A_87] : memref<10000x128xf32, #tpu.memory_space<vmem_shared>> -> memref<80x128xf32, #tpu.memory_space<vmem_shared>>
      tpu.enqueue_dma source(%arg16 : memref<80x128xf32, #tpu.memory_space<vmem>>) target(%dma_start3A_88 : memref<80x128xf32, #tpu.memory_space<vmem_shared>>) target_semaphore(%run_scoped3A : memref<!tpu.dma_semaphore, #tpu.memory_space<semaphore_mem>>)
      %dma_wait3A_89 = arith.constant 0 : i32
      %dma_wait3A_90 = tpu.memref_slice %arg9[%add3A_6, %dma_wait3A_89] : memref<10000x128xf32, #tpu.memory_space<vmem_shared>> -> memref<80x128xf32, #tpu.memory_space<vmem_shared>>
      %dma_wait3A_91 = arith.constant 0 : i32
      %dma_wait3A_92 = tpu.memref_slice %arg9[%add3A_6, %dma_wait3A_91] : memref<10000x128xf32, #tpu.memory_space<vmem_shared>> -> memref<80x128xf32, #tpu.memory_space<vmem_shared>>
      tpu.wait_dma2 semaphore(%run_scoped3A : memref<!tpu.dma_semaphore, #tpu.memory_space<semaphore_mem>>) src(%arg16 : memref<80x128xf32, #tpu.memory_space<vmem>>) dst(%dma_wait3A_92 : memref<80x128xf32, #tpu.memory_space<vmem_shared>>)
      tpu.yield
    }) : () -> ()
    %add3A_7 = arith.constant 80 : i32
    %add3A_8 = arith.addi %multiple_of3A, %add3A_7 : i32
    "tpu.region"() ({
      %run_scoped3A = tpu.sem_alloc : memref<!tpu.dma_semaphore, #tpu.memory_space<semaphore_mem>>
      %dma_start3A = arith.constant 0 : i32
      %dma_start3A_86 = tpu.memref_slice %arg9[%add3A_8, %dma_start3A] : memref<10000x128xf32, #tpu.memory_space<vmem_shared>> -> memref<80x128xf32, #tpu.memory_space<vmem_shared>>
      %dma_start3A_87 = arith.constant 0 : i32
      %dma_start3A_88 = tpu.memref_slice %arg9[%add3A_8, %dma_start3A_87] : memref<10000x128xf32, #tpu.memory_space<vmem_shared>> -> memref<80x128xf32, #tpu.memory_space<vmem_shared>>
      tpu.enqueue_dma source(%arg16 : memref<80x128xf32, #tpu.memory_space<vmem>>) target(%dma_start3A_88 : memref<80x128xf32, #tpu.memory_space<vmem_shared>>) target_semaphore(%run_scoped3A : memref<!tpu.dma_semaphore, #tpu.memory_space<semaphore_mem>>)
      %dma_wait3A_89 = arith.constant 0 : i32
      %dma_wait3A_90 = tpu.memref_slice %arg9[%add3A_8, %dma_wait3A_89] : memref<10000x128xf32, #tpu.memory_space<vmem_shared>> -> memref<80x128xf32, #tpu.memory_space<vmem_shared>>
      %dma_wait3A_91 = arith.constant 0 : i32
      %dma_wait3A_92 = tpu.memref_slice %arg9[%add3A_8, %dma_wait3A_91] : memref<10000x128xf32, #tpu.memory_space<vmem_shared>> -> memref<80x128xf32, #tpu.memory_space<vmem_shared>>
      tpu.wait_dma2 semaphore(%run_scoped3A : memref<!tpu.dma_semaphore, #tpu.memory_space<semaphore_mem>>) src(%arg16 : memref<80x128xf32, #tpu.memory_space<vmem>>) dst(%dma_wait3A_92 : memref<80x128xf32, #tpu.memory_space<vmem_shared>>)
      tpu.yield
    }) : () -> ()
    %add3A_9 = arith.constant 160 : i32
    %add3A_10 = arith.addi %multiple_of3A, %add3A_9 : i32
    "tpu.region"() ({
      %run_scoped3A = tpu.sem_alloc : memref<!tpu.dma_semaphore, #tpu.memory_space<semaphore_mem>>
      %dma_start3A = arith.constant 0 : i32
      %dma_start3A_86 = tpu.memref_slice %arg9[%add3A_10, %dma_start3A] : memref<10000x128xf32, #tpu.memory_space<vmem_shared>> -> memref<80x128xf32, #tpu.memory_space<vmem_shared>>
      %dma_start3A_87 = arith.constant 0 : i32
      %dma_start3A_88 = tpu.memref_slice %arg9[%add3A_10, %dma_start3A_87] : memref<10000x128xf32, #tpu.memory_space<vmem_shared>> -> memref<80x128xf32, #tpu.memory_space<vmem_shared>>
      tpu.enqueue_dma source(%arg16 : memref<80x128xf32, #tpu.memory_space<vmem>>) target(%dma_start3A_88 : memref<80x128xf32, #tpu.memory_space<vmem_shared>>) target_semaphore(%run_scoped3A : memref<!tpu.dma_semaphore, #tpu.memory_space<semaphore_mem>>)
      %dma_wait3A_89 = arith.constant 0 : i32
      %dma_wait3A_90 = tpu.memref_slice %arg9[%add3A_10, %dma_wait3A_89] : memref<10000x128xf32, #tpu.memory_space<vmem_shared>> -> memref<80x128xf32, #tpu.memory_space<vmem_shared>>
      %dma_wait3A_91 = arith.constant 0 : i32
      %dma_wait3A_92 = tpu.memref_slice %arg9[%add3A_10, %dma_wait3A_91] : memref<10000x128xf32, #tpu.memory_space<vmem_shared>> -> memref<80x128xf32, #tpu.memory_space<vmem_shared>>
      tpu.wait_dma2 semaphore(%run_scoped3A : memref<!tpu.dma_semaphore, #tpu.memory_space<semaphore_mem>>) src(%arg16 : memref<80x128xf32, #tpu.memory_space<vmem>>) dst(%dma_wait3A_92 : memref<80x128xf32, #tpu.memory_space<vmem_shared>>)
      tpu.yield
    }) : () -> ()
    %add3A_11 = arith.constant 240 : i32
    %add3A_12 = arith.addi %multiple_of3A, %add3A_11 : i32
    "tpu.region"() ({
      %run_scoped3A = tpu.sem_alloc : memref<!tpu.dma_semaphore, #tpu.memory_space<semaphore_mem>>
      %dma_start3A = arith.constant 0 : i32
      %dma_start3A_86 = tpu.memref_slice %arg9[%add3A_12, %dma_start3A] : memref<10000x128xf32, #tpu.memory_space<vmem_shared>> -> memref<80x128xf32, #tpu.memory_space<vmem_shared>>
      %dma_start3A_87 = arith.constant 0 : i32
      %dma_start3A_88 = tpu.memref_slice %arg9[%add3A_12, %dma_start3A_87] : memref<10000x128xf32, #tpu.memory_space<vmem_shared>> -> memref<80x128xf32, #tpu.memory_space<vmem_shared>>
      tpu.enqueue_dma source(%arg16 : memref<80x128xf32, #tpu.memory_space<vmem>>) target(%dma_start3A_88 : memref<80x128xf32, #tpu.memory_space<vmem_shared>>) target_semaphore(%run_scoped3A : memref<!tpu.dma_semaphore, #tpu.memory_space<semaphore_mem>>)
      %dma_wait3A_89 = arith.constant 0 : i32
      %dma_wait3A_90 = tpu.memref_slice %arg9[%add3A_12, %dma_wait3A_89] : memref<10000x128xf32, #tpu.memory_space<vmem_shared>> -> memref<80x128xf32, #tpu.memory_space<vmem_shared>>
      %dma_wait3A_91 = arith.constant 0 : i32
      %dma_wait3A_92 = tpu.memref_slice %arg9[%add3A_12, %dma_wait3A_91] : memref<10000x128xf32, #tpu.memory_space<vmem_shared>> -> memref<80x128xf32, #tpu.memory_space<vmem_shared>>
      tpu.wait_dma2 semaphore(%run_scoped3A : memref<!tpu.dma_semaphore, #tpu.memory_space<semaphore_mem>>) src(%arg16 : memref<80x128xf32, #tpu.memory_space<vmem>>) dst(%dma_wait3A_92 : memref<80x128xf32, #tpu.memory_space<vmem_shared>>)
      tpu.yield
    }) : () -> ()
    %add3A_13 = arith.constant 320 : i32
    %add3A_14 = arith.addi %multiple_of3A, %add3A_13 : i32
    "tpu.region"() ({
      %run_scoped3A = tpu.sem_alloc : memref<!tpu.dma_semaphore, #tpu.memory_space<semaphore_mem>>
      %dma_start3A = arith.constant 0 : i32
      %dma_start3A_86 = tpu.memref_slice %arg9[%add3A_14, %dma_start3A] : memref<10000x128xf32, #tpu.memory_space<vmem_shared>> -> memref<80x128xf32, #tpu.memory_space<vmem_shared>>
      %dma_start3A_87 = arith.constant 0 : i32
      %dma_start3A_88 = tpu.memref_slice %arg9[%add3A_14, %dma_start3A_87] : memref<10000x128xf32, #tpu.memory_space<vmem_shared>> -> memref<80x128xf32, #tpu.memory_space<vmem_shared>>
      tpu.enqueue_dma source(%arg16 : memref<80x128xf32, #tpu.memory_space<vmem>>) target(%dma_start3A_88 : memref<80x128xf32, #tpu.memory_space<vmem_shared>>) target_semaphore(%run_scoped3A : memref<!tpu.dma_semaphore, #tpu.memory_space<semaphore_mem>>)
      %dma_wait3A_89 = arith.constant 0 : i32
      %dma_wait3A_90 = tpu.memref_slice %arg9[%add3A_14, %dma_wait3A_89] : memref<10000x128xf32, #tpu.memory_space<vmem_shared>> -> memref<80x128xf32, #tpu.memory_space<vmem_shared>>
      %dma_wait3A_91 = arith.constant 0 : i32
      %dma_wait3A_92 = tpu.memref_slice %arg9[%add3A_14, %dma_wait3A_91] : memref<10000x128xf32, #tpu.memory_space<vmem_shared>> -> memref<80x128xf32, #tpu.memory_space<vmem_shared>>
      tpu.wait_dma2 semaphore(%run_scoped3A : memref<!tpu.dma_semaphore, #tpu.memory_space<semaphore_mem>>) src(%arg16 : memref<80x128xf32, #tpu.memory_space<vmem>>) dst(%dma_wait3A_92 : memref<80x128xf32, #tpu.memory_space<vmem_shared>>)
      tpu.yield
    }) : () -> ()
    %add3A_15 = arith.constant 400 : i32
    %add3A_16 = arith.addi %multiple_of3A, %add3A_15 : i32
    "tpu.region"() ({
      %run_scoped3A = tpu.sem_alloc : memref<!tpu.dma_semaphore, #tpu.memory_space<semaphore_mem>>
      %dma_start3A = arith.constant 0 : i32
      %dma_start3A_86 = tpu.memref_slice %arg9[%add3A_16, %dma_start3A] : memref<10000x128xf32, #tpu.memory_space<vmem_shared>> -> memref<80x128xf32, #tpu.memory_space<vmem_shared>>
      %dma_start3A_87 = arith.constant 0 : i32
      %dma_start3A_88 = tpu.memref_slice %arg9[%add3A_16, %dma_start3A_87] : memref<10000x128xf32, #tpu.memory_space<vmem_shared>> -> memref<80x128xf32, #tpu.memory_space<vmem_shared>>
      tpu.enqueue_dma source(%arg16 : memref<80x128xf32, #tpu.memory_space<vmem>>) target(%dma_start3A_88 : memref<80x128xf32, #tpu.memory_space<vmem_shared>>) target_semaphore(%run_scoped3A : memref<!tpu.dma_semaphore, #tpu.memory_space<semaphore_mem>>)
      %dma_wait3A_89 = arith.constant 0 : i32
      %dma_wait3A_90 = tpu.memref_slice %arg9[%add3A_16, %dma_wait3A_89] : memref<10000x128xf32, #tpu.memory_space<vmem_shared>> -> memref<80x128xf32, #tpu.memory_space<vmem_shared>>
      %dma_wait3A_91 = arith.constant 0 : i32
      %dma_wait3A_92 = tpu.memref_slice %arg9[%add3A_16, %dma_wait3A_91] : memref<10000x128xf32, #tpu.memory_space<vmem_shared>> -> memref<80x128xf32, #tpu.memory_space<vmem_shared>>
      tpu.wait_dma2 semaphore(%run_scoped3A : memref<!tpu.dma_semaphore, #tpu.memory_space<semaphore_mem>>) src(%arg16 : memref<80x128xf32, #tpu.memory_space<vmem>>) dst(%dma_wait3A_92 : memref<80x128xf32, #tpu.memory_space<vmem_shared>>)
      tpu.yield
    }) : () -> ()
    %lt3A = arith.constant 15 : i32
    %lt3A_17 = arith.cmpi slt, %arg1, %lt3A : i32
    %convert_element_type3A = arith.extui %lt3A_17 : i1 to i32
    %cond3A = arith.constant 0 : i32
    %cond3A_18 = arith.cmpi ne, %convert_element_type3A, %cond3A : i32
    scf.if %cond3A_18 {
      %add3A_86 = arith.constant 480 : i32
      %add3A_87 = arith.addi %multiple_of3A, %add3A_86 : i32
      "tpu.region"() ({
        %run_scoped3A = tpu.sem_alloc : memref<!tpu.dma_semaphore, #tpu.memory_space<semaphore_mem>>
        %dma_start3A = arith.constant 0 : i32
        %dma_start3A_90 = tpu.memref_slice %arg9[%add3A_87, %dma_start3A] : memref<10000x128xf32, #tpu.memory_space<vmem_shared>> -> memref<80x128xf32, #tpu.memory_space<vmem_shared>>
        %dma_start3A_91 = arith.constant 0 : i32
        %dma_start3A_92 = tpu.memref_slice %arg9[%add3A_87, %dma_start3A_91] : memref<10000x128xf32, #tpu.memory_space<vmem_shared>> -> memref<80x128xf32, #tpu.memory_space<vmem_shared>>
        tpu.enqueue_dma source(%arg16 : memref<80x128xf32, #tpu.memory_space<vmem>>) target(%dma_start3A_92 : memref<80x128xf32, #tpu.memory_space<vmem_shared>>) target_semaphore(%run_scoped3A : memref<!tpu.dma_semaphore, #tpu.memory_space<semaphore_mem>>)
        %dma_wait3A_93 = arith.constant 0 : i32
        %dma_wait3A_94 = tpu.memref_slice %arg9[%add3A_87, %dma_wait3A_93] : memref<10000x128xf32, #tpu.memory_space<vmem_shared>> -> memref<80x128xf32, #tpu.memory_space<vmem_shared>>
        %dma_wait3A_95 = arith.constant 0 : i32
        %dma_wait3A_96 = tpu.memref_slice %arg9[%add3A_87, %dma_wait3A_95] : memref<10000x128xf32, #tpu.memory_space<vmem_shared>> -> memref<80x128xf32, #tpu.memory_space<vmem_shared>>
        tpu.wait_dma2 semaphore(%run_scoped3A : memref<!tpu.dma_semaphore, #tpu.memory_space<semaphore_mem>>) src(%arg16 : memref<80x128xf32, #tpu.memory_space<vmem>>) dst(%dma_wait3A_96 : memref<80x128xf32, #tpu.memory_space<vmem_shared>>)
        tpu.yield
      }) : () -> ()
      %add3A_88 = arith.constant 560 : i32
      %add3A_89 = arith.addi %multiple_of3A, %add3A_88 : i32
      "tpu.region"() ({
        %run_scoped3A = tpu.sem_alloc : memref<!tpu.dma_semaphore, #tpu.memory_space<semaphore_mem>>
        %dma_start3A = arith.constant 0 : i32
        %dma_start3A_90 = arith.constant 0 : i32
        %dma_start3A_91 = tpu.memref_slice %arg16[%dma_start3A, %dma_start3A_90] : memref<80x128xf32, #tpu.memory_space<vmem>> -> memref<72x128xf32, #tpu.memory_space<vmem>>
        %dma_start3A_92 = arith.constant 0 : i32
        %dma_start3A_93 = tpu.memref_slice %arg9[%add3A_89, %dma_start3A_92] : memref<10000x128xf32, #tpu.memory_space<vmem_shared>> -> memref<72x128xf32, #tpu.memory_space<vmem_shared>>
        %dma_start3A_94 = arith.constant 0 : i32
        %dma_start3A_95 = tpu.memref_slice %arg9[%add3A_89, %dma_start3A_94] : memref<10000x128xf32, #tpu.memory_space<vmem_shared>> -> memref<72x128xf32, #tpu.memory_space<vmem_shared>>
        %dma_start3A_96 = arith.constant 0 : i32
        %dma_start3A_97 = arith.constant 0 : i32
        %dma_start3A_98 = tpu.memref_slice %arg16[%dma_start3A_96, %dma_start3A_97] : memref<80x128xf32, #tpu.memory_space<vmem>> -> memref<72x128xf32, #tpu.memory_space<vmem>>
        tpu.enqueue_dma source(%dma_start3A_98 : memref<72x128xf32, #tpu.memory_space<vmem>>) target(%dma_start3A_95 : memref<72x128xf32, #tpu.memory_space<vmem_shared>>) target_semaphore(%run_scoped3A : memref<!tpu.dma_semaphore, #tpu.memory_space<semaphore_mem>>)
        %dma_wait3A_99 = arith.constant 0 : i32
        %dma_wait3A_100 = arith.constant 0 : i32
        %dma_wait3A_101 = tpu.memref_slice %arg16[%dma_wait3A_99, %dma_wait3A_100] : memref<80x128xf32, #tpu.memory_space<vmem>> -> memref<72x128xf32, #tpu.memory_space<vmem>>
        %dma_wait3A_102 = arith.constant 0 : i32
        %dma_wait3A_103 = tpu.memref_slice %arg9[%add3A_89, %dma_wait3A_102] : memref<10000x128xf32, #tpu.memory_space<vmem_shared>> -> memref<72x128xf32, #tpu.memory_space<vmem_shared>>
        %dma_wait3A_104 = arith.constant 0 : i32
        %dma_wait3A_105 = tpu.memref_slice %arg9[%add3A_89, %dma_wait3A_104] : memref<10000x128xf32, #tpu.memory_space<vmem_shared>> -> memref<72x128xf32, #tpu.memory_space<vmem_shared>>
        %dma_wait3A_106 = arith.constant 0 : i32
        %dma_wait3A_107 = arith.constant 0 : i32
        %dma_wait3A_108 = tpu.memref_slice %arg16[%dma_wait3A_106, %dma_wait3A_107] : memref<80x128xf32, #tpu.memory_space<vmem>> -> memref<72x128xf32, #tpu.memory_space<vmem>>
        tpu.wait_dma2 semaphore(%run_scoped3A : memref<!tpu.dma_semaphore, #tpu.memory_space<semaphore_mem>>) src(%dma_wait3A_108 : memref<72x128xf32, #tpu.memory_space<vmem>>) dst(%dma_wait3A_105 : memref<72x128xf32, #tpu.memory_space<vmem_shared>>)
        tpu.yield
      }) : () -> ()
    } else {
    }
    %eq3A = arith.constant 15 : i32
    %eq3A_19 = arith.cmpi eq, %arg1, %eq3A : i32
    %convert_element_type3A_20 = arith.extui %eq3A_19 : i1 to i32
    %cond3A_21 = arith.constant 0 : i32
    %cond3A_22 = arith.cmpi ne, %convert_element_type3A_20, %cond3A_21 : i32
    scf.if %cond3A_22 {
      "tpu.region"() ({
        %run_scoped3A = tpu.sem_alloc : memref<!tpu.dma_semaphore, #tpu.memory_space<semaphore_mem>>
        %dma_start3A = arith.constant 0 : i32
        %dma_start3A_86 = arith.constant 0 : i32
        %dma_start3A_87 = tpu.memref_slice %arg16[%dma_start3A, %dma_start3A_86] : memref<80x128xf32, #tpu.memory_space<vmem>> -> memref<40x128xf32, #tpu.memory_space<vmem>>
        %dma_start3A_88 = arith.constant 9960 : i32
        %dma_start3A_89 = arith.constant 0 : i32
        %dma_start3A_90 = tpu.memref_slice %arg9[%dma_start3A_88, %dma_start3A_89] : memref<10000x128xf32, #tpu.memory_space<vmem_shared>> -> memref<40x128xf32, #tpu.memory_space<vmem_shared>>
        %dma_start3A_91 = arith.constant 9960 : i32
        %dma_start3A_92 = arith.constant 0 : i32
        %dma_start3A_93 = tpu.memref_slice %arg9[%dma_start3A_91, %dma_start3A_92] : memref<10000x128xf32, #tpu.memory_space<vmem_shared>> -> memref<40x128xf32, #tpu.memory_space<vmem_shared>>
        %dma_start3A_94 = arith.constant 0 : i32
        %dma_start3A_95 = arith.constant 0 : i32
        %dma_start3A_96 = tpu.memref_slice %arg16[%dma_start3A_94, %dma_start3A_95] : memref<80x128xf32, #tpu.memory_space<vmem>> -> memref<40x128xf32, #tpu.memory_space<vmem>>
        tpu.enqueue_dma source(%dma_start3A_96 : memref<40x128xf32, #tpu.memory_space<vmem>>) target(%dma_start3A_93 : memref<40x128xf32, #tpu.memory_space<vmem_shared>>) target_semaphore(%run_scoped3A : memref<!tpu.dma_semaphore, #tpu.memory_space<semaphore_mem>>)
        %dma_wait3A_97 = arith.constant 0 : i32
        %dma_wait3A_98 = arith.constant 0 : i32
        %dma_wait3A_99 = tpu.memref_slice %arg16[%dma_wait3A_97, %dma_wait3A_98] : memref<80x128xf32, #tpu.memory_space<vmem>> -> memref<40x128xf32, #tpu.memory_space<vmem>>
        %dma_wait3A_100 = arith.constant 9960 : i32
        %dma_wait3A_101 = arith.constant 0 : i32
        %dma_wait3A_102 = tpu.memref_slice %arg9[%dma_wait3A_100, %dma_wait3A_101] : memref<10000x128xf32, #tpu.memory_space<vmem_shared>> -> memref<40x128xf32, #tpu.memory_space<vmem_shared>>
        %dma_wait3A_103 = arith.constant 9960 : i32
        %dma_wait3A_104 = arith.constant 0 : i32
        %dma_wait3A_105 = tpu.memref_slice %arg9[%dma_wait3A_103, %dma_wait3A_104] : memref<10000x128xf32, #tpu.memory_space<vmem_shared>> -> memref<40x128xf32, #tpu.memory_space<vmem_shared>>
        %dma_wait3A_106 = arith.constant 0 : i32
        %dma_wait3A_107 = arith.constant 0 : i32
        %dma_wait3A_108 = tpu.memref_slice %arg16[%dma_wait3A_106, %dma_wait3A_107] : memref<80x128xf32, #tpu.memory_space<vmem>> -> memref<40x128xf32, #tpu.memory_space<vmem>>
        tpu.wait_dma2 semaphore(%run_scoped3A : memref<!tpu.dma_semaphore, #tpu.memory_space<semaphore_mem>>) src(%dma_wait3A_108 : memref<40x128xf32, #tpu.memory_space<vmem>>) dst(%dma_wait3A_105 : memref<40x128xf32, #tpu.memory_space<vmem_shared>>)
        tpu.yield
      }) : () -> ()
    } else {
    }
    %barrier3A = arith.constant 0 : index
    tpu.barrier barrier_id(%barrier3A)
    %mul3A_23 = arith.constant 10240 : i32
    %mul3A_24 = arith.muli %arg1, %mul3A_23 : i32
    %add3A_25 = arith.constant 0 : i32
    %add3A_26 = arith.addi %mul3A_24, %add3A_25 : i32
    "tpu.region"() ({
      %run_scoped3A = tpu.sem_alloc : memref<!tpu.dma_semaphore, #tpu.memory_space<semaphore_mem>>
      %dma_start3A = tpu.memref_slice %arg4[%add3A_26] : memref<163840xi32, #tpu.memory_space<hbm>> -> memref<80xi32, #tpu.memory_space<hbm>>
      %dma_start3A_86 = tpu.memref_slice %arg4[%add3A_26] : memref<163840xi32, #tpu.memory_space<hbm>> -> memref<80xi32, #tpu.memory_space<hbm>>
      tpu.enqueue_dma source(%dma_start3A_86 : memref<80xi32, #tpu.memory_space<hbm>>) target(%arg10 : memref<80xi32, #tpu.memory_space<vmem>>) target_semaphore(%run_scoped3A : memref<!tpu.dma_semaphore, #tpu.memory_space<semaphore_mem>>)
      %dma_wait3A_87 = tpu.memref_slice %arg4[%add3A_26] : memref<163840xi32, #tpu.memory_space<hbm>> -> memref<80xi32, #tpu.memory_space<hbm>>
      %dma_wait3A_88 = tpu.memref_slice %arg4[%add3A_26] : memref<163840xi32, #tpu.memory_space<hbm>> -> memref<80xi32, #tpu.memory_space<hbm>>
      tpu.wait_dma2 semaphore(%run_scoped3A : memref<!tpu.dma_semaphore, #tpu.memory_space<semaphore_mem>>) src(%dma_wait3A_88 : memref<80xi32, #tpu.memory_space<hbm>>) dst(%arg10 : memref<80xi32, #tpu.memory_space<vmem>>)
      tpu.yield
    }) : () -> ()
    "tpu.region"() ({
      %run_scoped3A = tpu.sem_alloc : memref<!tpu.dma_semaphore, #tpu.memory_space<semaphore_mem>>
      %dma_start3A = tpu.memref_slice %arg5[%add3A_26] : memref<163840xi32, #tpu.memory_space<hbm>> -> memref<80xi32, #tpu.memory_space<hbm>>
      %dma_start3A_86 = tpu.memref_slice %arg5[%add3A_26] : memref<163840xi32, #tpu.memory_space<hbm>> -> memref<80xi32, #tpu.memory_space<hbm>>
      tpu.enqueue_dma source(%dma_start3A_86 : memref<80xi32, #tpu.memory_space<hbm>>) target(%arg12 : memref<80xi32, #tpu.memory_space<vmem>>) target_semaphore(%run_scoped3A : memref<!tpu.dma_semaphore, #tpu.memory_space<semaphore_mem>>)
      %dma_wait3A_87 = tpu.memref_slice %arg5[%add3A_26] : memref<163840xi32, #tpu.memory_space<hbm>> -> memref<80xi32, #tpu.memory_space<hbm>>
      %dma_wait3A_88 = tpu.memref_slice %arg5[%add3A_26] : memref<163840xi32, #tpu.memory_space<hbm>> -> memref<80xi32, #tpu.memory_space<hbm>>
      tpu.wait_dma2 semaphore(%run_scoped3A : memref<!tpu.dma_semaphore, #tpu.memory_space<semaphore_mem>>) src(%dma_wait3A_88 : memref<80xi32, #tpu.memory_space<hbm>>) dst(%arg12 : memref<80xi32, #tpu.memory_space<vmem>>)
      tpu.yield
    }) : () -> ()
    "tpu.region"() ({
      %run_scoped3A = tpu.sem_alloc : memref<!tpu.dma_semaphore, #tpu.memory_space<semaphore_mem>>
      %dma_start3A = tpu.memref_slice %arg6[%add3A_26] : memref<163840xf32, #tpu.memory_space<hbm>> -> memref<80xf32, #tpu.memory_space<hbm>>
      %dma_start3A_86 = tpu.memref_slice %arg6[%add3A_26] : memref<163840xf32, #tpu.memory_space<hbm>> -> memref<80xf32, #tpu.memory_space<hbm>>
      tpu.enqueue_dma source(%dma_start3A_86 : memref<80xf32, #tpu.memory_space<hbm>>) target(%arg14 : memref<80xf32, #tpu.memory_space<vmem>>) target_semaphore(%run_scoped3A : memref<!tpu.dma_semaphore, #tpu.memory_space<semaphore_mem>>)
      %dma_wait3A_87 = tpu.memref_slice %arg6[%add3A_26] : memref<163840xf32, #tpu.memory_space<hbm>> -> memref<80xf32, #tpu.memory_space<hbm>>
      %dma_wait3A_88 = tpu.memref_slice %arg6[%add3A_26] : memref<163840xf32, #tpu.memory_space<hbm>> -> memref<80xf32, #tpu.memory_space<hbm>>
      tpu.wait_dma2 semaphore(%run_scoped3A : memref<!tpu.dma_semaphore, #tpu.memory_space<semaphore_mem>>) src(%dma_wait3A_88 : memref<80xf32, #tpu.memory_space<hbm>>) dst(%arg14 : memref<80xf32, #tpu.memory_space<vmem>>)
      tpu.yield
    }) : () -> ()
    %eq3A_27 = arith.constant 0 : i32
    %eq3A_28 = arith.cmpi eq, %arg0, %eq3A_27 : i32
    %convert_element_type3A_29 = arith.extui %eq3A_28 : i1 to i32
    %cond3A_30 = arith.constant 0 : i32
    %cond3A_31 = arith.cmpi ne, %convert_element_type3A_29, %cond3A_30 : i32
    scf.if %cond3A_31 {
      %dma_start3A = arith.constant 0 : i32
      %dma_start3A_86 = arith.constant 0 : i32
      %dma_start3A_87 = tpu.memref_slice %arg2[%dma_start3A, %dma_start3A_86] : memref<10000x128xf32, #tpu.memory_space<hbm>> -> memref<10000x128xf32, #tpu.memory_space<hbm>>
      tpu.enqueue_indirect_dma source(%dma_start3A_87 : memref<10000x128xf32, #tpu.memory_space<hbm>>) target(%arg16 : memref<80x128xf32, #tpu.memory_space<vmem>>) offsets(%arg10 : memref<80xi32, #tpu.memory_space<vmem>>) semaphore(%arg18 : memref<!tpu.dma_semaphore, #tpu.memory_space<semaphore_mem>>)
    } else {
    }
    %eq3A_32 = arith.constant 1 : i32
    %eq3A_33 = arith.cmpi eq, %arg0, %eq3A_32 : i32
    %convert_element_type3A_34 = arith.extui %eq3A_33 : i1 to i32
    %cond3A_35 = arith.constant 0 : i32
    %cond3A_36 = arith.cmpi ne, %convert_element_type3A_34, %cond3A_35 : i32
    scf.if %cond3A_36 {
      %dma_start3A = arith.constant 0 : i32
      %dma_start3A_86 = arith.constant 0 : i32
      %dma_start3A_87 = tpu.memref_slice %arg3[%dma_start3A, %dma_start3A_86] : memref<10000x128xf32, #tpu.memory_space<hbm>> -> memref<10000x128xf32, #tpu.memory_space<hbm>>
      tpu.enqueue_indirect_dma source(%dma_start3A_87 : memref<10000x128xf32, #tpu.memory_space<hbm>>) target(%arg16 : memref<80x128xf32, #tpu.memory_space<vmem>>) offsets(%arg10 : memref<80xi32, #tpu.memory_space<vmem>>) semaphore(%arg18 : memref<!tpu.dma_semaphore, #tpu.memory_space<semaphore_mem>>)
    } else {
    }
    %scan3A_37 = arith.constant 0 : i32
    %scan3A_38 = arith.constant 0 : i32
    %scan3A_39 = arith.constant 64 : i32
    %scan3A_40 = arith.addi %scan3A_38, %scan3A_39 : i32
    %scan3A_41 = arith.constant 1 : i32
    scf.for %scan3A_86 = %scan3A_38 to %scan3A_40 step %scan3A_41  : i32 {
      %mul3A_87 = arith.constant 2 : i32
      %mul3A_88 = arith.muli %mul3A_87, %scan3A_86 : i32
      %add3A_89 = arith.constant 1 : i32
      %add3A_90 = arith.addi %mul3A_88, %add3A_89 : i32
      %lt3A_91 = arith.constant 128 : i32
      %lt3A_92 = arith.cmpi slt, %add3A_90, %lt3A_91 : i32
      %convert_element_type3A_93 = arith.extui %lt3A_92 : i1 to i32
      %cond3A_94 = arith.constant 0 : i32
      %cond3A_95 = arith.cmpi ne, %convert_element_type3A_93, %cond3A_94 : i32
      scf.if %cond3A_95 {
        %add3A_136 = arith.constant 1 : i32
        %add3A_137 = arith.addi %mul3A_88, %add3A_136 : i32
        %ge3A = arith.constant 2 : i32
        %ge3A_138 = arith.cmpi sge, %add3A_137, %ge3A : i32
        %convert_element_type3A_139 = arith.extui %ge3A_138 : i1 to i32
        %cond3A_140 = arith.constant 0 : i32
        %cond3A_141 = arith.cmpi ne, %convert_element_type3A_139, %cond3A_140 : i32
        scf.if %cond3A_141 {
          %dma_wait3A_157 = arith.constant 0 : i32
          %dma_wait3A_158 = arith.constant 0 : i32
          %dma_wait3A_159 = tpu.memref_slice %arg2[%dma_wait3A_157, %dma_wait3A_158] : memref<10000x128xf32, #tpu.memory_space<hbm>> -> memref<80x128xf32, #tpu.memory_space<hbm>>
          %dma_wait3A_160 = arith.constant 0 : i32
          %dma_wait3A_161 = arith.constant 0 : i32
          %dma_wait3A_162 = tpu.memref_slice %arg2[%dma_wait3A_160, %dma_wait3A_161] : memref<10000x128xf32, #tpu.memory_space<hbm>> -> memref<80x128xf32, #tpu.memory_space<hbm>>
          tpu.wait_dma2 semaphore(%arg21 : memref<!tpu.dma_semaphore, #tpu.memory_space<semaphore_mem>>) src(%dma_wait3A_162 : memref<80x128xf32, #tpu.memory_space<hbm>>) dst(%arg17 : memref<80x128xf32, #tpu.memory_space<vmem>>)
        } else {
        }
        %mul3A_142 = arith.constant 10240 : i32
        %mul3A_143 = arith.muli %arg1, %mul3A_142 : i32
        %mul3A_144 = arith.constant 80 : i32
        %mul3A_145 = arith.muli %add3A_137, %mul3A_144 : i32
        %add3A_146 = arith.addi %mul3A_143, %mul3A_145 : i32
        "tpu.region"() ({
          %run_scoped3A = tpu.sem_alloc : memref<!tpu.dma_semaphore, #tpu.memory_space<semaphore_mem>>
          %dma_start3A_157 = tpu.memref_slice %arg4[%add3A_146] : memref<163840xi32, #tpu.memory_space<hbm>> -> memref<80xi32, #tpu.memory_space<hbm>>
          %dma_start3A_158 = tpu.memref_slice %arg4[%add3A_146] : memref<163840xi32, #tpu.memory_space<hbm>> -> memref<80xi32, #tpu.memory_space<hbm>>
          tpu.enqueue_dma source(%dma_start3A_158 : memref<80xi32, #tpu.memory_space<hbm>>) target(%arg11 : memref<80xi32, #tpu.memory_space<vmem>>) target_semaphore(%run_scoped3A : memref<!tpu.dma_semaphore, #tpu.memory_space<semaphore_mem>>)
          %dma_wait3A_159 = tpu.memref_slice %arg4[%add3A_146] : memref<163840xi32, #tpu.memory_space<hbm>> -> memref<80xi32, #tpu.memory_space<hbm>>
          %dma_wait3A_160 = tpu.memref_slice %arg4[%add3A_146] : memref<163840xi32, #tpu.memory_space<hbm>> -> memref<80xi32, #tpu.memory_space<hbm>>
          tpu.wait_dma2 semaphore(%run_scoped3A : memref<!tpu.dma_semaphore, #tpu.memory_space<semaphore_mem>>) src(%dma_wait3A_160 : memref<80xi32, #tpu.memory_space<hbm>>) dst(%arg11 : memref<80xi32, #tpu.memory_space<vmem>>)
          tpu.yield
        }) : () -> ()
        "tpu.region"() ({
          %run_scoped3A = tpu.sem_alloc : memref<!tpu.dma_semaphore, #tpu.memory_space<semaphore_mem>>
          %dma_start3A_157 = tpu.memref_slice %arg5[%add3A_146] : memref<163840xi32, #tpu.memory_space<hbm>> -> memref<80xi32, #tpu.memory_space<hbm>>
          %dma_start3A_158 = tpu.memref_slice %arg5[%add3A_146] : memref<163840xi32, #tpu.memory_space<hbm>> -> memref<80xi32, #tpu.memory_space<hbm>>
          tpu.enqueue_dma source(%dma_start3A_158 : memref<80xi32, #tpu.memory_space<hbm>>) target(%arg13 : memref<80xi32, #tpu.memory_space<vmem>>) target_semaphore(%run_scoped3A : memref<!tpu.dma_semaphore, #tpu.memory_space<semaphore_mem>>)
          %dma_wait3A_159 = tpu.memref_slice %arg5[%add3A_146] : memref<163840xi32, #tpu.memory_space<hbm>> -> memref<80xi32, #tpu.memory_space<hbm>>
          %dma_wait3A_160 = tpu.memref_slice %arg5[%add3A_146] : memref<163840xi32, #tpu.memory_space<hbm>> -> memref<80xi32, #tpu.memory_space<hbm>>
          tpu.wait_dma2 semaphore(%run_scoped3A : memref<!tpu.dma_semaphore, #tpu.memory_space<semaphore_mem>>) src(%dma_wait3A_160 : memref<80xi32, #tpu.memory_space<hbm>>) dst(%arg13 : memref<80xi32, #tpu.memory_space<vmem>>)
          tpu.yield
        }) : () -> ()
        "tpu.region"() ({
          %run_scoped3A = tpu.sem_alloc : memref<!tpu.dma_semaphore, #tpu.memory_space<semaphore_mem>>
          %dma_start3A_157 = tpu.memref_slice %arg6[%add3A_146] : memref<163840xf32, #tpu.memory_space<hbm>> -> memref<80xf32, #tpu.memory_space<hbm>>
          %dma_start3A_158 = tpu.memref_slice %arg6[%add3A_146] : memref<163840xf32, #tpu.memory_space<hbm>> -> memref<80xf32, #tpu.memory_space<hbm>>
          tpu.enqueue_dma source(%dma_start3A_158 : memref<80xf32, #tpu.memory_space<hbm>>) target(%arg15 : memref<80xf32, #tpu.memory_space<vmem>>) target_semaphore(%run_scoped3A : memref<!tpu.dma_semaphore, #tpu.memory_space<semaphore_mem>>)
          %dma_wait3A_159 = tpu.memref_slice %arg6[%add3A_146] : memref<163840xf32, #tpu.memory_space<hbm>> -> memref<80xf32, #tpu.memory_space<hbm>>
          %dma_wait3A_160 = tpu.memref_slice %arg6[%add3A_146] : memref<163840xf32, #tpu.memory_space<hbm>> -> memref<80xf32, #tpu.memory_space<hbm>>
          tpu.wait_dma2 semaphore(%run_scoped3A : memref<!tpu.dma_semaphore, #tpu.memory_space<semaphore_mem>>) src(%dma_wait3A_160 : memref<80xf32, #tpu.memory_space<hbm>>) dst(%arg15 : memref<80xf32, #tpu.memory_space<vmem>>)
          tpu.yield
        }) : () -> ()
        %eq3A_147 = arith.constant 0 : i32
        %eq3A_148 = arith.cmpi eq, %arg0, %eq3A_147 : i32
        %convert_element_type3A_149 = arith.extui %eq3A_148 : i1 to i32
        %cond3A_150 = arith.constant 0 : i32
        %cond3A_151 = arith.cmpi ne, %convert_element_type3A_149, %cond3A_150 : i32
        scf.if %cond3A_151 {
          %dma_start3A_157 = arith.constant 0 : i32
          %dma_start3A_158 = arith.constant 0 : i32
          %dma_start3A_159 = tpu.memref_slice %arg2[%dma_start3A_157, %dma_start3A_158] : memref<10000x128xf32, #tpu.memory_space<hbm>> -> memref<10000x128xf32, #tpu.memory_space<hbm>>
          tpu.enqueue_indirect_dma source(%dma_start3A_159 : memref<10000x128xf32, #tpu.memory_space<hbm>>) target(%arg17 : memref<80x128xf32, #tpu.memory_space<vmem>>) offsets(%arg11 : memref<80xi32, #tpu.memory_space<vmem>>) semaphore(%arg19 : memref<!tpu.dma_semaphore, #tpu.memory_space<semaphore_mem>>)
        } else {
        }
        %eq3A_152 = arith.constant 1 : i32
        %eq3A_153 = arith.cmpi eq, %arg0, %eq3A_152 : i32
        %convert_element_type3A_154 = arith.extui %eq3A_153 : i1 to i32
        %cond3A_155 = arith.constant 0 : i32
        %cond3A_156 = arith.cmpi ne, %convert_element_type3A_154, %cond3A_155 : i32
        scf.if %cond3A_156 {
          %dma_start3A_157 = arith.constant 0 : i32
          %dma_start3A_158 = arith.constant 0 : i32
          %dma_start3A_159 = tpu.memref_slice %arg3[%dma_start3A_157, %dma_start3A_158] : memref<10000x128xf32, #tpu.memory_space<hbm>> -> memref<10000x128xf32, #tpu.memory_space<hbm>>
          tpu.enqueue_indirect_dma source(%dma_start3A_159 : memref<10000x128xf32, #tpu.memory_space<hbm>>) target(%arg17 : memref<80x128xf32, #tpu.memory_space<vmem>>) offsets(%arg11 : memref<80xi32, #tpu.memory_space<vmem>>) semaphore(%arg19 : memref<!tpu.dma_semaphore, #tpu.memory_space<semaphore_mem>>)
        } else {
        }
      } else {
      }
      %dma_wait3A_96 = arith.constant 0 : i32
      %dma_wait3A_97 = arith.constant 0 : i32
      %dma_wait3A_98 = tpu.memref_slice %arg2[%dma_wait3A_96, %dma_wait3A_97] : memref<10000x128xf32, #tpu.memory_space<hbm>> -> memref<80x128xf32, #tpu.memory_space<hbm>>
      %dma_wait3A_99 = arith.constant 0 : i32
      %dma_wait3A_100 = arith.constant 0 : i32
      %dma_wait3A_101 = tpu.memref_slice %arg2[%dma_wait3A_99, %dma_wait3A_100] : memref<10000x128xf32, #tpu.memory_space<hbm>> -> memref<80x128xf32, #tpu.memory_space<hbm>>
      tpu.wait_dma2 semaphore(%arg18 : memref<!tpu.dma_semaphore, #tpu.memory_space<semaphore_mem>>) src(%dma_wait3A_101 : memref<80x128xf32, #tpu.memory_space<hbm>>) dst(%arg16 : memref<80x128xf32, #tpu.memory_space<vmem>>)
      %scan3A_102 = arith.constant 0 : i32
      %scan3A_103 = arith.constant 0 : i32
      %scan3A_104 = arith.constant 80 : i32
      %scan3A_105 = arith.addi %scan3A_103, %scan3A_104 : i32
      %scan3A_106 = arith.constant 1 : i32
      scf.for %scan3A_136 = %scan3A_103 to %scan3A_105 step %scan3A_106  : i32 {
        %get3A = arith.index_cast %scan3A_136 : i32 to index
        %get3A_137 = tpu.vector_load %arg14[%get3A] {strides = array<i32>} : memref<80xf32, #tpu.memory_space<vmem>>, vector<1xf32>,
        %get3A_138 = vector.shape_cast %get3A_137 : vector<1xf32> to vector<1xf32>
        %squeeze3A = vector.extract %get3A_138[0] : f32 from vector<1xf32>
        %get3A_139 = arith.index_cast %scan3A_136 : i32 to index
        %get3A_140 = arith.constant 0 : index
        %get3A_141 = tpu.vector_load %arg16[%get3A_139, %get3A_140] {strides = array<i32>} : memref<80x128xf32, #tpu.memory_space<vmem>>, vector<1x16xf32>,
        %get3A_142 = vector.shape_cast %get3A_141 : vector<1x16xf32> to vector<16xf32>
        %mul3A_143 = vector.broadcast %squeeze3A : f32 to vector<16xf32>
        %mul3A_144 = arith.mulf %get3A_142, %mul3A_143 : vector<16xf32>
        %swap3A = arith.index_cast %scan3A_136 : i32 to index
        %swap3A_145 = arith.constant 0 : index
        %swap3A_146 = tpu.vector_load %arg16[%swap3A, %swap3A_145] {strides = array<i32>} : memref<80x128xf32, #tpu.memory_space<vmem>>, vector<1x16xf32>,
        %swap3A_147 = vector.shape_cast %swap3A_146 : vector<1x16xf32> to vector<16xf32>
        %swap3A_148 = vector.shape_cast %mul3A_144 : vector<16xf32> to vector<1x16xf32>
        tpu.vector_store %arg16[%swap3A, %swap3A_145], %swap3A_148 {strides = array<i32>} : memref<80x128xf32, #tpu.memory_space<vmem>>, vector<1x16xf32>,
        %get3A_149 = arith.index_cast %scan3A_136 : i32 to index
        %get3A_150 = arith.constant 16 : index
        %get3A_151 = tpu.vector_load %arg16[%get3A_149, %get3A_150] {strides = array<i32>} : memref<80x128xf32, #tpu.memory_space<vmem>>, vector<1x16xf32>,
        %get3A_152 = vector.shape_cast %get3A_151 : vector<1x16xf32> to vector<16xf32>
        %mul3A_153 = vector.broadcast %squeeze3A : f32 to vector<16xf32>
        %mul3A_154 = arith.mulf %get3A_152, %mul3A_153 : vector<16xf32>
        %swap3A_155 = arith.index_cast %scan3A_136 : i32 to index
        %swap3A_156 = arith.constant 16 : index
        %swap3A_157 = tpu.vector_load %arg16[%swap3A_155, %swap3A_156] {strides = array<i32>} : memref<80x128xf32, #tpu.memory_space<vmem>>, vector<1x16xf32>,
        %swap3A_158 = vector.shape_cast %swap3A_157 : vector<1x16xf32> to vector<16xf32>
        %swap3A_159 = vector.shape_cast %mul3A_154 : vector<16xf32> to vector<1x16xf32>
        tpu.vector_store %arg16[%swap3A_155, %swap3A_156], %swap3A_159 {strides = array<i32>} : memref<80x128xf32, #tpu.memory_space<vmem>>, vector<1x16xf32>,
        %get3A_160 = arith.index_cast %scan3A_136 : i32 to index
        %get3A_161 = arith.constant 32 : index
        %get3A_162 = tpu.vector_load %arg16[%get3A_160, %get3A_161] {strides = array<i32>} : memref<80x128xf32, #tpu.memory_space<vmem>>, vector<1x16xf32>,
        %get3A_163 = vector.shape_cast %get3A_162 : vector<1x16xf32> to vector<16xf32>
        %mul3A_164 = vector.broadcast %squeeze3A : f32 to vector<16xf32>
        %mul3A_165 = arith.mulf %get3A_163, %mul3A_164 : vector<16xf32>
        %swap3A_166 = arith.index_cast %scan3A_136 : i32 to index
        %swap3A_167 = arith.constant 32 : index
        %swap3A_168 = tpu.vector_load %arg16[%swap3A_166, %swap3A_167] {strides = array<i32>} : memref<80x128xf32, #tpu.memory_space<vmem>>, vector<1x16xf32>,
        %swap3A_169 = vector.shape_cast %swap3A_168 : vector<1x16xf32> to vector<16xf32>
        %swap3A_170 = vector.shape_cast %mul3A_165 : vector<16xf32> to vector<1x16xf32>
        tpu.vector_store %arg16[%swap3A_166, %swap3A_167], %swap3A_170 {strides = array<i32>} : memref<80x128xf32, #tpu.memory_space<vmem>>, vector<1x16xf32>,
        %get3A_171 = arith.index_cast %scan3A_136 : i32 to index
        %get3A_172 = arith.constant 48 : index
        %get3A_173 = tpu.vector_load %arg16[%get3A_171, %get3A_172] {strides = array<i32>} : memref<80x128xf32, #tpu.memory_space<vmem>>, vector<1x16xf32>,
        %get3A_174 = vector.shape_cast %get3A_173 : vector<1x16xf32> to vector<16xf32>
        %mul3A_175 = vector.broadcast %squeeze3A : f32 to vector<16xf32>
        %mul3A_176 = arith.mulf %get3A_174, %mul3A_175 : vector<16xf32>
        %swap3A_177 = arith.index_cast %scan3A_136 : i32 to index
        %swap3A_178 = arith.constant 48 : index
        %swap3A_179 = tpu.vector_load %arg16[%swap3A_177, %swap3A_178] {strides = array<i32>} : memref<80x128xf32, #tpu.memory_space<vmem>>, vector<1x16xf32>,
        %swap3A_180 = vector.shape_cast %swap3A_179 : vector<1x16xf32> to vector<16xf32>
        %swap3A_181 = vector.shape_cast %mul3A_176 : vector<16xf32> to vector<1x16xf32>
        tpu.vector_store %arg16[%swap3A_177, %swap3A_178], %swap3A_181 {strides = array<i32>} : memref<80x128xf32, #tpu.memory_space<vmem>>, vector<1x16xf32>,
        %get3A_182 = arith.index_cast %scan3A_136 : i32 to index
        %get3A_183 = arith.constant 64 : index
        %get3A_184 = tpu.vector_load %arg16[%get3A_182, %get3A_183] {strides = array<i32>} : memref<80x128xf32, #tpu.memory_space<vmem>>, vector<1x16xf32>,
        %get3A_185 = vector.shape_cast %get3A_184 : vector<1x16xf32> to vector<16xf32>
        %mul3A_186 = vector.broadcast %squeeze3A : f32 to vector<16xf32>
        %mul3A_187 = arith.mulf %get3A_185, %mul3A_186 : vector<16xf32>
        %swap3A_188 = arith.index_cast %scan3A_136 : i32 to index
        %swap3A_189 = arith.constant 64 : index
        %swap3A_190 = tpu.vector_load %arg16[%swap3A_188, %swap3A_189] {strides = array<i32>} : memref<80x128xf32, #tpu.memory_space<vmem>>, vector<1x16xf32>,
        %swap3A_191 = vector.shape_cast %swap3A_190 : vector<1x16xf32> to vector<16xf32>
        %swap3A_192 = vector.shape_cast %mul3A_187 : vector<16xf32> to vector<1x16xf32>
        tpu.vector_store %arg16[%swap3A_188, %swap3A_189], %swap3A_192 {strides = array<i32>} : memref<80x128xf32, #tpu.memory_space<vmem>>, vector<1x16xf32>,
        %get3A_193 = arith.index_cast %scan3A_136 : i32 to index
        %get3A_194 = arith.constant 80 : index
        %get3A_195 = tpu.vector_load %arg16[%get3A_193, %get3A_194] {strides = array<i32>} : memref<80x128xf32, #tpu.memory_space<vmem>>, vector<1x16xf32>,
        %get3A_196 = vector.shape_cast %get3A_195 : vector<1x16xf32> to vector<16xf32>
        %mul3A_197 = vector.broadcast %squeeze3A : f32 to vector<16xf32>
        %mul3A_198 = arith.mulf %get3A_196, %mul3A_197 : vector<16xf32>
        %swap3A_199 = arith.index_cast %scan3A_136 : i32 to index
        %swap3A_200 = arith.constant 80 : index
        %swap3A_201 = tpu.vector_load %arg16[%swap3A_199, %swap3A_200] {strides = array<i32>} : memref<80x128xf32, #tpu.memory_space<vmem>>, vector<1x16xf32>,
        %swap3A_202 = vector.shape_cast %swap3A_201 : vector<1x16xf32> to vector<16xf32>
        %swap3A_203 = vector.shape_cast %mul3A_198 : vector<16xf32> to vector<1x16xf32>
        tpu.vector_store %arg16[%swap3A_199, %swap3A_200], %swap3A_203 {strides = array<i32>} : memref<80x128xf32, #tpu.memory_space<vmem>>, vector<1x16xf32>,
        %get3A_204 = arith.index_cast %scan3A_136 : i32 to index
        %get3A_205 = arith.constant 96 : index
        %get3A_206 = tpu.vector_load %arg16[%get3A_204, %get3A_205] {strides = array<i32>} : memref<80x128xf32, #tpu.memory_space<vmem>>, vector<1x16xf32>,
        %get3A_207 = vector.shape_cast %get3A_206 : vector<1x16xf32> to vector<16xf32>
        %mul3A_208 = vector.broadcast %squeeze3A : f32 to vector<16xf32>
        %mul3A_209 = arith.mulf %get3A_207, %mul3A_208 : vector<16xf32>
        %swap3A_210 = arith.index_cast %scan3A_136 : i32 to index
        %swap3A_211 = arith.constant 96 : index
        %swap3A_212 = tpu.vector_load %arg16[%swap3A_210, %swap3A_211] {strides = array<i32>} : memref<80x128xf32, #tpu.memory_space<vmem>>, vector<1x16xf32>,
        %swap3A_213 = vector.shape_cast %swap3A_212 : vector<1x16xf32> to vector<16xf32>
        %swap3A_214 = vector.shape_cast %mul3A_209 : vector<16xf32> to vector<1x16xf32>
        tpu.vector_store %arg16[%swap3A_210, %swap3A_211], %swap3A_214 {strides = array<i32>} : memref<80x128xf32, #tpu.memory_space<vmem>>, vector<1x16xf32>,
        %get3A_215 = arith.index_cast %scan3A_136 : i32 to index
        %get3A_216 = arith.constant 112 : index
        %get3A_217 = tpu.vector_load %arg16[%get3A_215, %get3A_216] {strides = array<i32>} : memref<80x128xf32, #tpu.memory_space<vmem>>, vector<1x16xf32>,
        %get3A_218 = vector.shape_cast %get3A_217 : vector<1x16xf32> to vector<16xf32>
        %mul3A_219 = vector.broadcast %squeeze3A : f32 to vector<16xf32>
        %mul3A_220 = arith.mulf %get3A_218, %mul3A_219 : vector<16xf32>
        %swap3A_221 = arith.index_cast %scan3A_136 : i32 to index
        %swap3A_222 = arith.constant 112 : index
        %swap3A_223 = tpu.vector_load %arg16[%swap3A_221, %swap3A_222] {strides = array<i32>} : memref<80x128xf32, #tpu.memory_space<vmem>>, vector<1x16xf32>,
        %swap3A_224 = vector.shape_cast %swap3A_223 : vector<1x16xf32> to vector<16xf32>
        %swap3A_225 = vector.shape_cast %mul3A_220 : vector<16xf32> to vector<1x16xf32>
        tpu.vector_store %arg16[%swap3A_221, %swap3A_222], %swap3A_225 {strides = array<i32>} : memref<80x128xf32, #tpu.memory_space<vmem>>, vector<1x16xf32>,
      }
      %scan3A_107 = arith.constant 80 : i32
      %dma_start3A = arith.constant 0 : i32
      %dma_start3A_108 = arith.constant 0 : i32
      %dma_start3A_109 = tpu.memref_slice %arg9[%dma_start3A, %dma_start3A_108] : memref<10000x128xf32, #tpu.memory_space<vmem_shared>> -> memref<10000x128xf32, #tpu.memory_space<vmem_shared>>
      tpu.enqueue_indirect_dma source(%arg16 : memref<80x128xf32, #tpu.memory_space<vmem>>) target(%dma_start3A_109 : memref<10000x128xf32, #tpu.memory_space<vmem_shared>>) offsets(%arg12 : memref<80xi32, #tpu.memory_space<vmem>>) semaphore(%arg20 : memref<!tpu.dma_semaphore, #tpu.memory_space<semaphore_mem>>) {add = true}
      %mul3A_110 = arith.constant 2 : i32
      %mul3A_111 = arith.muli %mul3A_110, %scan3A_86 : i32
      %add3A_112 = arith.constant 1 : i32
      %add3A_113 = arith.addi %mul3A_111, %add3A_112 : i32
      %add3A_114 = arith.constant 1 : i32
      %add3A_115 = arith.addi %add3A_113, %add3A_114 : i32
      %lt3A_116 = arith.constant 128 : i32
      %lt3A_117 = arith.cmpi slt, %add3A_115, %lt3A_116 : i32
      %convert_element_type3A_118 = arith.extui %lt3A_117 : i1 to i32
      %cond3A_119 = arith.constant 0 : i32
      %cond3A_120 = arith.cmpi ne, %convert_element_type3A_118, %cond3A_119 : i32
      scf.if %cond3A_120 {
        %add3A_136 = arith.constant 1 : i32
        %add3A_137 = arith.addi %add3A_113, %add3A_136 : i32
        %ge3A = arith.constant 2 : i32
        %ge3A_138 = arith.cmpi sge, %add3A_137, %ge3A : i32
        %convert_element_type3A_139 = arith.extui %ge3A_138 : i1 to i32
        %cond3A_140 = arith.constant 0 : i32
        %cond3A_141 = arith.cmpi ne, %convert_element_type3A_139, %cond3A_140 : i32
        scf.if %cond3A_141 {
          %dma_wait3A_157 = arith.constant 0 : i32
          %dma_wait3A_158 = arith.constant 0 : i32
          %dma_wait3A_159 = tpu.memref_slice %arg2[%dma_wait3A_157, %dma_wait3A_158] : memref<10000x128xf32, #tpu.memory_space<hbm>> -> memref<80x128xf32, #tpu.memory_space<hbm>>
          %dma_wait3A_160 = arith.constant 0 : i32
          %dma_wait3A_161 = arith.constant 0 : i32
          %dma_wait3A_162 = tpu.memref_slice %arg2[%dma_wait3A_160, %dma_wait3A_161] : memref<10000x128xf32, #tpu.memory_space<hbm>> -> memref<80x128xf32, #tpu.memory_space<hbm>>
          tpu.wait_dma2 semaphore(%arg20 : memref<!tpu.dma_semaphore, #tpu.memory_space<semaphore_mem>>) src(%dma_wait3A_162 : memref<80x128xf32, #tpu.memory_space<hbm>>) dst(%arg16 : memref<80x128xf32, #tpu.memory_space<vmem>>)
        } else {
        }
        %mul3A_142 = arith.constant 10240 : i32
        %mul3A_143 = arith.muli %arg1, %mul3A_142 : i32
        %mul3A_144 = arith.constant 80 : i32
        %mul3A_145 = arith.muli %add3A_137, %mul3A_144 : i32
        %add3A_146 = arith.addi %mul3A_143, %mul3A_145 : i32
        "tpu.region"() ({
          %run_scoped3A = tpu.sem_alloc : memref<!tpu.dma_semaphore, #tpu.memory_space<semaphore_mem>>
          %dma_start3A_157 = tpu.memref_slice %arg4[%add3A_146] : memref<163840xi32, #tpu.memory_space<hbm>> -> memref<80xi32, #tpu.memory_space<hbm>>
          %dma_start3A_158 = tpu.memref_slice %arg4[%add3A_146] : memref<163840xi32, #tpu.memory_space<hbm>> -> memref<80xi32, #tpu.memory_space<hbm>>
          tpu.enqueue_dma source(%dma_start3A_158 : memref<80xi32, #tpu.memory_space<hbm>>) target(%arg10 : memref<80xi32, #tpu.memory_space<vmem>>) target_semaphore(%run_scoped3A : memref<!tpu.dma_semaphore, #tpu.memory_space<semaphore_mem>>)
          %dma_wait3A_159 = tpu.memref_slice %arg4[%add3A_146] : memref<163840xi32, #tpu.memory_space<hbm>> -> memref<80xi32, #tpu.memory_space<hbm>>
          %dma_wait3A_160 = tpu.memref_slice %arg4[%add3A_146] : memref<163840xi32, #tpu.memory_space<hbm>> -> memref<80xi32, #tpu.memory_space<hbm>>
          tpu.wait_dma2 semaphore(%run_scoped3A : memref<!tpu.dma_semaphore, #tpu.memory_space<semaphore_mem>>) src(%dma_wait3A_160 : memref<80xi32, #tpu.memory_space<hbm>>) dst(%arg10 : memref<80xi32, #tpu.memory_space<vmem>>)
          tpu.yield
        }) : () -> ()
        "tpu.region"() ({
          %run_scoped3A = tpu.sem_alloc : memref<!tpu.dma_semaphore, #tpu.memory_space<semaphore_mem>>
          %dma_start3A_157 = tpu.memref_slice %arg5[%add3A_146] : memref<163840xi32, #tpu.memory_space<hbm>> -> memref<80xi32, #tpu.memory_space<hbm>>
          %dma_start3A_158 = tpu.memref_slice %arg5[%add3A_146] : memref<163840xi32, #tpu.memory_space<hbm>> -> memref<80xi32, #tpu.memory_space<hbm>>
          tpu.enqueue_dma source(%dma_start3A_158 : memref<80xi32, #tpu.memory_space<hbm>>) target(%arg12 : memref<80xi32, #tpu.memory_space<vmem>>) target_semaphore(%run_scoped3A : memref<!tpu.dma_semaphore, #tpu.memory_space<semaphore_mem>>)
          %dma_wait3A_159 = tpu.memref_slice %arg5[%add3A_146] : memref<163840xi32, #tpu.memory_space<hbm>> -> memref<80xi32, #tpu.memory_space<hbm>>
          %dma_wait3A_160 = tpu.memref_slice %arg5[%add3A_146] : memref<163840xi32, #tpu.memory_space<hbm>> -> memref<80xi32, #tpu.memory_space<hbm>>
          tpu.wait_dma2 semaphore(%run_scoped3A : memref<!tpu.dma_semaphore, #tpu.memory_space<semaphore_mem>>) src(%dma_wait3A_160 : memref<80xi32, #tpu.memory_space<hbm>>) dst(%arg12 : memref<80xi32, #tpu.memory_space<vmem>>)
          tpu.yield
        }) : () -> ()
        "tpu.region"() ({
          %run_scoped3A = tpu.sem_alloc : memref<!tpu.dma_semaphore, #tpu.memory_space<semaphore_mem>>
          %dma_start3A_157 = tpu.memref_slice %arg6[%add3A_146] : memref<163840xf32, #tpu.memory_space<hbm>> -> memref<80xf32, #tpu.memory_space<hbm>>
          %dma_start3A_158 = tpu.memref_slice %arg6[%add3A_146] : memref<163840xf32, #tpu.memory_space<hbm>> -> memref<80xf32, #tpu.memory_space<hbm>>
          tpu.enqueue_dma source(%dma_start3A_158 : memref<80xf32, #tpu.memory_space<hbm>>) target(%arg14 : memref<80xf32, #tpu.memory_space<vmem>>) target_semaphore(%run_scoped3A : memref<!tpu.dma_semaphore, #tpu.memory_space<semaphore_mem>>)
          %dma_wait3A_159 = tpu.memref_slice %arg6[%add3A_146] : memref<163840xf32, #tpu.memory_space<hbm>> -> memref<80xf32, #tpu.memory_space<hbm>>
          %dma_wait3A_160 = tpu.memref_slice %arg6[%add3A_146] : memref<163840xf32, #tpu.memory_space<hbm>> -> memref<80xf32, #tpu.memory_space<hbm>>
          tpu.wait_dma2 semaphore(%run_scoped3A : memref<!tpu.dma_semaphore, #tpu.memory_space<semaphore_mem>>) src(%dma_wait3A_160 : memref<80xf32, #tpu.memory_space<hbm>>) dst(%arg14 : memref<80xf32, #tpu.memory_space<vmem>>)
          tpu.yield
        }) : () -> ()
        %eq3A_147 = arith.constant 0 : i32
        %eq3A_148 = arith.cmpi eq, %arg0, %eq3A_147 : i32
        %convert_element_type3A_149 = arith.extui %eq3A_148 : i1 to i32
        %cond3A_150 = arith.constant 0 : i32
        %cond3A_151 = arith.cmpi ne, %convert_element_type3A_149, %cond3A_150 : i32
        scf.if %cond3A_151 {
          %dma_start3A_157 = arith.constant 0 : i32
          %dma_start3A_158 = arith.constant 0 : i32
          %dma_start3A_159 = tpu.memref_slice %arg2[%dma_start3A_157, %dma_start3A_158] : memref<10000x128xf32, #tpu.memory_space<hbm>> -> memref<10000x128xf32, #tpu.memory_space<hbm>>
          tpu.enqueue_indirect_dma source(%dma_start3A_159 : memref<10000x128xf32, #tpu.memory_space<hbm>>) target(%arg16 : memref<80x128xf32, #tpu.memory_space<vmem>>) offsets(%arg10 : memref<80xi32, #tpu.memory_space<vmem>>) semaphore(%arg18 : memref<!tpu.dma_semaphore, #tpu.memory_space<semaphore_mem>>)
        } else {
        }
        %eq3A_152 = arith.constant 1 : i32
        %eq3A_153 = arith.cmpi eq, %arg0, %eq3A_152 : i32
        %convert_element_type3A_154 = arith.extui %eq3A_153 : i1 to i32
        %cond3A_155 = arith.constant 0 : i32
        %cond3A_156 = arith.cmpi ne, %convert_element_type3A_154, %cond3A_155 : i32
        scf.if %cond3A_156 {
          %dma_start3A_157 = arith.constant 0 : i32
          %dma_start3A_158 = arith.constant 0 : i32
          %dma_start3A_159 = tpu.memref_slice %arg3[%dma_start3A_157, %dma_start3A_158] : memref<10000x128xf32, #tpu.memory_space<hbm>> -> memref<10000x128xf32, #tpu.memory_space<hbm>>
          tpu.enqueue_indirect_dma source(%dma_start3A_159 : memref<10000x128xf32, #tpu.memory_space<hbm>>) target(%arg16 : memref<80x128xf32, #tpu.memory_space<vmem>>) offsets(%arg10 : memref<80xi32, #tpu.memory_space<vmem>>) semaphore(%arg18 : memref<!tpu.dma_semaphore, #tpu.memory_space<semaphore_mem>>)
        } else {
        }
      } else {
      }
      %dma_wait3A_121 = arith.constant 0 : i32
      %dma_wait3A_122 = arith.constant 0 : i32
      %dma_wait3A_123 = tpu.memref_slice %arg2[%dma_wait3A_121, %dma_wait3A_122] : memref<10000x128xf32, #tpu.memory_space<hbm>> -> memref<80x128xf32, #tpu.memory_space<hbm>>
      %dma_wait3A_124 = arith.constant 0 : i32
      %dma_wait3A_125 = arith.constant 0 : i32
      %dma_wait3A_126 = tpu.memref_slice %arg2[%dma_wait3A_124, %dma_wait3A_125] : memref<10000x128xf32, #tpu.memory_space<hbm>> -> memref<80x128xf32, #tpu.memory_space<hbm>>
      tpu.wait_dma2 semaphore(%arg19 : memref<!tpu.dma_semaphore, #tpu.memory_space<semaphore_mem>>) src(%dma_wait3A_126 : memref<80x128xf32, #tpu.memory_space<hbm>>) dst(%arg17 : memref<80x128xf32, #tpu.memory_space<vmem>>)
      %scan3A_127 = arith.constant 0 : i32
      %scan3A_128 = arith.constant 0 : i32
      %scan3A_129 = arith.constant 80 : i32
      %scan3A_130 = arith.addi %scan3A_128, %scan3A_129 : i32
      %scan3A_131 = arith.constant 1 : i32
      scf.for %scan3A_136 = %scan3A_128 to %scan3A_130 step %scan3A_131  : i32 {
        %get3A = arith.index_cast %scan3A_136 : i32 to index
        %get3A_137 = tpu.vector_load %arg15[%get3A] {strides = array<i32>} : memref<80xf32, #tpu.memory_space<vmem>>, vector<1xf32>,
        %get3A_138 = vector.shape_cast %get3A_137 : vector<1xf32> to vector<1xf32>
        %squeeze3A = vector.extract %get3A_138[0] : f32 from vector<1xf32>
        %get3A_139 = arith.index_cast %scan3A_136 : i32 to index
        %get3A_140 = arith.constant 0 : index
        %get3A_141 = tpu.vector_load %arg17[%get3A_139, %get3A_140] {strides = array<i32>} : memref<80x128xf32, #tpu.memory_space<vmem>>, vector<1x16xf32>,
        %get3A_142 = vector.shape_cast %get3A_141 : vector<1x16xf32> to vector<16xf32>
        %mul3A_143 = vector.broadcast %squeeze3A : f32 to vector<16xf32>
        %mul3A_144 = arith.mulf %get3A_142, %mul3A_143 : vector<16xf32>
        %swap3A = arith.index_cast %scan3A_136 : i32 to index
        %swap3A_145 = arith.constant 0 : index
        %swap3A_146 = tpu.vector_load %arg17[%swap3A, %swap3A_145] {strides = array<i32>} : memref<80x128xf32, #tpu.memory_space<vmem>>, vector<1x16xf32>,
        %swap3A_147 = vector.shape_cast %swap3A_146 : vector<1x16xf32> to vector<16xf32>
        %swap3A_148 = vector.shape_cast %mul3A_144 : vector<16xf32> to vector<1x16xf32>
        tpu.vector_store %arg17[%swap3A, %swap3A_145], %swap3A_148 {strides = array<i32>} : memref<80x128xf32, #tpu.memory_space<vmem>>, vector<1x16xf32>,
        %get3A_149 = arith.index_cast %scan3A_136 : i32 to index
        %get3A_150 = arith.constant 16 : index
        %get3A_151 = tpu.vector_load %arg17[%get3A_149, %get3A_150] {strides = array<i32>} : memref<80x128xf32, #tpu.memory_space<vmem>>, vector<1x16xf32>,
        %get3A_152 = vector.shape_cast %get3A_151 : vector<1x16xf32> to vector<16xf32>
        %mul3A_153 = vector.broadcast %squeeze3A : f32 to vector<16xf32>
        %mul3A_154 = arith.mulf %get3A_152, %mul3A_153 : vector<16xf32>
        %swap3A_155 = arith.index_cast %scan3A_136 : i32 to index
        %swap3A_156 = arith.constant 16 : index
        %swap3A_157 = tpu.vector_load %arg17[%swap3A_155, %swap3A_156] {strides = array<i32>} : memref<80x128xf32, #tpu.memory_space<vmem>>, vector<1x16xf32>,
        %swap3A_158 = vector.shape_cast %swap3A_157 : vector<1x16xf32> to vector<16xf32>
        %swap3A_159 = vector.shape_cast %mul3A_154 : vector<16xf32> to vector<1x16xf32>
        tpu.vector_store %arg17[%swap3A_155, %swap3A_156], %swap3A_159 {strides = array<i32>} : memref<80x128xf32, #tpu.memory_space<vmem>>, vector<1x16xf32>,
        %get3A_160 = arith.index_cast %scan3A_136 : i32 to index
        %get3A_161 = arith.constant 32 : index
        %get3A_162 = tpu.vector_load %arg17[%get3A_160, %get3A_161] {strides = array<i32>} : memref<80x128xf32, #tpu.memory_space<vmem>>, vector<1x16xf32>,
        %get3A_163 = vector.shape_cast %get3A_162 : vector<1x16xf32> to vector<16xf32>
        %mul3A_164 = vector.broadcast %squeeze3A : f32 to vector<16xf32>
        %mul3A_165 = arith.mulf %get3A_163, %mul3A_164 : vector<16xf32>
        %swap3A_166 = arith.index_cast %scan3A_136 : i32 to index
        %swap3A_167 = arith.constant 32 : index
        %swap3A_168 = tpu.vector_load %arg17[%swap3A_166, %swap3A_167] {strides = array<i32>} : memref<80x128xf32, #tpu.memory_space<vmem>>, vector<1x16xf32>,
        %swap3A_169 = vector.shape_cast %swap3A_168 : vector<1x16xf32> to vector<16xf32>
        %swap3A_170 = vector.shape_cast %mul3A_165 : vector<16xf32> to vector<1x16xf32>
        tpu.vector_store %arg17[%swap3A_166, %swap3A_167], %swap3A_170 {strides = array<i32>} : memref<80x128xf32, #tpu.memory_space<vmem>>, vector<1x16xf32>,
        %get3A_171 = arith.index_cast %scan3A_136 : i32 to index
        %get3A_172 = arith.constant 48 : index
        %get3A_173 = tpu.vector_load %arg17[%get3A_171, %get3A_172] {strides = array<i32>} : memref<80x128xf32, #tpu.memory_space<vmem>>, vector<1x16xf32>,
        %get3A_174 = vector.shape_cast %get3A_173 : vector<1x16xf32> to vector<16xf32>
        %mul3A_175 = vector.broadcast %squeeze3A : f32 to vector<16xf32>
        %mul3A_176 = arith.mulf %get3A_174, %mul3A_175 : vector<16xf32>
        %swap3A_177 = arith.index_cast %scan3A_136 : i32 to index
        %swap3A_178 = arith.constant 48 : index
        %swap3A_179 = tpu.vector_load %arg17[%swap3A_177, %swap3A_178] {strides = array<i32>} : memref<80x128xf32, #tpu.memory_space<vmem>>, vector<1x16xf32>,
        %swap3A_180 = vector.shape_cast %swap3A_179 : vector<1x16xf32> to vector<16xf32>
        %swap3A_181 = vector.shape_cast %mul3A_176 : vector<16xf32> to vector<1x16xf32>
        tpu.vector_store %arg17[%swap3A_177, %swap3A_178], %swap3A_181 {strides = array<i32>} : memref<80x128xf32, #tpu.memory_space<vmem>>, vector<1x16xf32>,
        %get3A_182 = arith.index_cast %scan3A_136 : i32 to index
        %get3A_183 = arith.constant 64 : index
        %get3A_184 = tpu.vector_load %arg17[%get3A_182, %get3A_183] {strides = array<i32>} : memref<80x128xf32, #tpu.memory_space<vmem>>, vector<1x16xf32>,
        %get3A_185 = vector.shape_cast %get3A_184 : vector<1x16xf32> to vector<16xf32>
        %mul3A_186 = vector.broadcast %squeeze3A : f32 to vector<16xf32>
        %mul3A_187 = arith.mulf %get3A_185, %mul3A_186 : vector<16xf32>
        %swap3A_188 = arith.index_cast %scan3A_136 : i32 to index
        %swap3A_189 = arith.constant 64 : index
        %swap3A_190 = tpu.vector_load %arg17[%swap3A_188, %swap3A_189] {strides = array<i32>} : memref<80x128xf32, #tpu.memory_space<vmem>>, vector<1x16xf32>,
        %swap3A_191 = vector.shape_cast %swap3A_190 : vector<1x16xf32> to vector<16xf32>
        %swap3A_192 = vector.shape_cast %mul3A_187 : vector<16xf32> to vector<1x16xf32>
        tpu.vector_store %arg17[%swap3A_188, %swap3A_189], %swap3A_192 {strides = array<i32>} : memref<80x128xf32, #tpu.memory_space<vmem>>, vector<1x16xf32>,
        %get3A_193 = arith.index_cast %scan3A_136 : i32 to index
        %get3A_194 = arith.constant 80 : index
        %get3A_195 = tpu.vector_load %arg17[%get3A_193, %get3A_194] {strides = array<i32>} : memref<80x128xf32, #tpu.memory_space<vmem>>, vector<1x16xf32>,
        %get3A_196 = vector.shape_cast %get3A_195 : vector<1x16xf32> to vector<16xf32>
        %mul3A_197 = vector.broadcast %squeeze3A : f32 to vector<16xf32>
        %mul3A_198 = arith.mulf %get3A_196, %mul3A_197 : vector<16xf32>
        %swap3A_199 = arith.index_cast %scan3A_136 : i32 to index
        %swap3A_200 = arith.constant 80 : index
        %swap3A_201 = tpu.vector_load %arg17[%swap3A_199, %swap3A_200] {strides = array<i32>} : memref<80x128xf32, #tpu.memory_space<vmem>>, vector<1x16xf32>,
        %swap3A_202 = vector.shape_cast %swap3A_201 : vector<1x16xf32> to vector<16xf32>
        %swap3A_203 = vector.shape_cast %mul3A_198 : vector<16xf32> to vector<1x16xf32>
        tpu.vector_store %arg17[%swap3A_199, %swap3A_200], %swap3A_203 {strides = array<i32>} : memref<80x128xf32, #tpu.memory_space<vmem>>, vector<1x16xf32>,
        %get3A_204 = arith.index_cast %scan3A_136 : i32 to index
        %get3A_205 = arith.constant 96 : index
        %get3A_206 = tpu.vector_load %arg17[%get3A_204, %get3A_205] {strides = array<i32>} : memref<80x128xf32, #tpu.memory_space<vmem>>, vector<1x16xf32>,
        %get3A_207 = vector.shape_cast %get3A_206 : vector<1x16xf32> to vector<16xf32>
        %mul3A_208 = vector.broadcast %squeeze3A : f32 to vector<16xf32>
        %mul3A_209 = arith.mulf %get3A_207, %mul3A_208 : vector<16xf32>
        %swap3A_210 = arith.index_cast %scan3A_136 : i32 to index
        %swap3A_211 = arith.constant 96 : index
        %swap3A_212 = tpu.vector_load %arg17[%swap3A_210, %swap3A_211] {strides = array<i32>} : memref<80x128xf32, #tpu.memory_space<vmem>>, vector<1x16xf32>,
        %swap3A_213 = vector.shape_cast %swap3A_212 : vector<1x16xf32> to vector<16xf32>
        %swap3A_214 = vector.shape_cast %mul3A_209 : vector<16xf32> to vector<1x16xf32>
        tpu.vector_store %arg17[%swap3A_210, %swap3A_211], %swap3A_214 {strides = array<i32>} : memref<80x128xf32, #tpu.memory_space<vmem>>, vector<1x16xf32>,
        %get3A_215 = arith.index_cast %scan3A_136 : i32 to index
        %get3A_216 = arith.constant 112 : index
        %get3A_217 = tpu.vector_load %arg17[%get3A_215, %get3A_216] {strides = array<i32>} : memref<80x128xf32, #tpu.memory_space<vmem>>, vector<1x16xf32>,
        %get3A_218 = vector.shape_cast %get3A_217 : vector<1x16xf32> to vector<16xf32>
        %mul3A_219 = vector.broadcast %squeeze3A : f32 to vector<16xf32>
        %mul3A_220 = arith.mulf %get3A_218, %mul3A_219 : vector<16xf32>
        %swap3A_221 = arith.index_cast %scan3A_136 : i32 to index
        %swap3A_222 = arith.constant 112 : index
        %swap3A_223 = tpu.vector_load %arg17[%swap3A_221, %swap3A_222] {strides = array<i32>} : memref<80x128xf32, #tpu.memory_space<vmem>>, vector<1x16xf32>,
        %swap3A_224 = vector.shape_cast %swap3A_223 : vector<1x16xf32> to vector<16xf32>
        %swap3A_225 = vector.shape_cast %mul3A_220 : vector<16xf32> to vector<1x16xf32>
        tpu.vector_store %arg17[%swap3A_221, %swap3A_222], %swap3A_225 {strides = array<i32>} : memref<80x128xf32, #tpu.memory_space<vmem>>, vector<1x16xf32>,
      }
      %scan3A_132 = arith.constant 80 : i32
      %dma_start3A_133 = arith.constant 0 : i32
      %dma_start3A_134 = arith.constant 0 : i32
      %dma_start3A_135 = tpu.memref_slice %arg9[%dma_start3A_133, %dma_start3A_134] : memref<10000x128xf32, #tpu.memory_space<vmem_shared>> -> memref<10000x128xf32, #tpu.memory_space<vmem_shared>>
      tpu.enqueue_indirect_dma source(%arg17 : memref<80x128xf32, #tpu.memory_space<vmem>>) target(%dma_start3A_135 : memref<10000x128xf32, #tpu.memory_space<vmem_shared>>) offsets(%arg13 : memref<80xi32, #tpu.memory_space<vmem>>) semaphore(%arg21 : memref<!tpu.dma_semaphore, #tpu.memory_space<semaphore_mem>>) {add = true}
    }
    %scan3A_42 = arith.constant 64 : i32
    %dma_wait3A = arith.constant 0 : i32
    %dma_wait3A_43 = arith.constant 0 : i32
    %dma_wait3A_44 = tpu.memref_slice %arg2[%dma_wait3A, %dma_wait3A_43] : memref<10000x128xf32, #tpu.memory_space<hbm>> -> memref<80x128xf32, #tpu.memory_space<hbm>>
    %dma_wait3A_45 = arith.constant 0 : i32
    %dma_wait3A_46 = arith.constant 0 : i32
    %dma_wait3A_47 = tpu.memref_slice %arg2[%dma_wait3A_45, %dma_wait3A_46] : memref<10000x128xf32, #tpu.memory_space<hbm>> -> memref<80x128xf32, #tpu.memory_space<hbm>>
    tpu.wait_dma2 semaphore(%arg20 : memref<!tpu.dma_semaphore, #tpu.memory_space<semaphore_mem>>) src(%dma_wait3A_47 : memref<80x128xf32, #tpu.memory_space<hbm>>) dst(%arg16 : memref<80x128xf32, #tpu.memory_space<vmem>>)
    %dma_wait3A_48 = arith.constant 0 : i32
    %dma_wait3A_49 = arith.constant 0 : i32
    %dma_wait3A_50 = tpu.memref_slice %arg2[%dma_wait3A_48, %dma_wait3A_49] : memref<10000x128xf32, #tpu.memory_space<hbm>> -> memref<80x128xf32, #tpu.memory_space<hbm>>
    %dma_wait3A_51 = arith.constant 0 : i32
    %dma_wait3A_52 = arith.constant 0 : i32
    %dma_wait3A_53 = tpu.memref_slice %arg2[%dma_wait3A_51, %dma_wait3A_52] : memref<10000x128xf32, #tpu.memory_space<hbm>> -> memref<80x128xf32, #tpu.memory_space<hbm>>
    tpu.wait_dma2 semaphore(%arg21 : memref<!tpu.dma_semaphore, #tpu.memory_space<semaphore_mem>>) src(%dma_wait3A_53 : memref<80x128xf32, #tpu.memory_space<hbm>>) dst(%arg17 : memref<80x128xf32, #tpu.memory_space<vmem>>)
    %barrier3A_54 = arith.constant 0 : index
    tpu.barrier barrier_id(%barrier3A_54)
    %eq3A_55 = arith.constant 0 : i32
    %eq3A_56 = arith.cmpi eq, %arg0, %eq3A_55 : i32
    %lt3A_57 = arith.constant 15 : i32
    %lt3A_58 = arith.cmpi slt, %arg1, %lt3A_57 : i32
    %and3A = arith.andi %eq3A_56, %lt3A_58 : i1
    %convert_element_type3A_59 = arith.extui %and3A : i1 to i32
    %cond3A_60 = arith.constant 0 : i32
    %cond3A_61 = arith.cmpi ne, %convert_element_type3A_59, %cond3A_60 : i32
    scf.if %cond3A_61 {
      "tpu.region"() ({
        %run_scoped3A = tpu.sem_alloc : memref<!tpu.dma_semaphore, #tpu.memory_space<semaphore_mem>>
        %dma_start3A = arith.constant 0 : i32
        %dma_start3A_86 = tpu.memref_slice %arg7[%multiple_of3A, %dma_start3A] : memref<10000x128xf32, #tpu.memory_space<hbm>> -> memref<632x128xf32, #tpu.memory_space<hbm>>
        %dma_start3A_87 = arith.constant 0 : i32
        %dma_start3A_88 = tpu.memref_slice %arg9[%multiple_of3A, %dma_start3A_87] : memref<10000x128xf32, #tpu.memory_space<vmem_shared>> -> memref<632x128xf32, #tpu.memory_space<vmem_shared>>
        tpu.enqueue_dma source(%dma_start3A_88 : memref<632x128xf32, #tpu.memory_space<vmem_shared>>) target(%dma_start3A_86 : memref<632x128xf32, #tpu.memory_space<hbm>>) target_semaphore(%run_scoped3A : memref<!tpu.dma_semaphore, #tpu.memory_space<semaphore_mem>>)
        %dma_wait3A_89 = arith.constant 0 : i32
        %dma_wait3A_90 = tpu.memref_slice %arg7[%multiple_of3A, %dma_wait3A_89] : memref<10000x128xf32, #tpu.memory_space<hbm>> -> memref<632x128xf32, #tpu.memory_space<hbm>>
        %dma_wait3A_91 = arith.constant 0 : i32
        %dma_wait3A_92 = tpu.memref_slice %arg9[%multiple_of3A, %dma_wait3A_91] : memref<10000x128xf32, #tpu.memory_space<vmem_shared>> -> memref<632x128xf32, #tpu.memory_space<vmem_shared>>
        tpu.wait_dma2 semaphore(%run_scoped3A : memref<!tpu.dma_semaphore, #tpu.memory_space<semaphore_mem>>) src(%dma_wait3A_92 : memref<632x128xf32, #tpu.memory_space<vmem_shared>>) dst(%dma_wait3A_90 : memref<632x128xf32, #tpu.memory_space<hbm>>)
        tpu.yield
      }) : () -> ()
    } else {
    }
    %eq3A_62 = arith.constant 0 : i32
    %eq3A_63 = arith.cmpi eq, %arg0, %eq3A_62 : i32
    %eq3A_64 = arith.constant 15 : i32
    %eq3A_65 = arith.cmpi eq, %arg1, %eq3A_64 : i32
    %and3A_66 = arith.andi %eq3A_63, %eq3A_65 : i1
    %convert_element_type3A_67 = arith.extui %and3A_66 : i1 to i32
    %cond3A_68 = arith.constant 0 : i32
    %cond3A_69 = arith.cmpi ne, %convert_element_type3A_67, %cond3A_68 : i32
    scf.if %cond3A_69 {
      "tpu.region"() ({
        %run_scoped3A = tpu.sem_alloc : memref<!tpu.dma_semaphore, #tpu.memory_space<semaphore_mem>>
        %dma_start3A = arith.constant 9480 : i32
        %dma_start3A_86 = arith.constant 0 : i32
        %dma_start3A_87 = tpu.memref_slice %arg7[%dma_start3A, %dma_start3A_86] : memref<10000x128xf32, #tpu.memory_space<hbm>> -> memref<520x128xf32, #tpu.memory_space<hbm>>
        %dma_start3A_88 = arith.constant 9480 : i32
        %dma_start3A_89 = arith.constant 0 : i32
        %dma_start3A_90 = tpu.memref_slice %arg9[%dma_start3A_88, %dma_start3A_89] : memref<10000x128xf32, #tpu.memory_space<vmem_shared>> -> memref<520x128xf32, #tpu.memory_space<vmem_shared>>
        tpu.enqueue_dma source(%dma_start3A_90 : memref<520x128xf32, #tpu.memory_space<vmem_shared>>) target(%dma_start3A_87 : memref<520x128xf32, #tpu.memory_space<hbm>>) target_semaphore(%run_scoped3A : memref<!tpu.dma_semaphore, #tpu.memory_space<semaphore_mem>>)
        %dma_wait3A_91 = arith.constant 9480 : i32
        %dma_wait3A_92 = arith.constant 0 : i32
        %dma_wait3A_93 = tpu.memref_slice %arg7[%dma_wait3A_91, %dma_wait3A_92] : memref<10000x128xf32, #tpu.memory_space<hbm>> -> memref<520x128xf32, #tpu.memory_space<hbm>>
        %dma_wait3A_94 = arith.constant 9480 : i32
        %dma_wait3A_95 = arith.constant 0 : i32
        %dma_wait3A_96 = tpu.memref_slice %arg9[%dma_wait3A_94, %dma_wait3A_95] : memref<10000x128xf32, #tpu.memory_space<vmem_shared>> -> memref<520x128xf32, #tpu.memory_space<vmem_shared>>
        tpu.wait_dma2 semaphore(%run_scoped3A : memref<!tpu.dma_semaphore, #tpu.memory_space<semaphore_mem>>) src(%dma_wait3A_96 : memref<520x128xf32, #tpu.memory_space<vmem_shared>>) dst(%dma_wait3A_93 : memref<520x128xf32, #tpu.memory_space<hbm>>)
        tpu.yield
      }) : () -> ()
    } else {
    }
    %eq3A_70 = arith.constant 1 : i32
    %eq3A_71 = arith.cmpi eq, %arg0, %eq3A_70 : i32
    %lt3A_72 = arith.constant 15 : i32
    %lt3A_73 = arith.cmpi slt, %arg1, %lt3A_72 : i32
    %and3A_74 = arith.andi %eq3A_71, %lt3A_73 : i1
    %convert_element_type3A_75 = arith.extui %and3A_74 : i1 to i32
    %cond3A_76 = arith.constant 0 : i32
    %cond3A_77 = arith.cmpi ne, %convert_element_type3A_75, %cond3A_76 : i32
    scf.if %cond3A_77 {
      "tpu.region"() ({
        %run_scoped3A = tpu.sem_alloc : memref<!tpu.dma_semaphore, #tpu.memory_space<semaphore_mem>>
        %dma_start3A = arith.constant 0 : i32
        %dma_start3A_86 = tpu.memref_slice %arg8[%multiple_of3A, %dma_start3A] : memref<10000x128xf32, #tpu.memory_space<hbm>> -> memref<632x128xf32, #tpu.memory_space<hbm>>
        %dma_start3A_87 = arith.constant 0 : i32
        %dma_start3A_88 = tpu.memref_slice %arg9[%multiple_of3A, %dma_start3A_87] : memref<10000x128xf32, #tpu.memory_space<vmem_shared>> -> memref<632x128xf32, #tpu.memory_space<vmem_shared>>
        tpu.enqueue_dma source(%dma_start3A_88 : memref<632x128xf32, #tpu.memory_space<vmem_shared>>) target(%dma_start3A_86 : memref<632x128xf32, #tpu.memory_space<hbm>>) target_semaphore(%run_scoped3A : memref<!tpu.dma_semaphore, #tpu.memory_space<semaphore_mem>>)
        %dma_wait3A_89 = arith.constant 0 : i32
        %dma_wait3A_90 = tpu.memref_slice %arg8[%multiple_of3A, %dma_wait3A_89] : memref<10000x128xf32, #tpu.memory_space<hbm>> -> memref<632x128xf32, #tpu.memory_space<hbm>>
        %dma_wait3A_91 = arith.constant 0 : i32
        %dma_wait3A_92 = tpu.memref_slice %arg9[%multiple_of3A, %dma_wait3A_91] : memref<10000x128xf32, #tpu.memory_space<vmem_shared>> -> memref<632x128xf32, #tpu.memory_space<vmem_shared>>
        tpu.wait_dma2 semaphore(%run_scoped3A : memref<!tpu.dma_semaphore, #tpu.memory_space<semaphore_mem>>) src(%dma_wait3A_92 : memref<632x128xf32, #tpu.memory_space<vmem_shared>>) dst(%dma_wait3A_90 : memref<632x128xf32, #tpu.memory_space<hbm>>)
        tpu.yield
      }) : () -> ()
    } else {
    }
    %eq3A_78 = arith.constant 1 : i32
    %eq3A_79 = arith.cmpi eq, %arg0, %eq3A_78 : i32
    %eq3A_80 = arith.constant 15 : i32
    %eq3A_81 = arith.cmpi eq, %arg1, %eq3A_80 : i32
    %and3A_82 = arith.andi %eq3A_79, %eq3A_81 : i1
    %convert_element_type3A_83 = arith.extui %and3A_82 : i1 to i32
    %cond3A_84 = arith.constant 0 : i32
    %cond3A_85 = arith.cmpi ne, %convert_element_type3A_83, %cond3A_84 : i32
    scf.if %cond3A_85 {
      "tpu.region"() ({
        %run_scoped3A = tpu.sem_alloc : memref<!tpu.dma_semaphore, #tpu.memory_space<semaphore_mem>>
        %dma_start3A = arith.constant 9480 : i32
        %dma_start3A_86 = arith.constant 0 : i32
        %dma_start3A_87 = tpu.memref_slice %arg8[%dma_start3A, %dma_start3A_86] : memref<10000x128xf32, #tpu.memory_space<hbm>> -> memref<520x128xf32, #tpu.memory_space<hbm>>
        %dma_start3A_88 = arith.constant 9480 : i32
        %dma_start3A_89 = arith.constant 0 : i32
        %dma_start3A_90 = tpu.memref_slice %arg9[%dma_start3A_88, %dma_start3A_89] : memref<10000x128xf32, #tpu.memory_space<vmem_shared>> -> memref<520x128xf32, #tpu.memory_space<vmem_shared>>
        tpu.enqueue_dma source(%dma_start3A_90 : memref<520x128xf32, #tpu.memory_space<vmem_shared>>) target(%dma_start3A_87 : memref<520x128xf32, #tpu.memory_space<hbm>>) target_semaphore(%run_scoped3A : memref<!tpu.dma_semaphore, #tpu.memory_space<semaphore_mem>>)
        %dma_wait3A_91 = arith.constant 9480 : i32
        %dma_wait3A_92 = arith.constant 0 : i32
        %dma_wait3A_93 = tpu.memref_slice %arg8[%dma_wait3A_91, %dma_wait3A_92] : memref<10000x128xf32, #tpu.memory_space<hbm>> -> memref<520x128xf32, #tpu.memory_space<hbm>>
        %dma_wait3A_94 = arith.constant 9480 : i32
        %dma_wait3A_95 = arith.constant 0 : i32
        %dma_wait3A_96 = tpu.memref_slice %arg9[%dma_wait3A_94, %dma_wait3A_95] : memref<10000x128xf32, #tpu.memory_space<vmem_shared>> -> memref<520x128xf32, #tpu.memory_space<vmem_shared>>
        tpu.wait_dma2 semaphore(%run_scoped3A : memref<!tpu.dma_semaphore, #tpu.memory_space<semaphore_mem>>) src(%dma_wait3A_96 : memref<520x128xf32, #tpu.memory_space<vmem_shared>>) dst(%dma_wait3A_93 : memref<520x128xf32, #tpu.memory_space<hbm>>)
        tpu.yield
      }) : () -> ()
    } else {
    }
    return
  }
}

module attributes {stable_mosaic.version = 14 : i64} {
  func.func @_mm1_body(%arg0: i32, %arg1: memref<400x256xf32, #tpu.memory_space<vmem>>, %arg2: memref<256x256xf32, #tpu.memory_space<vmem>>, %arg3: memref<400x1xf32, #tpu.memory_space<vmem>>, %arg4: memref<400x1xf32, #tpu.memory_space<vmem>>, %arg5: memref<400x128xf32, #tpu.memory_space<vmem>>, %arg6: memref<400x128xf32, #tpu.memory_space<vmem>>, %arg7: memref<400x1xf32, #tpu.memory_space<vmem>>) attributes {dimension_semantics = [#tpu.dimension_semantics<arbitrary>], iteration_bounds = array<i64: 25>, scalar_prefetch = 0 : i64, scratch_operands = 0 : i64, tpu.core_type = #tpu.core_type<tc>, window_params = [{transform_indices = @transform_0, window_bounds = array<i64: 400, 256>}, {pipeline_mode = #tpu.pipeline_mode<synchronous>, transform_indices = @transform_1, window_bounds = array<i64: 256, 256>}, {transform_indices = @transform_2, window_bounds = array<i64: 400, 1>}, {transform_indices = @transform_3, window_bounds = array<i64: 400, 1>}, {transform_indices = @transform_4, window_bounds = array<i64: 400, 128>}, {transform_indices = @transform_5, window_bounds = array<i64: 400, 128>}, {transform_indices = @transform_6, window_bounds = array<i64: 400, 1>}]} {
    %get3A = arith.constant 0 : index
    %get3A_0 = arith.constant 0 : index
    %get3A_1 = vector.load %arg3[%get3A, %get3A_0] : memref<400x1xf32, #tpu.memory_space<vmem>>, vector<400x1xf32>
    %get3A_2 = arith.constant 0 : index
    %get3A_3 = arith.constant 0 : index
    %get3A_4 = vector.load %arg4[%get3A_2, %get3A_3] : memref<400x1xf32, #tpu.memory_space<vmem>>, vector<400x1xf32>
    %add3A = arith.addf %get3A_1, %get3A_4 : vector<400x1xf32>
    %add3A_5 = arith.constant 1.000000e+00 : f32
    %add3A_6 = vector.broadcast %add3A_5 : f32 to vector<400x1xf32>
    %add3A_7 = arith.addf %add3A, %add3A_6 : vector<400x1xf32>
    %gt3A = arith.constant 0.000000e+00 : f32
    %gt3A_8 = vector.broadcast %gt3A : f32 to vector<400x1xf32>
    %gt3A_9 = arith.cmpf ogt, %add3A_7, %gt3A_8 : vector<400x1xf32>
    %rsqrt3A = math.rsqrt %add3A_7 : vector<400x1xf32>
    %jit3A = arith.constant 0.000000e+00 : f32
    %broadcast_in_dim3A = vector.broadcast %jit3A : f32 to vector<400x1xf32>
    %select_n3A = arith.select %gt3A_9, %rsqrt3A, %broadcast_in_dim3A : vector<400x1xi1>, vector<400x1xf32>
    %get3A_10 = arith.constant 0 : index
    %get3A_11 = arith.constant 0 : index
    %get3A_12 = vector.load %arg1[%get3A_10, %get3A_11] : memref<400x256xf32, #tpu.memory_space<vmem>>, vector<400x256xf32>
    %get3A_13 = arith.constant 0 : index
    %get3A_14 = arith.constant 0 : index
    %get3A_15 = vector.load %arg2[%get3A_13, %get3A_14] : memref<256x256xf32, #tpu.memory_space<vmem>>, vector<256x256xf32>
    %dot_general3A = arith.constant dense<0.000000e+00> : vector<400x256xf32>
    %dot_general3A_16 = tpu.matmul %get3A_12, %get3A_15, %dot_general3A {dimension_numbers = #tpu.dot_dimension_numbers<[1], [0], [0], [1], [0, 0, 1, 1], [], []>, transpose_lhs_hint = false} : vector<400x256xf32>, vector<256x256xf32>, vector<400x256xf32> -> vector<400x256xf32>
    %mul3A = vector.broadcast %select_n3A : vector<400x1xf32> to vector<400x256xf32>
    %mul3A_17 = arith.mulf %dot_general3A_16, %mul3A : vector<400x256xf32>
    %slice3A = vector.extract_strided_slice %mul3A_17 {offsets = [0, 0], sizes = [400, 128], strides = [1, 1]} : vector<400x256xf32> to vector<400x128xf32>
    %swap3A = arith.constant 0 : index
    %swap3A_18 = arith.constant 0 : index
    %swap3A_19 = vector.load %arg5[%swap3A, %swap3A_18] : memref<400x128xf32, #tpu.memory_space<vmem>>, vector<400x128xf32>
    tpu.vector_store %arg5[%swap3A, %swap3A_18], %slice3A {strides = array<i32>} : memref<400x128xf32, #tpu.memory_space<vmem>>, vector<400x128xf32>,
    %slice3A_20 = vector.extract_strided_slice %mul3A_17 {offsets = [0, 128], sizes = [400, 128], strides = [1, 1]} : vector<400x256xf32> to vector<400x128xf32>
    %swap3A_21 = arith.constant 0 : index
    %swap3A_22 = arith.constant 0 : index
    %swap3A_23 = vector.load %arg6[%swap3A_21, %swap3A_22] : memref<400x128xf32, #tpu.memory_space<vmem>>, vector<400x128xf32>
    tpu.vector_store %arg6[%swap3A_21, %swap3A_22], %slice3A_20 {strides = array<i32>} : memref<400x128xf32, #tpu.memory_space<vmem>>, vector<400x128xf32>,
    %swap3A_24 = arith.constant 0 : index
    %swap3A_25 = arith.constant 0 : index
    %swap3A_26 = vector.load %arg7[%swap3A_24, %swap3A_25] : memref<400x1xf32, #tpu.memory_space<vmem>>, vector<400x1xf32>
    tpu.vector_store %arg7[%swap3A_24, %swap3A_25], %select_n3A {strides = array<i32>} : memref<400x1xf32, #tpu.memory_space<vmem>>, vector<400x1xf32>,
    return
  }
  func.func @transform_0(%arg0: i32) -> (i32, i32) {
    %c0_i32 = arith.constant 0 : i32
    %c0_i32_0 = arith.constant 0 : i32
    return %arg0, %c0_i32 : i32, i32
  }
  func.func @transform_1(%arg0: i32) -> (i32, i32) {
    %c0_i32 = arith.constant 0 : i32
    %c0_i32_0 = arith.constant 0 : i32
    %c0_i32_1 = arith.constant 0 : i32
    return %c0_i32, %c0_i32_0 : i32, i32
  }
  func.func @transform_2(%arg0: i32) -> (i32, i32) {
    %c0_i32 = arith.constant 0 : i32
    %c0_i32_0 = arith.constant 0 : i32
    return %arg0, %c0_i32 : i32, i32
  }
  func.func @transform_3(%arg0: i32) -> (i32, i32) {
    %c0_i32 = arith.constant 0 : i32
    %c0_i32_0 = arith.constant 0 : i32
    return %arg0, %c0_i32 : i32, i32
  }
  func.func @transform_4(%arg0: i32) -> (i32, i32) {
    %c0_i32 = arith.constant 0 : i32
    %c0_i32_0 = arith.constant 0 : i32
    return %arg0, %c0_i32 : i32, i32
  }
  func.func @transform_5(%arg0: i32) -> (i32, i32) {
    %c0_i32 = arith.constant 0 : i32
    %c0_i32_0 = arith.constant 0 : i32
    return %arg0, %c0_i32 : i32, i32
  }
  func.func @transform_6(%arg0: i32) -> (i32, i32) {
    %c0_i32 = arith.constant 0 : i32
    %c0_i32_0 = arith.constant 0 : i32
    return %arg0, %c0_i32 : i32, i32
  }
}

module attributes {stable_mosaic.version = 14 : i64} {
  func.func @_mm2_body(%arg0: i32, %arg1: memref<400x128xf32, #tpu.memory_space<vmem>>, %arg2: memref<400x128xf32, #tpu.memory_space<vmem>>, %arg3: memref<400x128xf32, #tpu.memory_space<vmem>>, %arg4: memref<400x128xf32, #tpu.memory_space<vmem>>, %arg5: memref<400x1xf32, #tpu.memory_space<vmem>>, %arg6: memref<1x256xf32, #tpu.memory_space<vmem>>, %arg7: memref<256x256xf32, #tpu.memory_space<vmem>>, %arg8: memref<400x128xf32, #tpu.memory_space<vmem>>, %arg9: memref<400x128xf32, #tpu.memory_space<vmem>>) attributes {dimension_semantics = [#tpu.dimension_semantics<arbitrary>], iteration_bounds = array<i64: 25>, scalar_prefetch = 0 : i64, scratch_operands = 0 : i64, tpu.core_type = #tpu.core_type<tc>, window_params = [{transform_indices = @transform_0, window_bounds = array<i64: 400, 128>}, {transform_indices = @transform_1, window_bounds = array<i64: 400, 128>}, {transform_indices = @transform_2, window_bounds = array<i64: 400, 128>}, {transform_indices = @transform_3, window_bounds = array<i64: 400, 128>}, {transform_indices = @transform_4, window_bounds = array<i64: 400, 1>}, {pipeline_mode = #tpu.pipeline_mode<synchronous>, transform_indices = @transform_5, window_bounds = array<i64: 1, 256>}, {pipeline_mode = #tpu.pipeline_mode<synchronous>, transform_indices = @transform_6, window_bounds = array<i64: 256, 256>}, {transform_indices = @transform_7, window_bounds = array<i64: 400, 128>}, {transform_indices = @transform_8, window_bounds = array<i64: 400, 128>}]} {
    %get3A = arith.constant 0 : index
    %get3A_0 = arith.constant 0 : index
    %get3A_1 = vector.load %arg5[%get3A, %get3A_0] : memref<400x1xf32, #tpu.memory_space<vmem>>, vector<400x1xf32>
    %get3A_2 = arith.constant 0 : index
    %get3A_3 = arith.constant 0 : index
    %get3A_4 = vector.load %arg1[%get3A_2, %get3A_3] : memref<400x128xf32, #tpu.memory_space<vmem>>, vector<400x128xf32>
    %get3A_5 = arith.constant 0 : index
    %get3A_6 = arith.constant 0 : index
    %get3A_7 = vector.load %arg3[%get3A_5, %get3A_6] : memref<400x128xf32, #tpu.memory_space<vmem>>, vector<400x128xf32>
    %add3A = arith.addf %get3A_4, %get3A_7 : vector<400x128xf32>
    %get3A_8 = arith.constant 0 : index
    %get3A_9 = arith.constant 0 : index
    %get3A_10 = vector.load %arg2[%get3A_8, %get3A_9] : memref<400x128xf32, #tpu.memory_space<vmem>>, vector<400x128xf32>
    %get3A_11 = arith.constant 0 : index
    %get3A_12 = arith.constant 0 : index
    %get3A_13 = vector.load %arg4[%get3A_11, %get3A_12] : memref<400x128xf32, #tpu.memory_space<vmem>>, vector<400x128xf32>
    %add3A_14 = arith.addf %get3A_10, %get3A_13 : vector<400x128xf32>
    %concatenate3A = tpu.concatenate %add3A, %add3A_14 in 1 : vector<400x128xf32>, vector<400x128xf32> -> vector<400x256xf32>
    %mul3A = vector.broadcast %get3A_1 : vector<400x1xf32> to vector<400x256xf32>
    %mul3A_15 = arith.mulf %concatenate3A, %mul3A : vector<400x256xf32>
    %get3A_16 = arith.constant 0 : index
    %get3A_17 = arith.constant 0 : index
    %get3A_18 = vector.load %arg6[%get3A_16, %get3A_17] : memref<1x256xf32, #tpu.memory_space<vmem>>, vector<1x256xf32>
    %add3A_19 = vector.broadcast %get3A_18 : vector<1x256xf32> to vector<400x256xf32>
    %add3A_20 = arith.addf %mul3A_15, %add3A_19 : vector<400x256xf32>
    %max3A = arith.constant 0.000000e+00 : f32
    %max3A_21 = vector.broadcast %max3A : f32 to vector<400x256xf32>
    %max3A_22 = arith.maximumf %add3A_20, %max3A_21 : vector<400x256xf32>
    %get3A_23 = arith.constant 0 : index
    %get3A_24 = arith.constant 0 : index
    %get3A_25 = vector.load %arg7[%get3A_23, %get3A_24] : memref<256x256xf32, #tpu.memory_space<vmem>>, vector<256x256xf32>
    %dot_general3A = arith.constant dense<0.000000e+00> : vector<400x256xf32>
    %dot_general3A_26 = tpu.matmul %max3A_22, %get3A_25, %dot_general3A {dimension_numbers = #tpu.dot_dimension_numbers<[1], [0], [0], [1], [0, 0, 1, 1], [], []>, transpose_lhs_hint = false} : vector<400x256xf32>, vector<256x256xf32>, vector<400x256xf32> -> vector<400x256xf32>
    %mul3A_27 = vector.broadcast %get3A_1 : vector<400x1xf32> to vector<400x256xf32>
    %mul3A_28 = arith.mulf %dot_general3A_26, %mul3A_27 : vector<400x256xf32>
    %slice3A = vector.extract_strided_slice %mul3A_28 {offsets = [0, 0], sizes = [400, 128], strides = [1, 1]} : vector<400x256xf32> to vector<400x128xf32>
    %swap3A = arith.constant 0 : index
    %swap3A_29 = arith.constant 0 : index
    %swap3A_30 = vector.load %arg8[%swap3A, %swap3A_29] : memref<400x128xf32, #tpu.memory_space<vmem>>, vector<400x128xf32>
    tpu.vector_store %arg8[%swap3A, %swap3A_29], %slice3A {strides = array<i32>} : memref<400x128xf32, #tpu.memory_space<vmem>>, vector<400x128xf32>,
    %slice3A_31 = vector.extract_strided_slice %mul3A_28 {offsets = [0, 128], sizes = [400, 128], strides = [1, 1]} : vector<400x256xf32> to vector<400x128xf32>
    %swap3A_32 = arith.constant 0 : index
    %swap3A_33 = arith.constant 0 : index
    %swap3A_34 = vector.load %arg9[%swap3A_32, %swap3A_33] : memref<400x128xf32, #tpu.memory_space<vmem>>, vector<400x128xf32>
    tpu.vector_store %arg9[%swap3A_32, %swap3A_33], %slice3A_31 {strides = array<i32>} : memref<400x128xf32, #tpu.memory_space<vmem>>, vector<400x128xf32>,
    return
  }
  func.func @transform_0(%arg0: i32) -> (i32, i32) {
    %c0_i32 = arith.constant 0 : i32
    %c0_i32_0 = arith.constant 0 : i32
    return %arg0, %c0_i32 : i32, i32
  }
  func.func @transform_1(%arg0: i32) -> (i32, i32) {
    %c0_i32 = arith.constant 0 : i32
    %c0_i32_0 = arith.constant 0 : i32
    return %arg0, %c0_i32 : i32, i32
  }
  func.func @transform_2(%arg0: i32) -> (i32, i32) {
    %c0_i32 = arith.constant 0 : i32
    %c0_i32_0 = arith.constant 0 : i32
    return %arg0, %c0_i32 : i32, i32
  }
  func.func @transform_3(%arg0: i32) -> (i32, i32) {
    %c0_i32 = arith.constant 0 : i32
    %c0_i32_0 = arith.constant 0 : i32
    return %arg0, %c0_i32 : i32, i32
  }
  func.func @transform_4(%arg0: i32) -> (i32, i32) {
    %c0_i32 = arith.constant 0 : i32
    %c0_i32_0 = arith.constant 0 : i32
    return %arg0, %c0_i32 : i32, i32
  }
  func.func @transform_5(%arg0: i32) -> (i32, i32) {
    %c0_i32 = arith.constant 0 : i32
    %c0_i32_0 = arith.constant 0 : i32
    %c0_i32_1 = arith.constant 0 : i32
    return %c0_i32, %c0_i32_0 : i32, i32
  }
  func.func @transform_6(%arg0: i32) -> (i32, i32) {
    %c0_i32 = arith.constant 0 : i32
    %c0_i32_0 = arith.constant 0 : i32
    %c0_i32_1 = arith.constant 0 : i32
    return %c0_i32, %c0_i32_0 : i32, i32
  }
  func.func @transform_7(%arg0: i32) -> (i32, i32) {
    %c0_i32 = arith.constant 0 : i32
    %c0_i32_0 = arith.constant 0 : i32
    return %arg0, %c0_i32 : i32, i32
  }
  func.func @transform_8(%arg0: i32) -> (i32, i32) {
    %c0_i32 = arith.constant 0 : i32
    %c0_i32_0 = arith.constant 0 : i32
    return %arg0, %c0_i32 : i32, i32
  }
}

module attributes {stable_mosaic.version = 14 : i64} {
  func.func @_mm3_body(%arg0: i32, %arg1: memref<400x128xf32, #tpu.memory_space<vmem>>, %arg2: memref<400x128xf32, #tpu.memory_space<vmem>>, %arg3: memref<400x128xf32, #tpu.memory_space<vmem>>, %arg4: memref<400x128xf32, #tpu.memory_space<vmem>>, %arg5: memref<400x1xf32, #tpu.memory_space<vmem>>, %arg6: memref<1x256xf32, #tpu.memory_space<vmem>>, %arg7: memref<400x256xf32, #tpu.memory_space<vmem>>) attributes {dimension_semantics = [#tpu.dimension_semantics<arbitrary>], iteration_bounds = array<i64: 25>, scalar_prefetch = 0 : i64, scratch_operands = 0 : i64, tpu.core_type = #tpu.core_type<tc>, window_params = [{transform_indices = @transform_0, window_bounds = array<i64: 400, 128>}, {transform_indices = @transform_1, window_bounds = array<i64: 400, 128>}, {transform_indices = @transform_2, window_bounds = array<i64: 400, 128>}, {transform_indices = @transform_3, window_bounds = array<i64: 400, 128>}, {transform_indices = @transform_4, window_bounds = array<i64: 400, 1>}, {pipeline_mode = #tpu.pipeline_mode<synchronous>, transform_indices = @transform_5, window_bounds = array<i64: 1, 256>}, {transform_indices = @transform_6, window_bounds = array<i64: 400, 256>}]} {
    %get3A = arith.constant 0 : index
    %get3A_0 = arith.constant 0 : index
    %get3A_1 = vector.load %arg1[%get3A, %get3A_0] : memref<400x128xf32, #tpu.memory_space<vmem>>, vector<400x128xf32>
    %get3A_2 = arith.constant 0 : index
    %get3A_3 = arith.constant 0 : index
    %get3A_4 = vector.load %arg3[%get3A_2, %get3A_3] : memref<400x128xf32, #tpu.memory_space<vmem>>, vector<400x128xf32>
    %add3A = arith.addf %get3A_1, %get3A_4 : vector<400x128xf32>
    %get3A_5 = arith.constant 0 : index
    %get3A_6 = arith.constant 0 : index
    %get3A_7 = vector.load %arg2[%get3A_5, %get3A_6] : memref<400x128xf32, #tpu.memory_space<vmem>>, vector<400x128xf32>
    %get3A_8 = arith.constant 0 : index
    %get3A_9 = arith.constant 0 : index
    %get3A_10 = vector.load %arg4[%get3A_8, %get3A_9] : memref<400x128xf32, #tpu.memory_space<vmem>>, vector<400x128xf32>
    %add3A_11 = arith.addf %get3A_7, %get3A_10 : vector<400x128xf32>
    %concatenate3A = tpu.concatenate %add3A, %add3A_11 in 1 : vector<400x128xf32>, vector<400x128xf32> -> vector<400x256xf32>
    %get3A_12 = arith.constant 0 : index
    %get3A_13 = arith.constant 0 : index
    %get3A_14 = vector.load %arg5[%get3A_12, %get3A_13] : memref<400x1xf32, #tpu.memory_space<vmem>>, vector<400x1xf32>
    %mul3A = vector.broadcast %get3A_14 : vector<400x1xf32> to vector<400x256xf32>
    %mul3A_15 = arith.mulf %concatenate3A, %mul3A : vector<400x256xf32>
    %get3A_16 = arith.constant 0 : index
    %get3A_17 = arith.constant 0 : index
    %get3A_18 = vector.load %arg6[%get3A_16, %get3A_17] : memref<1x256xf32, #tpu.memory_space<vmem>>, vector<1x256xf32>
    %add3A_19 = vector.broadcast %get3A_18 : vector<1x256xf32> to vector<400x256xf32>
    %add3A_20 = arith.addf %mul3A_15, %add3A_19 : vector<400x256xf32>
    %swap3A = arith.constant 0 : index
    %swap3A_21 = arith.constant 0 : index
    %swap3A_22 = vector.load %arg7[%swap3A, %swap3A_21] : memref<400x256xf32, #tpu.memory_space<vmem>>, vector<400x256xf32>
    tpu.vector_store %arg7[%swap3A, %swap3A_21], %add3A_20 {strides = array<i32>} : memref<400x256xf32, #tpu.memory_space<vmem>>, vector<400x256xf32>,
    return
  }
  func.func @transform_0(%arg0: i32) -> (i32, i32) {
    %c0_i32 = arith.constant 0 : i32
    %c0_i32_0 = arith.constant 0 : i32
    return %arg0, %c0_i32 : i32, i32
  }
  func.func @transform_1(%arg0: i32) -> (i32, i32) {
    %c0_i32 = arith.constant 0 : i32
    %c0_i32_0 = arith.constant 0 : i32
    return %arg0, %c0_i32 : i32, i32
  }
  func.func @transform_2(%arg0: i32) -> (i32, i32) {
    %c0_i32 = arith.constant 0 : i32
    %c0_i32_0 = arith.constant 0 : i32
    return %arg0, %c0_i32 : i32, i32
  }
  func.func @transform_3(%arg0: i32) -> (i32, i32) {
    %c0_i32 = arith.constant 0 : i32
    %c0_i32_0 = arith.constant 0 : i32
    return %arg0, %c0_i32 : i32, i32
  }
  func.func @transform_4(%arg0: i32) -> (i32, i32) {
    %c0_i32 = arith.constant 0 : i32
    %c0_i32_0 = arith.constant 0 : i32
    return %arg0, %c0_i32 : i32, i32
  }
  func.func @transform_5(%arg0: i32) -> (i32, i32) {
    %c0_i32 = arith.constant 0 : i32
    %c0_i32_0 = arith.constant 0 : i32
    %c0_i32_1 = arith.constant 0 : i32
    return %c0_i32, %c0_i32_0 : i32, i32
  }
  func.func @transform_6(%arg0: i32) -> (i32, i32) {
    %c0_i32 = arith.constant 0 : i32
    %c0_i32_0 = arith.constant 0 : i32
    return %arg0, %c0_i32 : i32, i32
  }
}

</mosaic_0001>

<sc_bundles>
// kernel: kernel.11.cloned.1.call-start
scs
__scs_entry_jumppad:
0x0: {  	(pc) =	sbr.rel $0x88, $3  }
0x1: {  	(tag) =	ssettag $0x0;
	lr =	simm.s32 $0x1  }
0x2: {  	[smem:$0x3F9A] =	sst lr;
	_ =	strace $0xD0000000  }
0x3: {  	_ = 	snop  }
0x4: {  	_ = 	snop  }
0x5: {  	_ = 	snop  }
0x6: {  	_ = 	snop  }
0x7: {  	_ = 	snop  }
__scs_overlays_trampoline_lowered:
0x8: {  	[smem:$0x3FA9] =	sst s0  }
0x9: {  	[smem:$0x3FAA] =	sst s1  }
0xa: {  	[smem:$0x3FAB] =	sst s2  }
0xb: {  	[smem:$0x3FAC] =	sst s3  }
0xc: {  	[smem:$0x3FAD] =	sst s4  }
0xd: {  	[smem:$0x3FAE] =	sst s5  }
0xe: {  	[smem:$0x3FAF] =	sst s6  }
0xf: {  	[smem:$0x3FB0] =	sst s7  }
0x10: {  	[smem:$0x3FB1] =	sst s8  }
0x11: {  	[smem:$0x3FB2] =	sst s9;
	s0 =	simm.s32 @!p0 $0x0  }
0x12: {  	s1 =	sld [smem:$0x3F98];
	s0 =	simm.s32 @p0 $0x1  }
0x13: {  	[smem:$0x3FB3] =	sst s0;
	s0 =	simm.s32 @!p1 $0x0  }
0x14: {  	s2 =	sld [smem:$0x3F97];
	s0 =	simm.s32 @p1 $0x1  }
0x15: {  	[smem:$0x3FB4] =	sst s0;
	s0 =	simm.s32 @!p2 $0x0  }
0x16: {  	s3 =	sld [smem:$0x3FDB];
	s0 =	simm.s32 @p2 $0x1  }
0x17: {  	s4 =	simm.s32 $0x1BF5;
	[smem:$0x3FB6] =	sst s0  }
0x18: {  	s0 =	sld [smem:$0x3F99];
	_ =	swait.ge [sflag:s4], $0x0  }
0x19: {  	s7 =	sld [smem:$0x3F9A]  }
0x1a: {  	s8 =	sadd.s32 $0xFFFFE003, lr  }
0x1b: {  	s9 =	sadd.s32 $0xFFFFFEF7, lr;
	s5 =	simm.s32 $0xFFFFFFFF;
	p2 =	slt.u32 s8, $0xFFFFF086  }
0x1c: {  	p1 =	slt.u32 s9, $0xF7A;
	s5 =	simm.s32 @!p2 $0x0  }
0x1d: {  	s5 =	simm.s32 @p1 $0x1;
	p0 =	seq.s32 s7, s2  }
0x1e: {  	s7 =	smul.u32 @!p0 $0xF7A, s2;
	p2 =	seq.s32 @!p0 s5, $0x0  }
0x1f: {  	s9 =	smul.u32 $0xF7A, s1;
	s8 =	simm.s32 @!p0 $0x1BF5;
	p2 =	por !p2, p0  }
0x20: {  	[sflag:s8] =	ssyncset.s32 @!p0 $0xFFFFF086;
	s6 =	sadd.s32 @!p0 s3, s7;
	s7 =	simm.s32 @!p0 $0x108  }
0x21: {  	s3 =	sadd.s32 s3, s9;
	s6 =	sadd.s32 @!p0 $0x88, s6;
	s7 =	simm.s32 @p2 $0x1082  }
0x22: {  	[simem:s7], [sflag:s8] =	dma.local @!p0 [hbm:s6], $0xF7A  }
0x23: {  	s9 =	sor.u32 $0xD0000000, s2;
	s6 =	simm.s32 $0x108;
	_ =	swait.ge @!p0 [sflag:s8], $0x0  }
0x24: {  	s3 =	sadd.s32 $0x88, s3;
	s6 =	simm.s32 @!p1 $0x1082;
	[sflag:s4] =	ssyncset.s32 $0xFFFFF086  }
0x25: {  	[simem:s6], [sflag:s4] =	dma.local [hbm:s3], $0xF7A  }
0x26: {  	[smem:$0x3F9A] =	sst s1;
	(tag) =	ssettag s2;
	_ =	strace s9  }
0x27: {  	s1 =	sld [smem:$0x3FAA]  }
0x28: {  	s2 =	sld [smem:$0x3FAB]  }
0x29: {  	s4 =	sld [smem:$0x3FAD]  }
0x2a: {  	p0 =	seq.s32 s5, $0x0;
	s5 =	sld [smem:$0x3FAE]  }
0x2b: {  	s6 =	sld [smem:$0x3FAF]  }
0x2c: {  	s7 =	sld [smem:$0x3FB0]  }
0x2d: {  	s3 =	simm.s32 $0x108;
	s8 =	sld [smem:$0x3FB1]  }
0x2e: {  	s3 =	simm.s32 @!p0 $0x1082;
	s9 =	sld [smem:$0x3FB2]  }
0x2f: {  	lr =	sadd.s32 s0, s3;
	s0 =	sld [smem:$0x3FA9]  }
0x30: {  	s3 =	sld [smem:$0x3FAC]  }
0x31: {  	[smem:$0x3FB5] =	sst s10  }
0x32: {  	s10 =	sld [smem:$0x3FB3];
	_ =	sdelay $0x3  }
0x33: {  	p0 =	seq.s32 s10, $0x1;
	s10 =	sld [smem:$0x3FB5];
	_ =	sdelay $0x3  }
0x34: {  	[smem:$0x3FB5] =	sst s10  }
0x35: {  	s10 =	sld [smem:$0x3FB4];
	_ =	sdelay $0x3  }
0x36: {  	p1 =	seq.s32 s10, $0x1;
	s10 =	sld [smem:$0x3FB5];
	_ =	sdelay $0x3  }
0x37: {  	[smem:$0x3FB5] =	sst s10  }
0x38: {  	s10 =	sld [smem:$0x3FB6]  }
0x39: {  	_ = 	snop;
	(pc) =	sbr.ind lr, $3  }
0x3a: {  	_ = 	snop  }
0x3b: {  	_ = 	snop  }
0x3c: {  	p2 =	seq.s32 s10, $0x1;
	s10 =	sld [smem:$0x3FB5]  }
0x3d: {  	_ =	shalt  }
0x3e: {  	_ =	shalt  }
0x3f: {  	_ =	shalt  }
0x40: {  	_ =	shalt  }
0x41: {  	_ =	shalt  }
0x42: {  	_ =	shalt  }
0x43: {  	_ =	shalt  }
0x44: {  	_ =	shalt  }
0x45: {  	_ =	shalt  }
0x46: {  	_ =	shalt  }
0x47: {  	_ =	shalt  }
0x48: {  	_ =	shalt  }
0x49: {  	_ =	shalt  }
0x4a: {  	_ =	shalt  }
0x4b: {  	_ =	shalt  }
0x4c: {  	_ =	shalt  }
0x4d: {  	_ =	shalt  }
0x4e: {  	_ =	shalt  }
0x4f: {  	_ =	shalt  }
0x50: {  	_ =	shalt  }
0x51: {  	_ =	shalt  }
0x52: {  	_ =	shalt  }
0x53: {  	_ =	shalt  }
0x54: {  	_ =	shalt  }
0x55: {  	_ =	shalt  }
0x56: {  	_ =	shalt  }
0x57: {  	_ =	shalt  }
0x58: {  	_ =	shalt  }
0x59: {  	_ =	shalt  }
0x5a: {  	_ =	shalt  }
0x5b: {  	_ =	shalt  }
0x5c: {  	_ =	shalt  }
0x5d: {  	_ =	shalt  }
0x5e: {  	_ =	shalt  }
0x5f: {  	_ =	shalt  }
0x60: {  	_ =	shalt  }
0x61: {  	_ =	shalt  }
0x62: {  	_ =	shalt  }
0x63: {  	_ =	shalt  }
0x64: {  	_ =	shalt  }
0x65: {  	_ =	shalt  }
0x66: {  	_ =	shalt  }
0x67: {  	_ =	shalt  }
0x68: {  	_ =	shalt  }
0x69: {  	_ =	shalt  }
0x6a: {  	_ =	shalt  }
0x6b: {  	_ =	shalt  }
0x6c: {  	_ =	shalt  }
0x6d: {  	_ =	shalt  }
0x6e: {  	_ =	shalt  }
0x6f: {  	_ =	shalt  }
0x70: {  	_ =	shalt  }
0x71: {  	_ =	shalt  }
0x72: {  	_ =	shalt  }
0x73: {  	_ =	shalt  }
0x74: {  	_ =	shalt  }
0x75: {  	_ =	shalt  }
0x76: {  	_ =	shalt  }
0x77: {  	_ =	shalt  }
0x78: {  	_ =	shalt  }
0x79: {  	_ =	shalt  }
0x7a: {  	_ =	shalt  }
0x7b: {  	_ =	shalt  }
0x7c: {  	_ =	shalt  }
0x7d: {  	_ =	shalt  }
0x7e: {  	_ =	shalt  }
0x7f: {  	_ =	shalt  }
0x80: {  	_ =	shalt  }
0x81: {  	_ =	shalt  }
0x82: {  	_ =	shalt  }
0x83: {  	_ =	shalt  }
0x84: {  	_ =	shalt  }
0x85: {  	_ =	shalt  }
0x86: {  	_ =	shalt  }
0x87: {  	_ =	shalt  }
.Lfunc_end0:
.L_simem_size_0:
called_computation.1_lowered:
.L_overlay_start_0:
0x88: {  	s2 =	sld [smem:$0x3FD9]  }
0x89: {  	s3 =	sld [smem:$0x3FFE];
	_ =	sdelay $0x1  }
0x8a: {  	s1 =	srdreg.scid  }
0x8b: {  	s0 =	sand.u32 $0x1, s1  }
0x8c: {  	s17 =	sshll.u32 s0, $0xA;
	s2 =	sadd.s32 s3, s2  }
0x8d: {  	s2 =	sadd.s32 s2, s17  }
0x8e: {  	[smem:$0x3FC1] =	sst s2  }
0x8f: {  	_ = 	snop  }
0x90: {  	s2 =	sld [smem:$0x3FD0];
	(tm) =	ssettm $0x1  }
0x91: {  	s18 =	sld [smem:$0x3FFB];
	_ =	sdelay $0x3  }
0x92: {  	_ =	strace s18  }
0x93: {  	s3 =	sld [smem:$0x3FFC];
	_ =	sdelay $0x3  }
0x94: {  	_ =	strace s3  }
0x95: {  	s3 =	sld [smem:$0x3FFD];
	_ =	sdelay $0x3  }
0x96: {  	_ =	strace s3  }
0x97: {  	_ =	strace $0x8FFFFFFF  }
0x98: {  	s19 =	sld [smem:$0x3FDB];
	_ =	sdelay $0x1  }
0x99: {  	s4 =	simm.s32 $_scs_section_size  }
0x9a: {  	s5 =	simm.s32 $_size__tile_overlayer_lowered;
	s6 =	simm.s32 $_tile_overlayer_lowered  }
0x9b: {  	s22 =	simm.s32 $0x1BFF;
	s21 =	sshll.u32 s6, $0x1;
	s3 =	sadd.s32 s4, s19  }
0x9c: {  	s7 =	simm.s32 $0x0;
	s20 =	sshll.u32 s5, $0x1;
	s5 =	sadd.s32 s21, s3  }
0x9d: {  	[timem:s7], [sflag:s22] =	dma.local [hbm:s5], s20  }
0x9e: {  	_ =	swait.ge [sflag:s22], s20  }
0x9f: {  	s4 =	ssub.s32 $0x0, s20;
	[sflag:s22] =	ssyncset.done $0x0  }
0xa0: {  	[sflag:s22] =	ssyncadd.s32 s4;
	_ =	sdelay $0x1  }
0xa1: {  	s23 =	simm.s32 $0x1B8B  }
0xa2: {  	_ =	swait.ge [sflag:s23], $0x1  }
0xa3: {  	[sflag:s23] =	ssyncset.done $0x0  }
0xa4: {  	s25 =	simm.s32 $0x1B8E;
	s24 =	sld [smem:$0x3FFE];
	[sflag:s23] =	ssyncadd.s32 $0xFFFFFFFF  }
0xa5: {  	s26 =	simm.s32 $execute0_lowered;
	[smem:$0x3FD2] =	sst s25  }
0xa6: {  	s5 =	sshll.u32 s26, $0x1;
	_ =	strace $0x80000049;
	[dreg:$0x1] =	wrdreg $0xFFFFFFFF  }
0xa7: {  	s28 =	simm.s32 $_size_execute0_lowered;
	s3 =	sadd.s32 s3, s5;
	[dreg:$0x0] =	wrdreg $0x0  }
0xa8: {  	s5 =	sshll.u32 s28, $0x1;
	[dreg:$0x2] =	wrdreg s3  }
0xa9: {  	[dreg:$0x3] =	wrdreg s5  }
0xaa: {  	[dreg:$0x4] =	wrdreg $0xC0  }
0xab: {  	_ =	task [dreg:s7], $0x5FFFF  }
0xac: {  	[dreg:$0x1] =	wrdreg $0xFFFFFFFF  }
0xad: {  	[dreg:$0x0] =	wrdreg $0x60  }
0xae: {  	[dreg:$0x2] =	wrdreg s2  }
0xaf: {  	[dreg:$0x3] =	wrdreg s24  }
0xb0: {  	[dreg:$0x4] =	wrdreg $0x0  }
0xb1: {  	[dreg:$0x5] =	wrdreg $0x9  }
0xb2: {  	_ =	task.clear_ibuf [dreg:s7], $0x6FFFF;
	_ =	strace $0x90000049  }
0xb3: {  	s29 =	simm.s32 $0x9;
	_ =	strace $0x8000004B  }
0xb4: {  	_ =	swait.ge [sflag:s29], $0x1  }
0xb5: {  	[sflag:s29] =	ssyncadd.s32 $0xFFFFFFFF  }
0xb6: {  	_ =	strace $0x9000004B  }
0xb7: {  	_ =	sfence  }
0xb8: {  	s30 =	sld [smem:$0x0];
	_ =	sdelay $0x2  }
0xb9: {  	s31 =	sshll.u32 s1, $0xD;
	s1 =	sshrl.u32 s1, $0x2  }
0xba: {  	s3 =	sand.u32 $0x4000, s31;
	s1 =	sadd.s32 s1, s30  }
0xbb: {  	s0 =	sor.u32 s3, s0;
	s1 =	sshll.u32 s1, $0x11  }
0xbc: {  	s0 =	sor.u32 s1, s0  }
0xbd: {  	s0 =	sadd.s32 $0x8F2B, s0  }
0xbe: {  	[sflag:s0] =	ssyncadd.remote.s32 $0x1  }
0xbf: {  	_ =	sfence.sel $0xFFFF  }
0xc0: {  	[dreg:$0x0] =	wrdreg $0xFFFFFFFF;
	(pc) =	sbr.abs _section_cstart, $3  }
0xc1: {  	[dreg:$0x1] =	wrdreg $0xFFFFFFFF  }
0xc2: {  	_ =	task.clear_ibuf [dreg:s7], $0x2FFFF;
	_ =	strace $0x9FFFFFFF  }
0xc3: {  	(tm) =	ssettm $0x7FFFFFFF  }
tec
execute0_lowered:
.L_overlay_start_1:
0x0: {  	(tag) =	ssettag $0x1  }
0x1: {  	s1 =	rddreg [dreg:$0x0]  }
0x2: {  	s0 =	rddreg [dreg:$0x1]  }
0x3: {  	s2 =	rddreg [dreg:$0x2];
	s4 =	simm.s32 $0x0;
	s14 =	stileid.u32  }
0x4: {  	s3 =	srdreg.scid;
	s31 =	simm.s32 $0x13B80;
	[smem:$0x7FF] =	sst s4  }
0x5: {  	s5 =	sadd.s32 $0x13000, s0;
	s6 =	sadd.s32 $0xE000, s0;
	s10 =	smul.u32 $0x4F000, s14  }
0x6: {  	s7 =	sadd.s32 $0x8400, s0;
	s11 =	smul.u32 $0x2780, s14;
	s9 =	sadd.s32 $0x3400, s0  }
0x7: {  	s16 =	smul.u32 $0x2800, s14;
	p0 =	seq.s32 s14, $0xF;
	p3 =	sne.s32 s14, $0xF  }
0x8: {  	s8 =	sand.u32 $0x1, s3;
	s26 =	sadd.s32 $0x137400, s2;
	s30 =	sadd.s32 $0x128400, s2  }
0x9: {  	s24 =	sadd.s32 $0x86480, s0;
	s14 =	simm.s32 $0x13B00;
	_ =	strace $0x8000004A  }
0xa: {  	s3 =	ssub.s32 $0x2, s8;
	p4 =	seq.s32 s8, $0x0;
	[dreg:$0xe] =	wrdreg s24  }
0xb: {  	p1 =	seq.s32 s8, $0x1;
	[dreg:$0x11] =	wrdreg s26;
	s10 =	sshrl.u32 s10, $0x2  }
0xc: {  	s11 =	sadd.s32 s11, s0;
	s12 =	sshrl.u32 s3, $0x1;
	s20 =	sshrl.u32 s16, $0x3  }
0xd: {  	p2 =	por !p4, !p3;
	p4 =	por !p4, !p0;
	p3 =	por !p3, !p1  }
0xe: {  	p5 =	por !p1, !p0;
	s0 =	sadd.s32 $0xAD680, s0;
	s10 =	sadd.s32 s10, s2  }
0xf: {  	s3 =	ssub.s32 s3, s12;
	s21 =	sadd.s32 s6, s20;
	[dreg:$0xf] =	wrdreg s0  }
0x10: {  	s22 =	sadd.s32 s7, s20;
	p2 =	por !p2, !p2;
	[dreg:$0x9] =	wrdreg s21  }
0x11: {  	s23 =	sadd.s32 $0x61400, s11;
	p6 =	por !p4, !p4;
	[dreg:$0xa] =	wrdreg s22  }
0x12: {  	p3 =	por !p3, !p3;
	s11 =	sadd.s32 $0x88600, s11;
	[dreg:$0xc] =	wrdreg s23  }
0x13: {  	p4 =	por !p5, !p5;
	s15 =	sadd.s32 $0x2800, s10;
	[dreg:$0xd] =	wrdreg s11  }
0x14: {  	p5 =	sne.s32 s8, $0x0;
	s13 =	sadd.s32 $0x5000, s10;
	[dreg:$0x4] =	wrdreg s15  }
0x15: {  	s12 =	simm.s32 $0x13900;
	s17 =	sadd.s32 $0x7800, s10;
	[dreg:$0x5] =	wrdreg s13  }
0x16: {  	s18 =	sadd.s32 $0xA000, s10;
	s19 =	sadd.s32 $0xC800, s10;
	[dreg:$0x6] =	wrdreg s17  }
0x17: {  	s11 =	simm.s32 @!p4 $0x0;
	s25 =	smax.u32 s3, $0x1;
	[dreg:$0x7] =	wrdreg s18  }
0x18: {  	s0 =	simm.s32 @!p6 $0x0;
	s28 =	sadd.s32 $0xF000, s10;
	[dreg:$0x8] =	wrdreg s19  }
0x19: {  	s29 =	sadd.s32 $0x11800, s10;
	s22 =	simm.s32 $0x0;
	[dreg:$0x10] =	wrdreg s25  }
0x1a: {  	s13 =	sadd.s32 s9, s20;
	s19 =	sor.u32 $0x50, s16;
	[dreg:$0x12] =	wrdreg s28  }
0x1b: {  	s20 =	sor.u32 $0xA0, s16;
	s11 =	simm.s32 @p4 $0x1;
	[dreg:$0x13] =	wrdreg s29  }
0x1c: {  	s0 =	simm.s32 @p6 $0x1;
	p6 =	por !p3, p6;
	[dreg:$0xb] =	wrdreg s13  }
0x1d: {  	s15 =	simm.s32 $0x1;
	s16 =	simm.s32 $0x50;
	[smem:$0x7FC] =	sst s11  }
0x1e: {  	s17 =	simm.s32 $0x2;
	s18 =	simm.s32 $0x16380;
	[smem:$0x7FD] =	sst s0  }
0x1f: {  	v0 =	vimm.f32 $0.0e+00;
	s0 =	simm.s32 $0x5;
	s11 =	simm.s32 $0x13980;
	s13 =	simm.s32 $0x13A00  }
.LBB2_1:
0x20: {  	s3 =	simm.s32 $0x0;
	s23 =	simm.s32 $0x200  }
.LBB2_2:
0x21: {  	p3 =	sne.s32 s23, $0x9E00;
	[tilespmem:s3+$0x13BF0] =	vst v0  }
0x22: {  	[tilespmem:s3+$0x13B80] =	vst v0  }
0x23: {  	[tilespmem:s3+$0x13B90] =	vst v0  }
.Ltmp0:
0x24: {  	[tilespmem:s3+$0x13BA0] =	vst v0;
	(pc) =	sbr.rel @p3 .LBB2_2-.Ltmp0, $4  }
0x25: {  	[tilespmem:s3+$0x13BB0] =	vst v0  }
0x26: {  	[tilespmem:s3+$0x13BC0] =	vst v0  }
0x27: {  	[tilespmem:s3+$0x13BD0] =	vst v0  }
0x28: {  	[tilespmem:s3+$0x13BE0] =	vst v0;
	s3 =	sshra.s32 s23, $0x2;
	s23 =	sadd.s32 $0x200, s23  }
0x29: {  	[tilespmem:s3+$0x13BF0] =	vst v0  }
0x2a: {  	[tilespmem:s3+$0x13B80] =	vst v0  }
0x2b: {  	[tilespmem:s3+$0x13B90] =	vst v0  }
0x2c: {  	[tilespmem:s3+$0x13BA0] =	vst v0  }
0x2d: {  	[tilespmem:s3+$0x13BB0] =	vst v0  }
0x2e: {  	[tilespmem:s3+$0x13BC0] =	vst v0  }
0x2f: {  	[tilespmem:s3+$0x13BD0] =	vst v0  }
0x30: {  	[tilespmem:s3+$0x13BE0] =	vst v0  }
0x31: {  	[spmem:s10] =	stream.linear.scatter [tilespmem:s31], [sflag:$0x5], $0x2800, $0x38;
	[tilespmem:$0x18B80] =	vst v63  }
0x32: {  	_ =	swait.ge [sflag:s0], $0x2800  }
0x33: {  	[sflag:s0] =	ssyncset.done $0x0  }
0x34: {  	s26 =	rddreg [dreg:$0x4];
	[sflag:s0] =	ssyncadd.s32 $0xFFFFD800  }
0x35: {  	[spmem:s26] =	stream.linear.scatter [tilespmem:s31], [sflag:$0x5], $0x2800, $0x38;
	[tilespmem:$0x18B80] =	vst v63  }
0x36: {  	_ =	swait.ge [sflag:s0], $0x2800  }
0x37: {  	[sflag:s0] =	ssyncset.done $0x0  }
0x38: {  	s28 =	rddreg [dreg:$0x5];
	[sflag:s0] =	ssyncadd.s32 $0xFFFFD800  }
0x39: {  	[spmem:s28] =	stream.linear.scatter [tilespmem:s31], [sflag:$0x5], $0x2800, $0x38;
	[tilespmem:$0x18B80] =	vst v63  }
0x3a: {  	_ =	swait.ge [sflag:s0], $0x2800  }
0x3b: {  	[sflag:s0] =	ssyncset.done $0x0  }
0x3c: {  	s29 =	rddreg [dreg:$0x6];
	[sflag:s0] =	ssyncadd.s32 $0xFFFFD800  }
0x3d: {  	[spmem:s29] =	stream.linear.scatter [tilespmem:s31], [sflag:$0x5], $0x2800, $0x38;
	[tilespmem:$0x18B80] =	vst v63  }
0x3e: {  	_ =	swait.ge [sflag:s0], $0x2800  }
0x3f: {  	[sflag:s0] =	ssyncset.done $0x0  }
0x40: {  	s21 =	rddreg [dreg:$0x7];
	[sflag:s0] =	ssyncadd.s32 $0xFFFFD800  }
0x41: {  	[spmem:s21] =	stream.linear.scatter [tilespmem:s31], [sflag:$0x5], $0x2800, $0x38;
	[tilespmem:$0x18B80] =	vst v63  }
0x42: {  	_ =	swait.ge [sflag:s0], $0x2800  }
0x43: {  	[sflag:s0] =	ssyncset.done $0x0  }
0x44: {  	s23 =	rddreg [dreg:$0x8];
	[sflag:s0] =	ssyncadd.s32 $0xFFFFD800  }
0x45: {  	[spmem:s23] =	stream.linear.scatter [tilespmem:s31], [sflag:$0x5], $0x2800, $0x38;
	[tilespmem:$0x18B80] =	vst v63  }
0x46: {  	_ =	swait.ge [sflag:s0], $0x2800  }
0x47: {  	[sflag:s0] =	ssyncset.done $0x0  }
0x48: {  	s3 =	simm.s32 @p0 $0x13B80;
	s21 =	rddreg [dreg:$0x11];
	[sflag:s0] =	ssyncadd.s32 $0xFFFFD800  }
0x49: {  	[spmem:s21] =	stream.linear.scatter @p0 [tilespmem:s3], [sflag:$0x5], $0x1400, $0x38;
	[tilespmem:$0x18B80] =	vst v63  }
0x4a: {  	s3 =	simm.s32 @p0 $0x5  }
0x4b: {  	_ =	swait.ge @p0 [sflag:s3], $0x1400  }
0x4c: {  	s23 =	simm.s32 @!p0 $0x5;
	[sflag:s3] =	ssyncset.done @p0 $0x0  }
0x4d: {  	s21 =	rddreg [dreg:$0x12];
	[sflag:s3] =	ssyncadd.s32 @p0 $0xFFFFEC00;
	s3 =	simm.s32 @!p0 $0x13B80  }
0x4e: {  	[spmem:s21] =	stream.linear.scatter @!p0 [tilespmem:s3], [sflag:$0x5], $0x2800, $0x38;
	[tilespmem:$0x18B80] =	vst v63  }
0x4f: {  	_ =	swait.ge @!p0 [sflag:s23], $0x2800  }
0x50: {  	[sflag:s23] =	ssyncset.done @!p0 $0x0  }
0x51: {  	s21 =	rddreg [dreg:$0x13];
	[sflag:s23] =	ssyncadd.s32 @!p0 $0xFFFFD800  }
0x52: {  	[spmem:s21] =	stream.linear.scatter @!p0 [tilespmem:s3], [sflag:$0x5], $0x2400, $0x38;
	[tilespmem:$0x18B80] =	vst v63  }
0x53: {  	_ =	swait.ge @!p0 [sflag:s23], $0x2400  }
0x54: {  	[sflag:s23] =	ssyncset.done @!p0 $0x0  }
0x55: {  	[sflag:s23] =	ssyncadd.s32 @!p0 $0xFFFFDC00  }
0x56: {  	[bflag:$0x0] =	sbarrier.arrive $0xFFFF  }
0x57: {  	s25 =	simm.s32 $0x13880;
	s24 =	rddreg [dreg:$0x9]  }
0x58: {  	[tilespmem:s25], [sflag:$0x5] =	stream.linear.gather [hbm4b:s24+s4], $0x50, $0x38;
	[tilespmem:$0x18B80] =	vst v63  }
0x59: {  	_ =	swait.ge [sflag:s0], $0x50  }
0x5a: {  	[sflag:s0] =	ssyncset.done $0x0  }
0x5b: {  	s26 =	rddreg [dreg:$0xa];
	[sflag:s0] =	ssyncadd.s32 $0xFFFFFFB0  }
0x5c: {  	[tilespmem:s11], [sflag:$0x5] =	stream.linear.gather [hbm4b:s26+s4], $0x50, $0x38;
	[tilespmem:$0x18B80] =	vst v63  }
0x5d: {  	_ =	swait.ge [sflag:s0], $0x50  }
0x5e: {  	[sflag:s0] =	ssyncset.done $0x0  }
0x5f: {  	s29 =	simm.s32 $0x13A80;
	s28 =	rddreg [dreg:$0xb];
	[sflag:s0] =	ssyncadd.s32 $0xFFFFFFB0  }
0x60: {  	[tilespmem:s29], [sflag:$0x5] =	stream.linear.gather [hbm4b:s28+s4], $0x50, $0x38;
	[tilespmem:$0x18B80] =	vst v63  }
0x61: {  	_ =	swait.ge [sflag:s0], $0x50  }
0x62: {  	s3 =	simm.s32 @!p5 $0x13880;
	[sflag:s0] =	ssyncset.done $0x0  }
0x63: {  	s23 =	simm.s32 @!p5 $0x50;
	s24 =	simm.s32 @!p5 $0x13B80;
	[sflag:s0] =	ssyncadd.s32 $0xFFFFFFB0  }
0x64: {  	[tilespmem:s24], [sflag:$0x1] =	stream.indirect.gather @!p5 [hbm4b:s1+s23], $0x80, s3, s23, $0xb8;
	[tilespmem:$0x18B80] =	vst v63  }
0x65: {  	s25 =	simm.s32 @p1 $0x13B80;
	s24 =	simm.s32 @p1 $0x50;
	s3 =	simm.s32 @p1 $0x13880  }
0x66: {  	[tilespmem:s25], [sflag:$0x1] =	stream.indirect.gather @p1 [hbm4b:s5+s24], $0x80, s3, s24, $0xb8;
	[tilespmem:$0x18B80] =	vst v63  }
0x67: {  	s25 =	simm.s32 $0x0  }
.LBB2_4:
0x68: {  	p3 =	seq.s32 s25, $0x0;
	s26 =	smul.u32 $0xA0, s25  }
0x69: {  	s3 =	simm.s32 @!p3 $0x4  }
0x6a: {  	_ =	swait.ge @!p3 [sflag:s3], $0x2800;
	s28 =	sadd.s32 s26, s19  }
0x6b: {  	[sflag:s3] =	ssyncset.done @!p3 $0x0;
	s28 =	sshrl.u32 s28, $0x3  }
0x6c: {  	[sflag:s3] =	ssyncadd.s32 @!p3 $0xFFFFD800;
	s21 =	sadd.s32 s6, s28  }
0x6d: {  	[tilespmem:s12], [sflag:$0x5] =	stream.linear.gather [hbm4b:s21+s4], $0x50, $0x38;
	[tilespmem:$0x18B80] =	vst v63  }
0x6e: {  	_ =	swait.ge [sflag:s0], $0x50  }
0x6f: {  	[sflag:s0] =	ssyncset.done $0x0  }
0x70: {  	s21 =	sadd.s32 s7, s28;
	[sflag:s0] =	ssyncadd.s32 $0xFFFFFFB0  }
0x71: {  	[tilespmem:s13], [sflag:$0x5] =	stream.linear.gather [hbm4b:s21+s4], $0x50, $0x38;
	[tilespmem:$0x18B80] =	vst v63  }
0x72: {  	_ =	swait.ge [sflag:s0], $0x50  }
0x73: {  	[sflag:s0] =	ssyncset.done $0x0  }
0x74: {  	s21 =	sadd.s32 s9, s28;
	[sflag:s0] =	ssyncadd.s32 $0xFFFFFFB0  }
0x75: {  	[tilespmem:s14], [sflag:$0x5] =	stream.linear.gather [hbm4b:s21+s4], $0x50, $0x38;
	[tilespmem:$0x18B80] =	vst v63  }
0x76: {  	_ =	swait.ge [sflag:s0], $0x50  }
0x77: {  	[sflag:s0] =	ssyncset.done $0x0  }
0x78: {  	s3 =	simm.s32 @!p5 $0x13900;
	s28 =	simm.s32 @!p5 $0x16380;
	[sflag:s0] =	ssyncadd.s32 $0xFFFFFFB0  }
0x79: {  	[tilespmem:s28], [sflag:$0x2] =	stream.indirect.gather @!p5 [hbm4b:s1+s23], $0x80, s3, s23, $0xb8;
	[tilespmem:$0x18B80] =	vst v63  }
0x7a: {  	s3 =	simm.s32 @p1 $0x13900;
	s28 =	simm.s32 @p1 $0x16380  }
0x7b: {  	[tilespmem:s28], [sflag:$0x2] =	stream.indirect.gather @p1 [hbm4b:s5+s24], $0x80, s3, s24, $0xb8;
	[tilespmem:$0x18B80] =	vst v63  }
0x7c: {  	_ =	swait.ge [sflag:s15], $0x2800  }
0x7d: {  	[sflag:s15] =	ssyncset.done $0x0  }
0x7e: {  	s28 =	simm.s32 $0x13BC0;
	[sflag:s15] =	ssyncadd.s32 $0xFFFFD800  }
0x7f: {  	s21 =	simm.s32 $0x0;
	v5 =	vld [tilespmem:s28+$0x30]  }
0x80: {  	v2 =	vld.msk [tilespmem:s21+$0x13A80], $0x1  }
0x81: {  	v8 =	vld [tilespmem:s28+$0x10]  }
0x82: {  	v6 =	vld [tilespmem:s28+$0xFFFFFFC0]  }
0x83: {  	v10 =	vld [tilespmem:s28+$0xFFFFFFE0]  }
0x84: {  	v1 =	vld [tilespmem:s28+$0xFFFFFFF0]  }
0x85: {  	v3 =	vld [tilespmem:s28+$0x20];
	v2 =	vbroadcast v2, $0x0  }
0x86: {  	v4 =	vld [tilespmem:s28+$0xFFFFFFD0]  }
0x87: {  	v9 =	vmul.f32 v5, v2;
	v5 =	vld [tilespmem:s28+$0x0]  }
0x88: {  	v7 =	vmul.f32 v2, v6  }
0x89: {  	s29 =	simm.s32 $0x4;
	s3 =	simm.s32 $0x13BC0;
	v6 =	vmul.f32 v10, v2;
	v8 =	vmul.f32 v8, v2  }
.LBB2_5:
0x8a: {  	p3 =	sne.s32 s29, $0x13C  }
0x8b: {  	v4 =	vmul.f32 v4, v2;
	v3 =	vmul.f32 v3, v2;
	[tilespmem:s28+$0x30] =	vst v9;
	s3 =	sadd.s32 $0x80, s3;
	s21 =	smov.u32 s29;
	s29 =	sadd.s32 $0x4, s29  }
0x8c: {  	v1 =	vmul.f32 v1, v2;
	[tilespmem:s28+$0xFFFFFFC0] =	vst v7;
	v2 =	vmul.f32 v5, v2  }
0x8d: {  	[tilespmem:s28+$0x10] =	vst v8  }
0x8e: {  	[tilespmem:s28+$0xFFFFFFE0] =	vst v6  }
0x8f: {  	[tilespmem:s28+$0xFFFFFFF0] =	vst v1  }
0x90: {  	v1 =	vld [tilespmem:s3+$0xFFFFFFF0];
	[tilespmem:s28+$0x0] =	vst v2  }
0x91: {  	v6 =	vld [tilespmem:s3+$0x30];
	[tilespmem:s28+$0x20] =	vst v3  }
0x92: {  	s21 =	sshra.s32 s21, $0x2;
	v8 =	vld [tilespmem:s3+$0x10];
	[tilespmem:s28+$0xFFFFFFD0] =	vst v4;
	s28 =	smov.u32 s3  }
0x93: {  	v2 =	vld.msk [tilespmem:s21+$0x13A80], $0x1  }
0x94: {  	v7 =	vld [tilespmem:s3+$0xFFFFFFC0]  }
0x95: {  	v10 =	vld [tilespmem:s3+$0xFFFFFFE0]  }
0x96: {  	v3 =	vld [tilespmem:s3+$0x20]  }
.Ltmp1:
0x97: {  	v4 =	vld [tilespmem:s3+$0xFFFFFFD0];
	(pc) =	sbr.rel @p3 .LBB2_5-.Ltmp1, $3  }
0x98: {  	v2 =	vbroadcast v2, $0x0;
	v5 =	vld [tilespmem:s3+$0x0];
	_ =	sdelay $0x1  }
0x99: {  	v7 =	vmul.f32 v2, v7;
	v9 =	vmul.f32 v6, v2  }
0x9a: {  	v6 =	vmul.f32 v10, v2;
	v8 =	vmul.f32 v8, v2  }
0x9b: {  	[tilespmem:s28+$0x30] =	vst v9  }
0x9c: {  	[tilespmem:s28+$0xFFFFFFC0] =	vst v7  }
0x9d: {  	v1 =	vmul.f32 v1, v2;
	[tilespmem:s28+$0x10] =	vst v8  }
0x9e: {  	v3 =	vmul.f32 v3, v2;
	[tilespmem:s28+$0xFFFFFFE0] =	vst v6  }
0x9f: {  	v5 =	vmul.f32 v5, v2;
	[tilespmem:s28+$0xFFFFFFF0] =	vst v1  }
0xa0: {  	v1 =	vmul.f32 v4, v2;
	[tilespmem:s28+$0x20] =	vst v3  }
0xa1: {  	p3 =	seq.s32 s25, $0x3F;
	[tilespmem:s28+$0x0] =	vst v5  }
0xa2: {  	s3 =	simm.s32 @!p3 $0x3;
	[tilespmem:s28+$0xFFFFFFD0] =	vst v1  }
0xa3: {  	[spmem:s2] =	stream.indirect.scatter.add.f32 [tilespmem:s31], [sflag:$0x3], $0x80, s11, s16, $0xb8;
	[tilespmem:$0x18B80] =	vst v63  }
0xa4: {  	_ =	swait.ge @!p3 [sflag:s3], $0x2800  }
0xa5: {  	s21 =	sadd.s32 @!p3 s26, s20;
	[sflag:s3] =	ssyncset.done @!p3 $0x0  }
0xa6: {  	[sflag:s3] =	ssyncadd.s32 @!p3 $0xFFFFD800;
	s3 =	sshrl.u32 @!p3 s21, $0x3  }
0xa7: {  	s26 =	simm.s32 @!p3 $0x0;
	s28 =	simm.s32 @!p3 $0x13880;
	s21 =	sadd.s32 @!p3 s6, s3  }
0xa8: {  	[tilespmem:s28], [sflag:$0x5] =	stream.linear.gather @!p3 [hbm4b:s21+s26], $0x50, $0x38;
	[tilespmem:$0x18B80] =	vst v63  }
0xa9: {  	s21 =	simm.s32 @!p3 $0x5  }
0xaa: {  	_ =	swait.ge @!p3 [sflag:s21], $0x50  }
0xab: {  	[sflag:s21] =	ssyncset.done @!p3 $0x0  }
0xac: {  	s29 =	simm.s32 @!p3 $0x13980;
	s28 =	sadd.s32 @!p3 s7, s3;
	[sflag:s21] =	ssyncadd.s32 @!p3 $0xFFFFFFB0  }
0xad: {  	[tilespmem:s29], [sflag:$0x5] =	stream.linear.gather @!p3 [hbm4b:s28+s26], $0x50, $0x38;
	[tilespmem:$0x18B80] =	vst v63  }
0xae: {  	_ =	swait.ge @!p3 [sflag:s21], $0x50  }
0xaf: {  	p4 =	sne.s32 @!p3 s8, $0x0;
	[sflag:s21] =	ssyncset.done @!p3 $0x0  }
0xb0: {  	s3 =	sadd.s32 @!p3 s9, s3;
	s28 =	simm.s32 @!p3 $0x13A80;
	[sflag:s21] =	ssyncadd.s32 @!p3 $0xFFFFFFB0  }
0xb1: {  	[tilespmem:s28], [sflag:$0x5] =	stream.linear.gather @!p3 [hbm4b:s3+s26], $0x50, $0x38;
	[tilespmem:$0x18B80] =	vst v63  }
0xb2: {  	p4 =	por p4, p3;
	_ =	swait.ge @!p3 [sflag:s21], $0x50  }
0xb3: {  	s3 =	simm.s32 @!p4 $0x50;
	s26 =	simm.s32 @!p4 $0x13B80;
	[sflag:s21] =	ssyncset.done @!p3 $0x0  }
0xb4: {  	[sflag:s21] =	ssyncadd.s32 @!p3 $0xFFFFFFB0;
	s21 =	simm.s32 @!p4 $0x13880;
	p3 =	por !p1, p3  }
0xb5: {  	[tilespmem:s26], [sflag:$0x1] =	stream.indirect.gather @!p4 [hbm4b:s1+s3], $0x80, s21, s3, $0xb8;
	[tilespmem:$0x18B80] =	vst v63  }
0xb6: {  	s3 =	simm.s32 @!p3 $0x50;
	s21 =	simm.s32 @!p3 $0x13880;
	s26 =	simm.s32 @!p3 $0x13B80  }
0xb7: {  	[tilespmem:s26], [sflag:$0x1] =	stream.indirect.gather @!p3 [hbm4b:s5+s3], $0x80, s21, s3, $0xb8;
	[tilespmem:$0x18B80] =	vst v63  }
0xb8: {  	_ =	swait.ge [sflag:s17], $0x2800  }
0xb9: {  	[sflag:s17] =	ssyncset.done $0x0  }
0xba: {  	s26 =	simm.s32 $0x163C0;
	[sflag:s17] =	ssyncadd.s32 $0xFFFFD800  }
0xbb: {  	s29 =	simm.s32 $0x0;
	v5 =	vld [tilespmem:s26+$0x30]  }
0xbc: {  	v2 =	vld.msk [tilespmem:s29+$0x13B00], $0x1  }
0xbd: {  	v8 =	vld [tilespmem:s26+$0x10]  }
0xbe: {  	v6 =	vld [tilespmem:s26+$0xFFFFFFC0]  }
0xbf: {  	v10 =	vld [tilespmem:s26+$0xFFFFFFE0]  }
0xc0: {  	v1 =	vld [tilespmem:s26+$0xFFFFFFF0]  }
0xc1: {  	v3 =	vld [tilespmem:s26+$0x20];
	v2 =	vbroadcast v2, $0x0  }
0xc2: {  	v4 =	vld [tilespmem:s26+$0xFFFFFFD0]  }
0xc3: {  	v9 =	vmul.f32 v5, v2;
	v5 =	vld [tilespmem:s26+$0x0]  }
0xc4: {  	v7 =	vmul.f32 v2, v6  }
0xc5: {  	s28 =	simm.s32 $0x4;
	s3 =	simm.s32 $0x163C0;
	v6 =	vmul.f32 v10, v2;
	v8 =	vmul.f32 v8, v2  }
.LBB2_7:
0xc6: {  	p3 =	sne.s32 s28, $0x13C  }
0xc7: {  	v4 =	vmul.f32 v4, v2;
	v3 =	vmul.f32 v3, v2;
	[tilespmem:s26+$0x30] =	vst v9;
	s3 =	sadd.s32 $0x80, s3;
	s21 =	smov.u32 s28;
	s28 =	sadd.s32 $0x4, s28  }
0xc8: {  	v1 =	vmul.f32 v1, v2;
	[tilespmem:s26+$0xFFFFFFC0] =	vst v7;
	v2 =	vmul.f32 v5, v2  }
0xc9: {  	[tilespmem:s26+$0x10] =	vst v8  }
0xca: {  	[tilespmem:s26+$0xFFFFFFE0] =	vst v6  }
0xcb: {  	[tilespmem:s26+$0xFFFFFFF0] =	vst v1  }
0xcc: {  	v1 =	vld [tilespmem:s3+$0xFFFFFFF0];
	[tilespmem:s26+$0x0] =	vst v2  }
0xcd: {  	v6 =	vld [tilespmem:s3+$0x30];
	[tilespmem:s26+$0x20] =	vst v3  }
0xce: {  	s21 =	sshra.s32 s21, $0x2;
	v8 =	vld [tilespmem:s3+$0x10];
	[tilespmem:s26+$0xFFFFFFD0] =	vst v4;
	s26 =	smov.u32 s3  }
0xcf: {  	v2 =	vld.msk [tilespmem:s21+$0x13B00], $0x1  }
0xd0: {  	v7 =	vld [tilespmem:s3+$0xFFFFFFC0]  }
0xd1: {  	v10 =	vld [tilespmem:s3+$0xFFFFFFE0]  }
0xd2: {  	v3 =	vld [tilespmem:s3+$0x20]  }
.Ltmp2:
0xd3: {  	v4 =	vld [tilespmem:s3+$0xFFFFFFD0];
	(pc) =	sbr.rel @p3 .LBB2_7-.Ltmp2, $3  }
0xd4: {  	v2 =	vbroadcast v2, $0x0;
	v5 =	vld [tilespmem:s3+$0x0];
	_ =	sdelay $0x1  }
0xd5: {  	v7 =	vmul.f32 v2, v7;
	v9 =	vmul.f32 v6, v2  }
0xd6: {  	v6 =	vmul.f32 v10, v2;
	v8 =	vmul.f32 v8, v2  }
0xd7: {  	[tilespmem:s26+$0x30] =	vst v9  }
0xd8: {  	[tilespmem:s26+$0xFFFFFFC0] =	vst v7  }
0xd9: {  	v1 =	vmul.f32 v1, v2;
	s25 =	sadd.s32 $0x1, s25;
	[tilespmem:s26+$0x10] =	vst v8  }
0xda: {  	v3 =	vmul.f32 v3, v2;
	[tilespmem:s26+$0xFFFFFFE0] =	vst v6;
	p3 =	sne.s32 s25, $0x40  }
.Ltmp3:
0xdb: {  	v5 =	vmul.f32 v5, v2;
	[tilespmem:s26+$0xFFFFFFF0] =	vst v1;
	(pc) =	sbr.rel @p3 .LBB2_4-.Ltmp3, $4  }
0xdc: {  	v1 =	vmul.f32 v4, v2;
	[tilespmem:s26+$0x20] =	vst v3  }
0xdd: {  	[tilespmem:s26+$0x0] =	vst v5  }
0xde: {  	[tilespmem:s26+$0xFFFFFFD0] =	vst v1  }
0xdf: {  	[spmem:s2] =	stream.indirect.scatter.add.f32 [tilespmem:s18], [sflag:$0x4], $0x80, s13, s16, $0xb8;
	[tilespmem:$0x18B80] =	vst v63  }
0xe0: {  	s3 =	simm.s32 $0x3  }
0xe1: {  	_ =	swait.ge [sflag:s3], $0x2800  }
0xe2: {  	[sflag:s3] =	ssyncset.done $0x0  }
0xe3: {  	s25 =	simm.s32 $0x4;
	[sflag:s3] =	ssyncadd.s32 $0xFFFFD800  }
0xe4: {  	_ =	swait.ge [sflag:s25], $0x2800  }
0xe5: {  	[sflag:s25] =	ssyncset.done $0x0  }
0xe6: {  	s24 =	stileid.u32;
	[sflag:s25] =	ssyncadd.s32 $0xFFFFD800  }
0xe7: {  	s3 =	sshll.u32 @p2 s24, $0x6;
	[bflag:$0x0] =	sbarrier.arrive $0xFFFF  }
0xe8: {  	s21 =	sshrl.u32 @p2 s10, $0x3;
	s3 =	sor.u32 @p2 $0x1C05, s3;
	s23 =	rddreg [dreg:$0xc]  }
0xe9: {  	[hbm:s23], [sflag:s3] =	dma.local @p2 [spmem:s21], $0x2780  }
0xea: {  	s3 =	simm.s32 @p2 $0x5  }
0xeb: {  	_ =	swait.ge @p2 [sflag:s3], $0x2780  }
0xec: {  	s21 =	sshll.u32 @!p6 s24, $0x6;
	[sflag:s3] =	ssyncset.done @p2 $0x0;
	s24 =	rddreg [dreg:$0xd]  }
0xed: {  	[sflag:s3] =	ssyncadd.s32 @p2 $0xFFFFD880;
	s3 =	sor.u32 @!p6 $0x1C05, s21;
	s21 =	sshrl.u32 @!p6 s10, $0x3  }
0xee: {  	[hbm:s24], [sflag:s3] =	dma.local @!p6 [spmem:s21], $0x2780  }
0xef: {  	s3 =	simm.s32 @!p6 $0x5  }
0xf0: {  	_ =	swait.ge @!p6 [sflag:s3], $0x2780  }
0xf1: {  	s26 =	sld [smem:$0x7FD];
	_ =	sdelay $0x2  }
0xf2: {  	[sflag:s3] =	ssyncset.done @!p6 $0x0;
	s24 =	rddreg [dreg:$0xe];
	p3 =	seq.s32 s26, $0x1  }
0xf3: {  	[sflag:s3] =	ssyncadd.s32 @!p6 $0xFFFFD880;
	s3 =	sshrl.u32 @p3 s30, $0x3;
	s21 =	simm.s32 @p3 $0x1FC5  }
0xf4: {  	[hbm:s24], [sflag:s21] =	dma.local @p3 [spmem:s3], $0x2080  }
0xf5: {  	s3 =	simm.s32 @p3 $0x5  }
0xf6: {  	_ =	swait.ge @p3 [sflag:s3], $0x2080  }
0xf7: {  	s28 =	sld [smem:$0x7FC];
	_ =	sdelay $0x2  }
0xf8: {  	[sflag:s3] =	ssyncset.done @p3 $0x0;
	s24 =	rddreg [dreg:$0xf];
	p4 =	seq.s32 s28, $0x1  }
0xf9: {  	[sflag:s3] =	ssyncadd.s32 @p3 $0xFFFFDF80;
	s3 =	sshrl.u32 @p4 s30, $0x3;
	s21 =	simm.s32 @p4 $0x1FC5  }
0xfa: {  	[hbm:s24], [sflag:s21] =	dma.local @p4 [spmem:s3], $0x2080  }
0xfb: {  	s3 =	simm.s32 @p4 $0x5  }
0xfc: {  	_ =	swait.ge @p4 [sflag:s3], $0x2080  }
0xfd: {  	s22 =	sadd.s32 $0x1, s22;
	s29 =	rddreg [dreg:$0x10]  }
0xfe: {  	p3 =	sne.s32 s22, s29  }
.Ltmp4:
0xff: {  	_ = 	snop;
	(pc) =	sbr.rel @p3 .LBB2_1-.Ltmp4, $3  }
0x100: {  	_ =	sdelay $0x1  }
0x101: {  	[sflag:s3] =	ssyncset.done @p4 $0x0  }
0x102: {  	s23 =	stileid.u32;
	[sflag:s3] =	ssyncadd.s32 @p4 $0xFFFFDF80  }
0x103: {  	_ =	sfence.sel $0x180000  }
0x104: {  	[bflag:$0x0] =	sbarrier.arrive $0xFFFF  }
0x105: {  	_ =	strace $0x9000004A  }
0x106: {  	[bflag:$0x2] =	sbarrier.arrive $0xFFFF  }
0x107: {  	p0 =	sne.s32 s23, $0x0;
	s0 =	rddreg [dreg:$0x3]  }
0x108: {  	s0 =	sadd.s32 @!p0 $0x100000, s0  }
0x109: {  	[sflag:s0] =	ssyncadd.tile.s32 @!p0 $0x1;
	_ =	shalt  }
.Lfunc_end2:
_tile_overlayer_lowered:
.L_overlay_start_2:
0x10a: {  	(tag) =	ssettag $0x2  }
0x10b: {  	s0 =	rddreg [dreg:$0x0];
	s2 =	stileid.u32  }
0x10c: {  	s1 =	rddreg [dreg:$0x1];
	p0 =	sne.s32 s2, $0x0  }
0x10d: {  	s3 =	rddreg [dreg:$0x2];
	[bflag:$0x3] =	sbarrier.arrive $0xFFFF;
	s2 =	simm.s32 @!p0 $0x1C05  }
0x10e: {  	[timem:s3], [sflag:s2] =	dma.local @!p0 [hbm:s0], s1  }
0x10f: {  	s0 =	simm.s32 @!p0 $0x5  }
0x110: {  	_ =	swait.ge @!p0 [sflag:s0], s1  }
0x111: {  	s1 =	ssub.s32 @!p0 $0x0, s1;
	[sflag:s0] =	ssyncset.done @!p0 $0x0  }
0x112: {  	[sflag:s0] =	ssyncadd.s32 @!p0 s1  }
0x113: {  	[bflag:$0x3] =	sbarrier.arrive $0xFFFF  }
0x114: {  	_ =	shalt  }

// kernel: kernel.14.cloned.1.call-start
scs
__scs_entry_jumppad:
0x0: {  	(pc) =	sbr.rel $0x88, $3  }
0x1: {  	(tag) =	ssettag $0x0;
	lr =	simm.s32 $0x1  }
0x2: {  	[smem:$0x3F9A] =	sst lr;
	_ =	strace $0xD0000000  }
0x3: {  	_ = 	snop  }
0x4: {  	_ = 	snop  }
0x5: {  	_ = 	snop  }
0x6: {  	_ = 	snop  }
0x7: {  	_ = 	snop  }
__scs_overlays_trampoline_lowered:
0x8: {  	[smem:$0x3FA9] =	sst s0  }
0x9: {  	[smem:$0x3FAA] =	sst s1  }
0xa: {  	[smem:$0x3FAB] =	sst s2  }
0xb: {  	[smem:$0x3FAC] =	sst s3  }
0xc: {  	[smem:$0x3FAD] =	sst s4  }
0xd: {  	[smem:$0x3FAE] =	sst s5  }
0xe: {  	[smem:$0x3FAF] =	sst s6  }
0xf: {  	[smem:$0x3FB0] =	sst s7  }
0x10: {  	[smem:$0x3FB1] =	sst s8  }
0x11: {  	[smem:$0x3FB2] =	sst s9;
	s0 =	simm.s32 @!p0 $0x0  }
0x12: {  	s1 =	sld [smem:$0x3F98];
	s0 =	simm.s32 @p0 $0x1  }
0x13: {  	[smem:$0x3FB3] =	sst s0;
	s0 =	simm.s32 @!p1 $0x0  }
0x14: {  	s2 =	sld [smem:$0x3F97];
	s0 =	simm.s32 @p1 $0x1  }
0x15: {  	[smem:$0x3FB4] =	sst s0;
	s0 =	simm.s32 @!p2 $0x0  }
0x16: {  	s3 =	sld [smem:$0x3FDB];
	s0 =	simm.s32 @p2 $0x1  }
0x17: {  	s4 =	simm.s32 $0x1BF5;
	[smem:$0x3FB6] =	sst s0  }
0x18: {  	s0 =	sld [smem:$0x3F99];
	_ =	swait.ge [sflag:s4], $0x0  }
0x19: {  	s7 =	sld [smem:$0x3F9A]  }
0x1a: {  	s8 =	sadd.s32 $0xFFFFE003, lr  }
0x1b: {  	s9 =	sadd.s32 $0xFFFFFEF7, lr;
	s5 =	simm.s32 $0xFFFFFFFF;
	p2 =	slt.u32 s8, $0xFFFFF086  }
0x1c: {  	p1 =	slt.u32 s9, $0xF7A;
	s5 =	simm.s32 @!p2 $0x0  }
0x1d: {  	s5 =	simm.s32 @p1 $0x1;
	p0 =	seq.s32 s7, s2  }
0x1e: {  	s7 =	smul.u32 @!p0 $0xF7A, s2;
	p2 =	seq.s32 @!p0 s5, $0x0  }
0x1f: {  	s9 =	smul.u32 $0xF7A, s1;
	s8 =	simm.s32 @!p0 $0x1BF5;
	p2 =	por !p2, p0  }
0x20: {  	[sflag:s8] =	ssyncset.s32 @!p0 $0xFFFFF086;
	s6 =	sadd.s32 @!p0 s3, s7;
	s7 =	simm.s32 @!p0 $0x108  }
0x21: {  	s3 =	sadd.s32 s3, s9;
	s6 =	sadd.s32 @!p0 $0x88, s6;
	s7 =	simm.s32 @p2 $0x1082  }
0x22: {  	[simem:s7], [sflag:s8] =	dma.local @!p0 [hbm:s6], $0xF7A  }
0x23: {  	s9 =	sor.u32 $0xD0000000, s2;
	s6 =	simm.s32 $0x108;
	_ =	swait.ge @!p0 [sflag:s8], $0x0  }
0x24: {  	s3 =	sadd.s32 $0x88, s3;
	s6 =	simm.s32 @!p1 $0x1082;
	[sflag:s4] =	ssyncset.s32 $0xFFFFF086  }
0x25: {  	[simem:s6], [sflag:s4] =	dma.local [hbm:s3], $0xF7A  }
0x26: {  	[smem:$0x3F9A] =	sst s1;
	(tag) =	ssettag s2;
	_ =	strace s9  }
0x27: {  	s1 =	sld [smem:$0x3FAA]  }
0x28: {  	s2 =	sld [smem:$0x3FAB]  }
0x29: {  	s4 =	sld [smem:$0x3FAD]  }
0x2a: {  	p0 =	seq.s32 s5, $0x0;
	s5 =	sld [smem:$0x3FAE]  }
0x2b: {  	s6 =	sld [smem:$0x3FAF]  }
0x2c: {  	s7 =	sld [smem:$0x3FB0]  }
0x2d: {  	s3 =	simm.s32 $0x108;
	s8 =	sld [smem:$0x3FB1]  }
0x2e: {  	s3 =	simm.s32 @!p0 $0x1082;
	s9 =	sld [smem:$0x3FB2]  }
0x2f: {  	lr =	sadd.s32 s0, s3;
	s0 =	sld [smem:$0x3FA9]  }
0x30: {  	s3 =	sld [smem:$0x3FAC]  }
0x31: {  	[smem:$0x3FB5] =	sst s10  }
0x32: {  	s10 =	sld [smem:$0x3FB3];
	_ =	sdelay $0x3  }
0x33: {  	p0 =	seq.s32 s10, $0x1;
	s10 =	sld [smem:$0x3FB5];
	_ =	sdelay $0x3  }
0x34: {  	[smem:$0x3FB5] =	sst s10  }
0x35: {  	s10 =	sld [smem:$0x3FB4];
	_ =	sdelay $0x3  }
0x36: {  	p1 =	seq.s32 s10, $0x1;
	s10 =	sld [smem:$0x3FB5];
	_ =	sdelay $0x3  }
0x37: {  	[smem:$0x3FB5] =	sst s10  }
0x38: {  	s10 =	sld [smem:$0x3FB6]  }
0x39: {  	_ = 	snop;
	(pc) =	sbr.ind lr, $3  }
0x3a: {  	_ = 	snop  }
0x3b: {  	_ = 	snop  }
0x3c: {  	p2 =	seq.s32 s10, $0x1;
	s10 =	sld [smem:$0x3FB5]  }
0x3d: {  	_ =	shalt  }
0x3e: {  	_ =	shalt  }
0x3f: {  	_ =	shalt  }
0x40: {  	_ =	shalt  }
0x41: {  	_ =	shalt  }
0x42: {  	_ =	shalt  }
0x43: {  	_ =	shalt  }
0x44: {  	_ =	shalt  }
0x45: {  	_ =	shalt  }
0x46: {  	_ =	shalt  }
0x47: {  	_ =	shalt  }
0x48: {  	_ =	shalt  }
0x49: {  	_ =	shalt  }
0x4a: {  	_ =	shalt  }
0x4b: {  	_ =	shalt  }
0x4c: {  	_ =	shalt  }
0x4d: {  	_ =	shalt  }
0x4e: {  	_ =	shalt  }
0x4f: {  	_ =	shalt  }
0x50: {  	_ =	shalt  }
0x51: {  	_ =	shalt  }
0x52: {  	_ =	shalt  }
0x53: {  	_ =	shalt  }
0x54: {  	_ =	shalt  }
0x55: {  	_ =	shalt  }
0x56: {  	_ =	shalt  }
0x57: {  	_ =	shalt  }
0x58: {  	_ =	shalt  }
0x59: {  	_ =	shalt  }
0x5a: {  	_ =	shalt  }
0x5b: {  	_ =	shalt  }
0x5c: {  	_ =	shalt  }
0x5d: {  	_ =	shalt  }
0x5e: {  	_ =	shalt  }
0x5f: {  	_ =	shalt  }
0x60: {  	_ =	shalt  }
0x61: {  	_ =	shalt  }
0x62: {  	_ =	shalt  }
0x63: {  	_ =	shalt  }
0x64: {  	_ =	shalt  }
0x65: {  	_ =	shalt  }
0x66: {  	_ =	shalt  }
0x67: {  	_ =	shalt  }
0x68: {  	_ =	shalt  }
0x69: {  	_ =	shalt  }
0x6a: {  	_ =	shalt  }
0x6b: {  	_ =	shalt  }
0x6c: {  	_ =	shalt  }
0x6d: {  	_ =	shalt  }
0x6e: {  	_ =	shalt  }
0x6f: {  	_ =	shalt  }
0x70: {  	_ =	shalt  }
0x71: {  	_ =	shalt  }
0x72: {  	_ =	shalt  }
0x73: {  	_ =	shalt  }
0x74: {  	_ =	shalt  }
0x75: {  	_ =	shalt  }
0x76: {  	_ =	shalt  }
0x77: {  	_ =	shalt  }
0x78: {  	_ =	shalt  }
0x79: {  	_ =	shalt  }
0x7a: {  	_ =	shalt  }
0x7b: {  	_ =	shalt  }
0x7c: {  	_ =	shalt  }
0x7d: {  	_ =	shalt  }
0x7e: {  	_ =	shalt  }
0x7f: {  	_ =	shalt  }
0x80: {  	_ =	shalt  }
0x81: {  	_ =	shalt  }
0x82: {  	_ =	shalt  }
0x83: {  	_ =	shalt  }
0x84: {  	_ =	shalt  }
0x85: {  	_ =	shalt  }
0x86: {  	_ =	shalt  }
0x87: {  	_ =	shalt  }
.Lfunc_end0:
.L_simem_size_0:
called_computation.2_lowered:
.L_overlay_start_0:
0x88: {  	s2 =	sld [smem:$0x3FD9]  }
0x89: {  	s3 =	sld [smem:$0x3FFE];
	_ =	sdelay $0x1  }
0x8a: {  	s1 =	srdreg.scid  }
0x8b: {  	s0 =	sand.u32 $0x1, s1  }
0x8c: {  	s17 =	sshll.u32 s0, $0xA;
	s2 =	sadd.s32 s3, s2  }
0x8d: {  	s2 =	sadd.s32 s2, s17  }
0x8e: {  	[smem:$0x3FC1] =	sst s2  }
0x8f: {  	_ = 	snop  }
0x90: {  	s2 =	sld [smem:$0x3FD0];
	(tm) =	ssettm $0x1  }
0x91: {  	s18 =	sld [smem:$0x3FFB];
	_ =	sdelay $0x3  }
0x92: {  	_ =	strace s18  }
0x93: {  	s3 =	sld [smem:$0x3FFC];
	_ =	sdelay $0x3  }
0x94: {  	_ =	strace s3  }
0x95: {  	s3 =	sld [smem:$0x3FFD];
	_ =	sdelay $0x3  }
0x96: {  	_ =	strace s3  }
0x97: {  	_ =	strace $0x8FFFFFFF  }
0x98: {  	s19 =	sld [smem:$0x3FDB];
	_ =	sdelay $0x1  }
0x99: {  	s4 =	simm.s32 $_scs_section_size  }
0x9a: {  	s5 =	simm.s32 $_size__tile_overlayer_lowered;
	s6 =	simm.s32 $_tile_overlayer_lowered  }
0x9b: {  	s22 =	simm.s32 $0x1BFF;
	s21 =	sshll.u32 s6, $0x1;
	s3 =	sadd.s32 s4, s19  }
0x9c: {  	s7 =	simm.s32 $0x0;
	s20 =	sshll.u32 s5, $0x1;
	s5 =	sadd.s32 s21, s3  }
0x9d: {  	[timem:s7], [sflag:s22] =	dma.local [hbm:s5], s20  }
0x9e: {  	_ =	swait.ge [sflag:s22], s20  }
0x9f: {  	s4 =	ssub.s32 $0x0, s20;
	[sflag:s22] =	ssyncset.done $0x0  }
0xa0: {  	[sflag:s22] =	ssyncadd.s32 s4;
	_ =	sdelay $0x1  }
0xa1: {  	s23 =	simm.s32 $0x1B8B  }
0xa2: {  	_ =	swait.ge [sflag:s23], $0x1  }
0xa3: {  	[sflag:s23] =	ssyncset.done $0x0  }
0xa4: {  	s25 =	simm.s32 $0x1B8E;
	s24 =	sld [smem:$0x3FFE];
	[sflag:s23] =	ssyncadd.s32 $0xFFFFFFFF  }
0xa5: {  	s26 =	simm.s32 $execute0_lowered;
	[smem:$0x3FD2] =	sst s25  }
0xa6: {  	s5 =	sshll.u32 s26, $0x1;
	_ =	strace $0x8000004C;
	[dreg:$0x1] =	wrdreg $0xFFFFFFFF  }
0xa7: {  	s28 =	simm.s32 $_size_execute0_lowered;
	s3 =	sadd.s32 s3, s5;
	[dreg:$0x0] =	wrdreg $0x0  }
0xa8: {  	s5 =	sshll.u32 s28, $0x1;
	[dreg:$0x2] =	wrdreg s3  }
0xa9: {  	[dreg:$0x3] =	wrdreg s5  }
0xaa: {  	[dreg:$0x4] =	wrdreg $0xC0  }
0xab: {  	_ =	task [dreg:s7], $0x5FFFF  }
0xac: {  	[dreg:$0x1] =	wrdreg $0xFFFFFFFF  }
0xad: {  	[dreg:$0x0] =	wrdreg $0x60  }
0xae: {  	[dreg:$0x2] =	wrdreg s2  }
0xaf: {  	[dreg:$0x3] =	wrdreg s24  }
0xb0: {  	[dreg:$0x4] =	wrdreg $0x0  }
0xb1: {  	[dreg:$0x5] =	wrdreg $0x9  }
0xb2: {  	_ =	task.clear_ibuf [dreg:s7], $0x6FFFF;
	_ =	strace $0x9000004C  }
0xb3: {  	s29 =	simm.s32 $0x9;
	_ =	strace $0x8000004E  }
0xb4: {  	_ =	swait.ge [sflag:s29], $0x1  }
0xb5: {  	[sflag:s29] =	ssyncadd.s32 $0xFFFFFFFF  }
0xb6: {  	_ =	strace $0x9000004E  }
0xb7: {  	_ =	sfence  }
0xb8: {  	s30 =	sld [smem:$0x0];
	_ =	sdelay $0x2  }
0xb9: {  	s31 =	sshll.u32 s1, $0xD;
	s1 =	sshrl.u32 s1, $0x2  }
0xba: {  	s3 =	sand.u32 $0x4000, s31;
	s1 =	sadd.s32 s1, s30  }
0xbb: {  	s0 =	sor.u32 s3, s0;
	s1 =	sshll.u32 s1, $0x11  }
0xbc: {  	s0 =	sor.u32 s1, s0  }
0xbd: {  	s0 =	sadd.s32 $0x8F2B, s0  }
0xbe: {  	[sflag:s0] =	ssyncadd.remote.s32 $0x1  }
0xbf: {  	_ =	sfence.sel $0xFFFF  }
0xc0: {  	[dreg:$0x0] =	wrdreg $0xFFFFFFFF;
	(pc) =	sbr.abs _section_cstart, $3  }
0xc1: {  	[dreg:$0x1] =	wrdreg $0xFFFFFFFF  }
0xc2: {  	_ =	task.clear_ibuf [dreg:s7], $0x2FFFF;
	_ =	strace $0x9FFFFFFF  }
0xc3: {  	(tm) =	ssettm $0x7FFFFFFF  }
tec
execute0_lowered:
.L_overlay_start_1:
0x0: {  	(tag) =	ssettag $0x1  }
0x1: {  	s1 =	rddreg [dreg:$0x0]  }
0x2: {  	s0 =	rddreg [dreg:$0x1]  }
0x3: {  	s2 =	rddreg [dreg:$0x2];
	s4 =	simm.s32 $0x0;
	s14 =	stileid.u32  }
0x4: {  	s3 =	srdreg.scid;
	s31 =	simm.s32 $0x13B80;
	[smem:$0x7FF] =	sst s4  }
0x5: {  	s5 =	sadd.s32 $0x13000, s0;
	s6 =	sadd.s32 $0xE000, s0;
	s10 =	smul.u32 $0x4F000, s14  }
0x6: {  	s7 =	sadd.s32 $0x8400, s0;
	s11 =	smul.u32 $0x2780, s14;
	s9 =	sadd.s32 $0x3400, s0  }
0x7: {  	s16 =	smul.u32 $0x2800, s14;
	p0 =	seq.s32 s14, $0xF;
	p3 =	sne.s32 s14, $0xF  }
0x8: {  	s8 =	sand.u32 $0x1, s3;
	s26 =	sadd.s32 $0x137400, s2;
	s30 =	sadd.s32 $0x128400, s2  }
0x9: {  	s24 =	sadd.s32 $0x86480, s0;
	s14 =	simm.s32 $0x13B00;
	_ =	strace $0x8000004D  }
0xa: {  	s3 =	ssub.s32 $0x2, s8;
	p4 =	seq.s32 s8, $0x0;
	[dreg:$0xe] =	wrdreg s24  }
0xb: {  	p1 =	seq.s32 s8, $0x1;
	[dreg:$0x11] =	wrdreg s26;
	s10 =	sshrl.u32 s10, $0x2  }
0xc: {  	s11 =	sadd.s32 s11, s0;
	s12 =	sshrl.u32 s3, $0x1;
	s20 =	sshrl.u32 s16, $0x3  }
0xd: {  	p2 =	por !p4, !p3;
	p4 =	por !p4, !p0;
	p3 =	por !p3, !p1  }
0xe: {  	p5 =	por !p1, !p0;
	s0 =	sadd.s32 $0xAD680, s0;
	s10 =	sadd.s32 s10, s2  }
0xf: {  	s3 =	ssub.s32 s3, s12;
	s21 =	sadd.s32 s6, s20;
	[dreg:$0xf] =	wrdreg s0  }
0x10: {  	s22 =	sadd.s32 s7, s20;
	p2 =	por !p2, !p2;
	[dreg:$0x9] =	wrdreg s21  }
0x11: {  	s23 =	sadd.s32 $0x61400, s11;
	p6 =	por !p4, !p4;
	[dreg:$0xa] =	wrdreg s22  }
0x12: {  	p3 =	por !p3, !p3;
	s11 =	sadd.s32 $0x88600, s11;
	[dreg:$0xc] =	wrdreg s23  }
0x13: {  	p4 =	por !p5, !p5;
	s15 =	sadd.s32 $0x2800, s10;
	[dreg:$0xd] =	wrdreg s11  }
0x14: {  	p5 =	sne.s32 s8, $0x0;
	s13 =	sadd.s32 $0x5000, s10;
	[dreg:$0x4] =	wrdreg s15  }
0x15: {  	s12 =	simm.s32 $0x13900;
	s17 =	sadd.s32 $0x7800, s10;
	[dreg:$0x5] =	wrdreg s13  }
0x16: {  	s18 =	sadd.s32 $0xA000, s10;
	s19 =	sadd.s32 $0xC800, s10;
	[dreg:$0x6] =	wrdreg s17  }
0x17: {  	s11 =	simm.s32 @!p4 $0x0;
	s25 =	smax.u32 s3, $0x1;
	[dreg:$0x7] =	wrdreg s18  }
0x18: {  	s0 =	simm.s32 @!p6 $0x0;
	s28 =	sadd.s32 $0xF000, s10;
	[dreg:$0x8] =	wrdreg s19  }
0x19: {  	s29 =	sadd.s32 $0x11800, s10;
	s22 =	simm.s32 $0x0;
	[dreg:$0x10] =	wrdreg s25  }
0x1a: {  	s13 =	sadd.s32 s9, s20;
	s19 =	sor.u32 $0x50, s16;
	[dreg:$0x12] =	wrdreg s28  }
0x1b: {  	s20 =	sor.u32 $0xA0, s16;
	s11 =	simm.s32 @p4 $0x1;
	[dreg:$0x13] =	wrdreg s29  }
0x1c: {  	s0 =	simm.s32 @p6 $0x1;
	p6 =	por !p3, p6;
	[dreg:$0xb] =	wrdreg s13  }
0x1d: {  	s15 =	simm.s32 $0x1;
	s16 =	simm.s32 $0x50;
	[smem:$0x7FC] =	sst s11  }
0x1e: {  	s17 =	simm.s32 $0x2;
	s18 =	simm.s32 $0x16380;
	[smem:$0x7FD] =	sst s0  }
0x1f: {  	v0 =	vimm.f32 $0.0e+00;
	s0 =	simm.s32 $0x5;
	s11 =	simm.s32 $0x13980;
	s13 =	simm.s32 $0x13A00  }
.LBB2_1:
0x20: {  	s3 =	simm.s32 $0x0;
	s23 =	simm.s32 $0x200  }
.LBB2_2:
0x21: {  	p3 =	sne.s32 s23, $0x9E00;
	[tilespmem:s3+$0x13BF0] =	vst v0  }
0x22: {  	[tilespmem:s3+$0x13B80] =	vst v0  }
0x23: {  	[tilespmem:s3+$0x13B90] =	vst v0  }
.Ltmp0:
0x24: {  	[tilespmem:s3+$0x13BA0] =	vst v0;
	(pc) =	sbr.rel @p3 .LBB2_2-.Ltmp0, $4  }
0x25: {  	[tilespmem:s3+$0x13BB0] =	vst v0  }
0x26: {  	[tilespmem:s3+$0x13BC0] =	vst v0  }
0x27: {  	[tilespmem:s3+$0x13BD0] =	vst v0  }
0x28: {  	[tilespmem:s3+$0x13BE0] =	vst v0;
	s3 =	sshra.s32 s23, $0x2;
	s23 =	sadd.s32 $0x200, s23  }
0x29: {  	[tilespmem:s3+$0x13BF0] =	vst v0  }
0x2a: {  	[tilespmem:s3+$0x13B80] =	vst v0  }
0x2b: {  	[tilespmem:s3+$0x13B90] =	vst v0  }
0x2c: {  	[tilespmem:s3+$0x13BA0] =	vst v0  }
0x2d: {  	[tilespmem:s3+$0x13BB0] =	vst v0  }
0x2e: {  	[tilespmem:s3+$0x13BC0] =	vst v0  }
0x2f: {  	[tilespmem:s3+$0x13BD0] =	vst v0  }
0x30: {  	[tilespmem:s3+$0x13BE0] =	vst v0  }
0x31: {  	[spmem:s10] =	stream.linear.scatter [tilespmem:s31], [sflag:$0x5], $0x2800, $0x38;
	[tilespmem:$0x18B80] =	vst v63  }
0x32: {  	_ =	swait.ge [sflag:s0], $0x2800  }
0x33: {  	[sflag:s0] =	ssyncset.done $0x0  }
0x34: {  	s26 =	rddreg [dreg:$0x4];
	[sflag:s0] =	ssyncadd.s32 $0xFFFFD800  }
0x35: {  	[spmem:s26] =	stream.linear.scatter [tilespmem:s31], [sflag:$0x5], $0x2800, $0x38;
	[tilespmem:$0x18B80] =	vst v63  }
0x36: {  	_ =	swait.ge [sflag:s0], $0x2800  }
0x37: {  	[sflag:s0] =	ssyncset.done $0x0  }
0x38: {  	s28 =	rddreg [dreg:$0x5];
	[sflag:s0] =	ssyncadd.s32 $0xFFFFD800  }
0x39: {  	[spmem:s28] =	stream.linear.scatter [tilespmem:s31], [sflag:$0x5], $0x2800, $0x38;
	[tilespmem:$0x18B80] =	vst v63  }
0x3a: {  	_ =	swait.ge [sflag:s0], $0x2800  }
0x3b: {  	[sflag:s0] =	ssyncset.done $0x0  }
0x3c: {  	s29 =	rddreg [dreg:$0x6];
	[sflag:s0] =	ssyncadd.s32 $0xFFFFD800  }
0x3d: {  	[spmem:s29] =	stream.linear.scatter [tilespmem:s31], [sflag:$0x5], $0x2800, $0x38;
	[tilespmem:$0x18B80] =	vst v63  }
0x3e: {  	_ =	swait.ge [sflag:s0], $0x2800  }
0x3f: {  	[sflag:s0] =	ssyncset.done $0x0  }
0x40: {  	s21 =	rddreg [dreg:$0x7];
	[sflag:s0] =	ssyncadd.s32 $0xFFFFD800  }
0x41: {  	[spmem:s21] =	stream.linear.scatter [tilespmem:s31], [sflag:$0x5], $0x2800, $0x38;
	[tilespmem:$0x18B80] =	vst v63  }
0x42: {  	_ =	swait.ge [sflag:s0], $0x2800  }
0x43: {  	[sflag:s0] =	ssyncset.done $0x0  }
0x44: {  	s23 =	rddreg [dreg:$0x8];
	[sflag:s0] =	ssyncadd.s32 $0xFFFFD800  }
0x45: {  	[spmem:s23] =	stream.linear.scatter [tilespmem:s31], [sflag:$0x5], $0x2800, $0x38;
	[tilespmem:$0x18B80] =	vst v63  }
0x46: {  	_ =	swait.ge [sflag:s0], $0x2800  }
0x47: {  	[sflag:s0] =	ssyncset.done $0x0  }
0x48: {  	s3 =	simm.s32 @p0 $0x13B80;
	s21 =	rddreg [dreg:$0x11];
	[sflag:s0] =	ssyncadd.s32 $0xFFFFD800  }
0x49: {  	[spmem:s21] =	stream.linear.scatter @p0 [tilespmem:s3], [sflag:$0x5], $0x1400, $0x38;
	[tilespmem:$0x18B80] =	vst v63  }
0x4a: {  	s3 =	simm.s32 @p0 $0x5  }
0x4b: {  	_ =	swait.ge @p0 [sflag:s3], $0x1400  }
0x4c: {  	s23 =	simm.s32 @!p0 $0x5;
	[sflag:s3] =	ssyncset.done @p0 $0x0  }
0x4d: {  	s21 =	rddreg [dreg:$0x12];
	[sflag:s3] =	ssyncadd.s32 @p0 $0xFFFFEC00;
	s3 =	simm.s32 @!p0 $0x13B80  }
0x4e: {  	[spmem:s21] =	stream.linear.scatter @!p0 [tilespmem:s3], [sflag:$0x5], $0x2800, $0x38;
	[tilespmem:$0x18B80] =	vst v63  }
0x4f: {  	_ =	swait.ge @!p0 [sflag:s23], $0x2800  }
0x50: {  	[sflag:s23] =	ssyncset.done @!p0 $0x0  }
0x51: {  	s21 =	rddreg [dreg:$0x13];
	[sflag:s23] =	ssyncadd.s32 @!p0 $0xFFFFD800  }
0x52: {  	[spmem:s21] =	stream.linear.scatter @!p0 [tilespmem:s3], [sflag:$0x5], $0x2400, $0x38;
	[tilespmem:$0x18B80] =	vst v63  }
0x53: {  	_ =	swait.ge @!p0 [sflag:s23], $0x2400  }
0x54: {  	[sflag:s23] =	ssyncset.done @!p0 $0x0  }
0x55: {  	[sflag:s23] =	ssyncadd.s32 @!p0 $0xFFFFDC00  }
0x56: {  	[bflag:$0x0] =	sbarrier.arrive $0xFFFF  }
0x57: {  	s25 =	simm.s32 $0x13880;
	s24 =	rddreg [dreg:$0x9]  }
0x58: {  	[tilespmem:s25], [sflag:$0x5] =	stream.linear.gather [hbm4b:s24+s4], $0x50, $0x38;
	[tilespmem:$0x18B80] =	vst v63  }
0x59: {  	_ =	swait.ge [sflag:s0], $0x50  }
0x5a: {  	[sflag:s0] =	ssyncset.done $0x0  }
0x5b: {  	s26 =	rddreg [dreg:$0xa];
	[sflag:s0] =	ssyncadd.s32 $0xFFFFFFB0  }
0x5c: {  	[tilespmem:s11], [sflag:$0x5] =	stream.linear.gather [hbm4b:s26+s4], $0x50, $0x38;
	[tilespmem:$0x18B80] =	vst v63  }
0x5d: {  	_ =	swait.ge [sflag:s0], $0x50  }
0x5e: {  	[sflag:s0] =	ssyncset.done $0x0  }
0x5f: {  	s29 =	simm.s32 $0x13A80;
	s28 =	rddreg [dreg:$0xb];
	[sflag:s0] =	ssyncadd.s32 $0xFFFFFFB0  }
0x60: {  	[tilespmem:s29], [sflag:$0x5] =	stream.linear.gather [hbm4b:s28+s4], $0x50, $0x38;
	[tilespmem:$0x18B80] =	vst v63  }
0x61: {  	_ =	swait.ge [sflag:s0], $0x50  }
0x62: {  	s3 =	simm.s32 @!p5 $0x13880;
	[sflag:s0] =	ssyncset.done $0x0  }
0x63: {  	s23 =	simm.s32 @!p5 $0x50;
	s24 =	simm.s32 @!p5 $0x13B80;
	[sflag:s0] =	ssyncadd.s32 $0xFFFFFFB0  }
0x64: {  	[tilespmem:s24], [sflag:$0x1] =	stream.indirect.gather @!p5 [hbm4b:s1+s23], $0x80, s3, s23, $0xb8;
	[tilespmem:$0x18B80] =	vst v63  }
0x65: {  	s25 =	simm.s32 @p1 $0x13B80;
	s24 =	simm.s32 @p1 $0x50;
	s3 =	simm.s32 @p1 $0x13880  }
0x66: {  	[tilespmem:s25], [sflag:$0x1] =	stream.indirect.gather @p1 [hbm4b:s5+s24], $0x80, s3, s24, $0xb8;
	[tilespmem:$0x18B80] =	vst v63  }
0x67: {  	s25 =	simm.s32 $0x0  }
.LBB2_4:
0x68: {  	p3 =	seq.s32 s25, $0x0;
	s26 =	smul.u32 $0xA0, s25  }
0x69: {  	s3 =	simm.s32 @!p3 $0x4  }
0x6a: {  	_ =	swait.ge @!p3 [sflag:s3], $0x2800;
	s28 =	sadd.s32 s26, s19  }
0x6b: {  	[sflag:s3] =	ssyncset.done @!p3 $0x0;
	s28 =	sshrl.u32 s28, $0x3  }
0x6c: {  	[sflag:s3] =	ssyncadd.s32 @!p3 $0xFFFFD800;
	s21 =	sadd.s32 s6, s28  }
0x6d: {  	[tilespmem:s12], [sflag:$0x5] =	stream.linear.gather [hbm4b:s21+s4], $0x50, $0x38;
	[tilespmem:$0x18B80] =	vst v63  }
0x6e: {  	_ =	swait.ge [sflag:s0], $0x50  }
0x6f: {  	[sflag:s0] =	ssyncset.done $0x0  }
0x70: {  	s21 =	sadd.s32 s7, s28;
	[sflag:s0] =	ssyncadd.s32 $0xFFFFFFB0  }
0x71: {  	[tilespmem:s13], [sflag:$0x5] =	stream.linear.gather [hbm4b:s21+s4], $0x50, $0x38;
	[tilespmem:$0x18B80] =	vst v63  }
0x72: {  	_ =	swait.ge [sflag:s0], $0x50  }
0x73: {  	[sflag:s0] =	ssyncset.done $0x0  }
0x74: {  	s21 =	sadd.s32 s9, s28;
	[sflag:s0] =	ssyncadd.s32 $0xFFFFFFB0  }
0x75: {  	[tilespmem:s14], [sflag:$0x5] =	stream.linear.gather [hbm4b:s21+s4], $0x50, $0x38;
	[tilespmem:$0x18B80] =	vst v63  }
0x76: {  	_ =	swait.ge [sflag:s0], $0x50  }
0x77: {  	[sflag:s0] =	ssyncset.done $0x0  }
0x78: {  	s3 =	simm.s32 @!p5 $0x13900;
	s28 =	simm.s32 @!p5 $0x16380;
	[sflag:s0] =	ssyncadd.s32 $0xFFFFFFB0  }
0x79: {  	[tilespmem:s28], [sflag:$0x2] =	stream.indirect.gather @!p5 [hbm4b:s1+s23], $0x80, s3, s23, $0xb8;
	[tilespmem:$0x18B80] =	vst v63  }
0x7a: {  	s3 =	simm.s32 @p1 $0x13900;
	s28 =	simm.s32 @p1 $0x16380  }
0x7b: {  	[tilespmem:s28], [sflag:$0x2] =	stream.indirect.gather @p1 [hbm4b:s5+s24], $0x80, s3, s24, $0xb8;
	[tilespmem:$0x18B80] =	vst v63  }
0x7c: {  	_ =	swait.ge [sflag:s15], $0x2800  }
0x7d: {  	[sflag:s15] =	ssyncset.done $0x0  }
0x7e: {  	s28 =	simm.s32 $0x13BC0;
	[sflag:s15] =	ssyncadd.s32 $0xFFFFD800  }
0x7f: {  	s21 =	simm.s32 $0x0;
	v5 =	vld [tilespmem:s28+$0x30]  }
0x80: {  	v2 =	vld.msk [tilespmem:s21+$0x13A80], $0x1  }
0x81: {  	v8 =	vld [tilespmem:s28+$0x10]  }
0x82: {  	v6 =	vld [tilespmem:s28+$0xFFFFFFC0]  }
0x83: {  	v10 =	vld [tilespmem:s28+$0xFFFFFFE0]  }
0x84: {  	v1 =	vld [tilespmem:s28+$0xFFFFFFF0]  }
0x85: {  	v3 =	vld [tilespmem:s28+$0x20];
	v2 =	vbroadcast v2, $0x0  }
0x86: {  	v4 =	vld [tilespmem:s28+$0xFFFFFFD0]  }
0x87: {  	v9 =	vmul.f32 v5, v2;
	v5 =	vld [tilespmem:s28+$0x0]  }
0x88: {  	v7 =	vmul.f32 v2, v6  }
0x89: {  	s29 =	simm.s32 $0x4;
	s3 =	simm.s32 $0x13BC0;
	v6 =	vmul.f32 v10, v2;
	v8 =	vmul.f32 v8, v2  }
.LBB2_5:
0x8a: {  	p3 =	sne.s32 s29, $0x13C  }
0x8b: {  	v4 =	vmul.f32 v4, v2;
	v3 =	vmul.f32 v3, v2;
	[tilespmem:s28+$0x30] =	vst v9;
	s3 =	sadd.s32 $0x80, s3;
	s21 =	smov.u32 s29;
	s29 =	sadd.s32 $0x4, s29  }
0x8c: {  	v1 =	vmul.f32 v1, v2;
	[tilespmem:s28+$0xFFFFFFC0] =	vst v7;
	v2 =	vmul.f32 v5, v2  }
0x8d: {  	[tilespmem:s28+$0x10] =	vst v8  }
0x8e: {  	[tilespmem:s28+$0xFFFFFFE0] =	vst v6  }
0x8f: {  	[tilespmem:s28+$0xFFFFFFF0] =	vst v1  }
0x90: {  	v1 =	vld [tilespmem:s3+$0xFFFFFFF0];
	[tilespmem:s28+$0x0] =	vst v2  }
0x91: {  	v6 =	vld [tilespmem:s3+$0x30];
	[tilespmem:s28+$0x20] =	vst v3  }
0x92: {  	s21 =	sshra.s32 s21, $0x2;
	v8 =	vld [tilespmem:s3+$0x10];
	[tilespmem:s28+$0xFFFFFFD0] =	vst v4;
	s28 =	smov.u32 s3  }
0x93: {  	v2 =	vld.msk [tilespmem:s21+$0x13A80], $0x1  }
0x94: {  	v7 =	vld [tilespmem:s3+$0xFFFFFFC0]  }
0x95: {  	v10 =	vld [tilespmem:s3+$0xFFFFFFE0]  }
0x96: {  	v3 =	vld [tilespmem:s3+$0x20]  }
.Ltmp1:
0x97: {  	v4 =	vld [tilespmem:s3+$0xFFFFFFD0];
	(pc) =	sbr.rel @p3 .LBB2_5-.Ltmp1, $3  }
0x98: {  	v2 =	vbroadcast v2, $0x0;
	v5 =	vld [tilespmem:s3+$0x0];
	_ =	sdelay $0x1  }
0x99: {  	v7 =	vmul.f32 v2, v7;
	v9 =	vmul.f32 v6, v2  }
0x9a: {  	v6 =	vmul.f32 v10, v2;
	v8 =	vmul.f32 v8, v2  }
0x9b: {  	[tilespmem:s28+$0x30] =	vst v9  }
0x9c: {  	[tilespmem:s28+$0xFFFFFFC0] =	vst v7  }
0x9d: {  	v1 =	vmul.f32 v1, v2;
	[tilespmem:s28+$0x10] =	vst v8  }
0x9e: {  	v3 =	vmul.f32 v3, v2;
	[tilespmem:s28+$0xFFFFFFE0] =	vst v6  }
0x9f: {  	v5 =	vmul.f32 v5, v2;
	[tilespmem:s28+$0xFFFFFFF0] =	vst v1  }
0xa0: {  	v1 =	vmul.f32 v4, v2;
	[tilespmem:s28+$0x20] =	vst v3  }
0xa1: {  	p3 =	seq.s32 s25, $0x3F;
	[tilespmem:s28+$0x0] =	vst v5  }
0xa2: {  	s3 =	simm.s32 @!p3 $0x3;
	[tilespmem:s28+$0xFFFFFFD0] =	vst v1  }
0xa3: {  	[spmem:s2] =	stream.indirect.scatter.add.f32 [tilespmem:s31], [sflag:$0x3], $0x80, s11, s16, $0xb8;
	[tilespmem:$0x18B80] =	vst v63  }
0xa4: {  	_ =	swait.ge @!p3 [sflag:s3], $0x2800  }
0xa5: {  	s21 =	sadd.s32 @!p3 s26, s20;
	[sflag:s3] =	ssyncset.done @!p3 $0x0  }
0xa6: {  	[sflag:s3] =	ssyncadd.s32 @!p3 $0xFFFFD800;
	s3 =	sshrl.u32 @!p3 s21, $0x3  }
0xa7: {  	s26 =	simm.s32 @!p3 $0x0;
	s28 =	simm.s32 @!p3 $0x13880;
	s21 =	sadd.s32 @!p3 s6, s3  }
0xa8: {  	[tilespmem:s28], [sflag:$0x5] =	stream.linear.gather @!p3 [hbm4b:s21+s26], $0x50, $0x38;
	[tilespmem:$0x18B80] =	vst v63  }
0xa9: {  	s21 =	simm.s32 @!p3 $0x5  }
0xaa: {  	_ =	swait.ge @!p3 [sflag:s21], $0x50  }
0xab: {  	[sflag:s21] =	ssyncset.done @!p3 $0x0  }
0xac: {  	s29 =	simm.s32 @!p3 $0x13980;
	s28 =	sadd.s32 @!p3 s7, s3;
	[sflag:s21] =	ssyncadd.s32 @!p3 $0xFFFFFFB0  }
0xad: {  	[tilespmem:s29], [sflag:$0x5] =	stream.linear.gather @!p3 [hbm4b:s28+s26], $0x50, $0x38;
	[tilespmem:$0x18B80] =	vst v63  }
0xae: {  	_ =	swait.ge @!p3 [sflag:s21], $0x50  }
0xaf: {  	p4 =	sne.s32 @!p3 s8, $0x0;
	[sflag:s21] =	ssyncset.done @!p3 $0x0  }
0xb0: {  	s3 =	sadd.s32 @!p3 s9, s3;
	s28 =	simm.s32 @!p3 $0x13A80;
	[sflag:s21] =	ssyncadd.s32 @!p3 $0xFFFFFFB0  }
0xb1: {  	[tilespmem:s28], [sflag:$0x5] =	stream.linear.gather @!p3 [hbm4b:s3+s26], $0x50, $0x38;
	[tilespmem:$0x18B80] =	vst v63  }
0xb2: {  	p4 =	por p4, p3;
	_ =	swait.ge @!p3 [sflag:s21], $0x50  }
0xb3: {  	s3 =	simm.s32 @!p4 $0x50;
	s26 =	simm.s32 @!p4 $0x13B80;
	[sflag:s21] =	ssyncset.done @!p3 $0x0  }
0xb4: {  	[sflag:s21] =	ssyncadd.s32 @!p3 $0xFFFFFFB0;
	s21 =	simm.s32 @!p4 $0x13880;
	p3 =	por !p1, p3  }
0xb5: {  	[tilespmem:s26], [sflag:$0x1] =	stream.indirect.gather @!p4 [hbm4b:s1+s3], $0x80, s21, s3, $0xb8;
	[tilespmem:$0x18B80] =	vst v63  }
0xb6: {  	s3 =	simm.s32 @!p3 $0x50;
	s21 =	simm.s32 @!p3 $0x13880;
	s26 =	simm.s32 @!p3 $0x13B80  }
0xb7: {  	[tilespmem:s26], [sflag:$0x1] =	stream.indirect.gather @!p3 [hbm4b:s5+s3], $0x80, s21, s3, $0xb8;
	[tilespmem:$0x18B80] =	vst v63  }
0xb8: {  	_ =	swait.ge [sflag:s17], $0x2800  }
0xb9: {  	[sflag:s17] =	ssyncset.done $0x0  }
0xba: {  	s26 =	simm.s32 $0x163C0;
	[sflag:s17] =	ssyncadd.s32 $0xFFFFD800  }
0xbb: {  	s29 =	simm.s32 $0x0;
	v5 =	vld [tilespmem:s26+$0x30]  }
0xbc: {  	v2 =	vld.msk [tilespmem:s29+$0x13B00], $0x1  }
0xbd: {  	v8 =	vld [tilespmem:s26+$0x10]  }
0xbe: {  	v6 =	vld [tilespmem:s26+$0xFFFFFFC0]  }
0xbf: {  	v10 =	vld [tilespmem:s26+$0xFFFFFFE0]  }
0xc0: {  	v1 =	vld [tilespmem:s26+$0xFFFFFFF0]  }
0xc1: {  	v3 =	vld [tilespmem:s26+$0x20];
	v2 =	vbroadcast v2, $0x0  }
0xc2: {  	v4 =	vld [tilespmem:s26+$0xFFFFFFD0]  }
0xc3: {  	v9 =	vmul.f32 v5, v2;
	v5 =	vld [tilespmem:s26+$0x0]  }
0xc4: {  	v7 =	vmul.f32 v2, v6  }
0xc5: {  	s28 =	simm.s32 $0x4;
	s3 =	simm.s32 $0x163C0;
	v6 =	vmul.f32 v10, v2;
	v8 =	vmul.f32 v8, v2  }
.LBB2_7:
0xc6: {  	p3 =	sne.s32 s28, $0x13C  }
0xc7: {  	v4 =	vmul.f32 v4, v2;
	v3 =	vmul.f32 v3, v2;
	[tilespmem:s26+$0x30] =	vst v9;
	s3 =	sadd.s32 $0x80, s3;
	s21 =	smov.u32 s28;
	s28 =	sadd.s32 $0x4, s28  }
0xc8: {  	v1 =	vmul.f32 v1, v2;
	[tilespmem:s26+$0xFFFFFFC0] =	vst v7;
	v2 =	vmul.f32 v5, v2  }
0xc9: {  	[tilespmem:s26+$0x10] =	vst v8  }
0xca: {  	[tilespmem:s26+$0xFFFFFFE0] =	vst v6  }
0xcb: {  	[tilespmem:s26+$0xFFFFFFF0] =	vst v1  }
0xcc: {  	v1 =	vld [tilespmem:s3+$0xFFFFFFF0];
	[tilespmem:s26+$0x0] =	vst v2  }
0xcd: {  	v6 =	vld [tilespmem:s3+$0x30];
	[tilespmem:s26+$0x20] =	vst v3  }
0xce: {  	s21 =	sshra.s32 s21, $0x2;
	v8 =	vld [tilespmem:s3+$0x10];
	[tilespmem:s26+$0xFFFFFFD0] =	vst v4;
	s26 =	smov.u32 s3  }
0xcf: {  	v2 =	vld.msk [tilespmem:s21+$0x13B00], $0x1  }
0xd0: {  	v7 =	vld [tilespmem:s3+$0xFFFFFFC0]  }
0xd1: {  	v10 =	vld [tilespmem:s3+$0xFFFFFFE0]  }
0xd2: {  	v3 =	vld [tilespmem:s3+$0x20]  }
.Ltmp2:
0xd3: {  	v4 =	vld [tilespmem:s3+$0xFFFFFFD0];
	(pc) =	sbr.rel @p3 .LBB2_7-.Ltmp2, $3  }
0xd4: {  	v2 =	vbroadcast v2, $0x0;
	v5 =	vld [tilespmem:s3+$0x0];
	_ =	sdelay $0x1  }
0xd5: {  	v7 =	vmul.f32 v2, v7;
	v9 =	vmul.f32 v6, v2  }
0xd6: {  	v6 =	vmul.f32 v10, v2;
	v8 =	vmul.f32 v8, v2  }
0xd7: {  	[tilespmem:s26+$0x30] =	vst v9  }
0xd8: {  	[tilespmem:s26+$0xFFFFFFC0] =	vst v7  }
0xd9: {  	v1 =	vmul.f32 v1, v2;
	s25 =	sadd.s32 $0x1, s25;
	[tilespmem:s26+$0x10] =	vst v8  }
0xda: {  	v3 =	vmul.f32 v3, v2;
	[tilespmem:s26+$0xFFFFFFE0] =	vst v6;
	p3 =	sne.s32 s25, $0x40  }
.Ltmp3:
0xdb: {  	v5 =	vmul.f32 v5, v2;
	[tilespmem:s26+$0xFFFFFFF0] =	vst v1;
	(pc) =	sbr.rel @p3 .LBB2_4-.Ltmp3, $4  }
0xdc: {  	v1 =	vmul.f32 v4, v2;
	[tilespmem:s26+$0x20] =	vst v3  }
0xdd: {  	[tilespmem:s26+$0x0] =	vst v5  }
0xde: {  	[tilespmem:s26+$0xFFFFFFD0] =	vst v1  }
0xdf: {  	[spmem:s2] =	stream.indirect.scatter.add.f32 [tilespmem:s18], [sflag:$0x4], $0x80, s13, s16, $0xb8;
	[tilespmem:$0x18B80] =	vst v63  }
0xe0: {  	s3 =	simm.s32 $0x3  }
0xe1: {  	_ =	swait.ge [sflag:s3], $0x2800  }
0xe2: {  	[sflag:s3] =	ssyncset.done $0x0  }
0xe3: {  	s25 =	simm.s32 $0x4;
	[sflag:s3] =	ssyncadd.s32 $0xFFFFD800  }
0xe4: {  	_ =	swait.ge [sflag:s25], $0x2800  }
0xe5: {  	[sflag:s25] =	ssyncset.done $0x0  }
0xe6: {  	s24 =	stileid.u32;
	[sflag:s25] =	ssyncadd.s32 $0xFFFFD800  }
0xe7: {  	s3 =	sshll.u32 @p2 s24, $0x6;
	[bflag:$0x0] =	sbarrier.arrive $0xFFFF  }
0xe8: {  	s21 =	sshrl.u32 @p2 s10, $0x3;
	s3 =	sor.u32 @p2 $0x1C05, s3;
	s23 =	rddreg [dreg:$0xc]  }
0xe9: {  	[hbm:s23], [sflag:s3] =	dma.local @p2 [spmem:s21], $0x2780  }
0xea: {  	s3 =	simm.s32 @p2 $0x5  }
0xeb: {  	_ =	swait.ge @p2 [sflag:s3], $0x2780  }
0xec: {  	s21 =	sshll.u32 @!p6 s24, $0x6;
	[sflag:s3] =	ssyncset.done @p2 $0x0;
	s24 =	rddreg [dreg:$0xd]  }
0xed: {  	[sflag:s3] =	ssyncadd.s32 @p2 $0xFFFFD880;
	s3 =	sor.u32 @!p6 $0x1C05, s21;
	s21 =	sshrl.u32 @!p6 s10, $0x3  }
0xee: {  	[hbm:s24], [sflag:s3] =	dma.local @!p6 [spmem:s21], $0x2780  }
0xef: {  	s3 =	simm.s32 @!p6 $0x5  }
0xf0: {  	_ =	swait.ge @!p6 [sflag:s3], $0x2780  }
0xf1: {  	s26 =	sld [smem:$0x7FD];
	_ =	sdelay $0x2  }
0xf2: {  	[sflag:s3] =	ssyncset.done @!p6 $0x0;
	s24 =	rddreg [dreg:$0xe];
	p3 =	seq.s32 s26, $0x1  }
0xf3: {  	[sflag:s3] =	ssyncadd.s32 @!p6 $0xFFFFD880;
	s3 =	sshrl.u32 @p3 s30, $0x3;
	s21 =	simm.s32 @p3 $0x1FC5  }
0xf4: {  	[hbm:s24], [sflag:s21] =	dma.local @p3 [spmem:s3], $0x2080  }
0xf5: {  	s3 =	simm.s32 @p3 $0x5  }
0xf6: {  	_ =	swait.ge @p3 [sflag:s3], $0x2080  }
0xf7: {  	s28 =	sld [smem:$0x7FC];
	_ =	sdelay $0x2  }
0xf8: {  	[sflag:s3] =	ssyncset.done @p3 $0x0;
	s24 =	rddreg [dreg:$0xf];
	p4 =	seq.s32 s28, $0x1  }
0xf9: {  	[sflag:s3] =	ssyncadd.s32 @p3 $0xFFFFDF80;
	s3 =	sshrl.u32 @p4 s30, $0x3;
	s21 =	simm.s32 @p4 $0x1FC5  }
0xfa: {  	[hbm:s24], [sflag:s21] =	dma.local @p4 [spmem:s3], $0x2080  }
0xfb: {  	s3 =	simm.s32 @p4 $0x5  }
0xfc: {  	_ =	swait.ge @p4 [sflag:s3], $0x2080  }
0xfd: {  	s22 =	sadd.s32 $0x1, s22;
	s29 =	rddreg [dreg:$0x10]  }
0xfe: {  	p3 =	sne.s32 s22, s29  }
.Ltmp4:
0xff: {  	_ = 	snop;
	(pc) =	sbr.rel @p3 .LBB2_1-.Ltmp4, $3  }
0x100: {  	_ =	sdelay $0x1  }
0x101: {  	[sflag:s3] =	ssyncset.done @p4 $0x0  }
0x102: {  	s23 =	stileid.u32;
	[sflag:s3] =	ssyncadd.s32 @p4 $0xFFFFDF80  }
0x103: {  	_ =	sfence.sel $0x180000  }
0x104: {  	[bflag:$0x0] =	sbarrier.arrive $0xFFFF  }
0x105: {  	_ =	strace $0x9000004D  }
0x106: {  	[bflag:$0x2] =	sbarrier.arrive $0xFFFF  }
0x107: {  	p0 =	sne.s32 s23, $0x0;
	s0 =	rddreg [dreg:$0x3]  }
0x108: {  	s0 =	sadd.s32 @!p0 $0x100000, s0  }
0x109: {  	[sflag:s0] =	ssyncadd.tile.s32 @!p0 $0x1;
	_ =	shalt  }
.Lfunc_end2:
_tile_overlayer_lowered:
.L_overlay_start_2:
0x10a: {  	(tag) =	ssettag $0x2  }
0x10b: {  	s0 =	rddreg [dreg:$0x0];
	s2 =	stileid.u32  }
0x10c: {  	s1 =	rddreg [dreg:$0x1];
	p0 =	sne.s32 s2, $0x0  }
0x10d: {  	s3 =	rddreg [dreg:$0x2];
	[bflag:$0x3] =	sbarrier.arrive $0xFFFF;
	s2 =	simm.s32 @!p0 $0x1C05  }
0x10e: {  	[timem:s3], [sflag:s2] =	dma.local @!p0 [hbm:s0], s1  }
0x10f: {  	s0 =	simm.s32 @!p0 $0x5  }
0x110: {  	_ =	swait.ge @!p0 [sflag:s0], s1  }
0x111: {  	s1 =	ssub.s32 @!p0 $0x0, s1;
	[sflag:s0] =	ssyncset.done @!p0 $0x0  }
0x112: {  	[sflag:s0] =	ssyncadd.s32 @!p0 s1  }
0x113: {  	[bflag:$0x3] =	sbarrier.arrive $0xFFFF  }
0x114: {  	_ =	shalt  }

// kernel: kernel.8.cloned.1.call-start
scs
__scs_entry_jumppad:
0x0: {  	(pc) =	sbr.rel $0x88, $3  }
0x1: {  	(tag) =	ssettag $0x0;
	lr =	simm.s32 $0x1  }
0x2: {  	[smem:$0x3F9A] =	sst lr;
	_ =	strace $0xD0000000  }
0x3: {  	_ = 	snop  }
0x4: {  	_ = 	snop  }
0x5: {  	_ = 	snop  }
0x6: {  	_ = 	snop  }
0x7: {  	_ = 	snop  }
__scs_overlays_trampoline_lowered:
0x8: {  	[smem:$0x3FA9] =	sst s0  }
0x9: {  	[smem:$0x3FAA] =	sst s1  }
0xa: {  	[smem:$0x3FAB] =	sst s2  }
0xb: {  	[smem:$0x3FAC] =	sst s3  }
0xc: {  	[smem:$0x3FAD] =	sst s4  }
0xd: {  	[smem:$0x3FAE] =	sst s5  }
0xe: {  	[smem:$0x3FAF] =	sst s6  }
0xf: {  	[smem:$0x3FB0] =	sst s7  }
0x10: {  	[smem:$0x3FB1] =	sst s8  }
0x11: {  	[smem:$0x3FB2] =	sst s9;
	s0 =	simm.s32 @!p0 $0x0  }
0x12: {  	s1 =	sld [smem:$0x3F98];
	s0 =	simm.s32 @p0 $0x1  }
0x13: {  	[smem:$0x3FB3] =	sst s0;
	s0 =	simm.s32 @!p1 $0x0  }
0x14: {  	s2 =	sld [smem:$0x3F97];
	s0 =	simm.s32 @p1 $0x1  }
0x15: {  	[smem:$0x3FB4] =	sst s0;
	s0 =	simm.s32 @!p2 $0x0  }
0x16: {  	s3 =	sld [smem:$0x3FDB];
	s0 =	simm.s32 @p2 $0x1  }
0x17: {  	s4 =	simm.s32 $0x1BF5;
	[smem:$0x3FB6] =	sst s0  }
0x18: {  	s0 =	sld [smem:$0x3F99];
	_ =	swait.ge [sflag:s4], $0x0  }
0x19: {  	s7 =	sld [smem:$0x3F9A]  }
0x1a: {  	s8 =	sadd.s32 $0xFFFFE003, lr  }
0x1b: {  	s9 =	sadd.s32 $0xFFFFFEF7, lr;
	s5 =	simm.s32 $0xFFFFFFFF;
	p2 =	slt.u32 s8, $0xFFFFF086  }
0x1c: {  	p1 =	slt.u32 s9, $0xF7A;
	s5 =	simm.s32 @!p2 $0x0  }
0x1d: {  	s5 =	simm.s32 @p1 $0x1;
	p0 =	seq.s32 s7, s2  }
0x1e: {  	s7 =	smul.u32 @!p0 $0xF7A, s2;
	p2 =	seq.s32 @!p0 s5, $0x0  }
0x1f: {  	s9 =	smul.u32 $0xF7A, s1;
	s8 =	simm.s32 @!p0 $0x1BF5;
	p2 =	por !p2, p0  }
0x20: {  	[sflag:s8] =	ssyncset.s32 @!p0 $0xFFFFF086;
	s6 =	sadd.s32 @!p0 s3, s7;
	s7 =	simm.s32 @!p0 $0x108  }
0x21: {  	s3 =	sadd.s32 s3, s9;
	s6 =	sadd.s32 @!p0 $0x88, s6;
	s7 =	simm.s32 @p2 $0x1082  }
0x22: {  	[simem:s7], [sflag:s8] =	dma.local @!p0 [hbm:s6], $0xF7A  }
0x23: {  	s9 =	sor.u32 $0xD0000000, s2;
	s6 =	simm.s32 $0x108;
	_ =	swait.ge @!p0 [sflag:s8], $0x0  }
0x24: {  	s3 =	sadd.s32 $0x88, s3;
	s6 =	simm.s32 @!p1 $0x1082;
	[sflag:s4] =	ssyncset.s32 $0xFFFFF086  }
0x25: {  	[simem:s6], [sflag:s4] =	dma.local [hbm:s3], $0xF7A  }
0x26: {  	[smem:$0x3F9A] =	sst s1;
	(tag) =	ssettag s2;
	_ =	strace s9  }
0x27: {  	s1 =	sld [smem:$0x3FAA]  }
0x28: {  	s2 =	sld [smem:$0x3FAB]  }
0x29: {  	s4 =	sld [smem:$0x3FAD]  }
0x2a: {  	p0 =	seq.s32 s5, $0x0;
	s5 =	sld [smem:$0x3FAE]  }
0x2b: {  	s6 =	sld [smem:$0x3FAF]  }
0x2c: {  	s7 =	sld [smem:$0x3FB0]  }
0x2d: {  	s3 =	simm.s32 $0x108;
	s8 =	sld [smem:$0x3FB1]  }
0x2e: {  	s3 =	simm.s32 @!p0 $0x1082;
	s9 =	sld [smem:$0x3FB2]  }
0x2f: {  	lr =	sadd.s32 s0, s3;
	s0 =	sld [smem:$0x3FA9]  }
0x30: {  	s3 =	sld [smem:$0x3FAC]  }
0x31: {  	[smem:$0x3FB5] =	sst s10  }
0x32: {  	s10 =	sld [smem:$0x3FB3];
	_ =	sdelay $0x3  }
0x33: {  	p0 =	seq.s32 s10, $0x1;
	s10 =	sld [smem:$0x3FB5];
	_ =	sdelay $0x3  }
0x34: {  	[smem:$0x3FB5] =	sst s10  }
0x35: {  	s10 =	sld [smem:$0x3FB4];
	_ =	sdelay $0x3  }
0x36: {  	p1 =	seq.s32 s10, $0x1;
	s10 =	sld [smem:$0x3FB5];
	_ =	sdelay $0x3  }
0x37: {  	[smem:$0x3FB5] =	sst s10  }
0x38: {  	s10 =	sld [smem:$0x3FB6]  }
0x39: {  	_ = 	snop;
	(pc) =	sbr.ind lr, $3  }
0x3a: {  	_ = 	snop  }
0x3b: {  	_ = 	snop  }
0x3c: {  	p2 =	seq.s32 s10, $0x1;
	s10 =	sld [smem:$0x3FB5]  }
0x3d: {  	_ =	shalt  }
0x3e: {  	_ =	shalt  }
0x3f: {  	_ =	shalt  }
0x40: {  	_ =	shalt  }
0x41: {  	_ =	shalt  }
0x42: {  	_ =	shalt  }
0x43: {  	_ =	shalt  }
0x44: {  	_ =	shalt  }
0x45: {  	_ =	shalt  }
0x46: {  	_ =	shalt  }
0x47: {  	_ =	shalt  }
0x48: {  	_ =	shalt  }
0x49: {  	_ =	shalt  }
0x4a: {  	_ =	shalt  }
0x4b: {  	_ =	shalt  }
0x4c: {  	_ =	shalt  }
0x4d: {  	_ =	shalt  }
0x4e: {  	_ =	shalt  }
0x4f: {  	_ =	shalt  }
0x50: {  	_ =	shalt  }
0x51: {  	_ =	shalt  }
0x52: {  	_ =	shalt  }
0x53: {  	_ =	shalt  }
0x54: {  	_ =	shalt  }
0x55: {  	_ =	shalt  }
0x56: {  	_ =	shalt  }
0x57: {  	_ =	shalt  }
0x58: {  	_ =	shalt  }
0x59: {  	_ =	shalt  }
0x5a: {  	_ =	shalt  }
0x5b: {  	_ =	shalt  }
0x5c: {  	_ =	shalt  }
0x5d: {  	_ =	shalt  }
0x5e: {  	_ =	shalt  }
0x5f: {  	_ =	shalt  }
0x60: {  	_ =	shalt  }
0x61: {  	_ =	shalt  }
0x62: {  	_ =	shalt  }
0x63: {  	_ =	shalt  }
0x64: {  	_ =	shalt  }
0x65: {  	_ =	shalt  }
0x66: {  	_ =	shalt  }
0x67: {  	_ =	shalt  }
0x68: {  	_ =	shalt  }
0x69: {  	_ =	shalt  }
0x6a: {  	_ =	shalt  }
0x6b: {  	_ =	shalt  }
0x6c: {  	_ =	shalt  }
0x6d: {  	_ =	shalt  }
0x6e: {  	_ =	shalt  }
0x6f: {  	_ =	shalt  }
0x70: {  	_ =	shalt  }
0x71: {  	_ =	shalt  }
0x72: {  	_ =	shalt  }
0x73: {  	_ =	shalt  }
0x74: {  	_ =	shalt  }
0x75: {  	_ =	shalt  }
0x76: {  	_ =	shalt  }
0x77: {  	_ =	shalt  }
0x78: {  	_ =	shalt  }
0x79: {  	_ =	shalt  }
0x7a: {  	_ =	shalt  }
0x7b: {  	_ =	shalt  }
0x7c: {  	_ =	shalt  }
0x7d: {  	_ =	shalt  }
0x7e: {  	_ =	shalt  }
0x7f: {  	_ =	shalt  }
0x80: {  	_ =	shalt  }
0x81: {  	_ =	shalt  }
0x82: {  	_ =	shalt  }
0x83: {  	_ =	shalt  }
0x84: {  	_ =	shalt  }
0x85: {  	_ =	shalt  }
0x86: {  	_ =	shalt  }
0x87: {  	_ =	shalt  }
.Lfunc_end0:
.L_simem_size_0:
called_computation_lowered:
.L_overlay_start_0:
0x88: {  	s2 =	sld [smem:$0x3FD9]  }
0x89: {  	s3 =	sld [smem:$0x3FFE];
	_ =	sdelay $0x1  }
0x8a: {  	s1 =	srdreg.scid  }
0x8b: {  	s0 =	sand.u32 $0x1, s1  }
0x8c: {  	s17 =	sshll.u32 s0, $0xA;
	s2 =	sadd.s32 s3, s2  }
0x8d: {  	s2 =	sadd.s32 s2, s17  }
0x8e: {  	[smem:$0x3FC1] =	sst s2  }
0x8f: {  	_ = 	snop  }
0x90: {  	s2 =	sld [smem:$0x3FD0];
	(tm) =	ssettm $0x1  }
0x91: {  	s18 =	sld [smem:$0x3FFB];
	_ =	sdelay $0x3  }
0x92: {  	_ =	strace s18  }
0x93: {  	s3 =	sld [smem:$0x3FFC];
	_ =	sdelay $0x3  }
0x94: {  	_ =	strace s3  }
0x95: {  	s3 =	sld [smem:$0x3FFD];
	_ =	sdelay $0x3  }
0x96: {  	_ =	strace s3  }
0x97: {  	_ =	strace $0x8FFFFFFF  }
0x98: {  	s19 =	sld [smem:$0x3FDB];
	_ =	sdelay $0x1  }
0x99: {  	s4 =	simm.s32 $_scs_section_size  }
0x9a: {  	s5 =	simm.s32 $_size__tile_overlayer_lowered;
	s6 =	simm.s32 $_tile_overlayer_lowered  }
0x9b: {  	s22 =	simm.s32 $0x1BFF;
	s21 =	sshll.u32 s6, $0x1;
	s3 =	sadd.s32 s4, s19  }
0x9c: {  	s7 =	simm.s32 $0x0;
	s20 =	sshll.u32 s5, $0x1;
	s5 =	sadd.s32 s21, s3  }
0x9d: {  	[timem:s7], [sflag:s22] =	dma.local [hbm:s5], s20  }
0x9e: {  	_ =	swait.ge [sflag:s22], s20  }
0x9f: {  	s4 =	ssub.s32 $0x0, s20;
	[sflag:s22] =	ssyncset.done $0x0  }
0xa0: {  	[sflag:s22] =	ssyncadd.s32 s4;
	_ =	sdelay $0x1  }
0xa1: {  	s23 =	simm.s32 $0x1B8B  }
0xa2: {  	_ =	swait.ge [sflag:s23], $0x1  }
0xa3: {  	[sflag:s23] =	ssyncset.done $0x0  }
0xa4: {  	s25 =	simm.s32 $0x1B8E;
	s24 =	sld [smem:$0x3FFE];
	[sflag:s23] =	ssyncadd.s32 $0xFFFFFFFF  }
0xa5: {  	s26 =	simm.s32 $execute0_lowered;
	[smem:$0x3FD2] =	sst s25  }
0xa6: {  	s5 =	sshll.u32 s26, $0x1;
	_ =	strace $0x80000046;
	[dreg:$0x1] =	wrdreg $0xFFFFFFFF  }
0xa7: {  	s28 =	simm.s32 $_size_execute0_lowered;
	s3 =	sadd.s32 s3, s5;
	[dreg:$0x0] =	wrdreg $0x0  }
0xa8: {  	s5 =	sshll.u32 s28, $0x1;
	[dreg:$0x2] =	wrdreg s3  }
0xa9: {  	[dreg:$0x3] =	wrdreg s5  }
0xaa: {  	[dreg:$0x4] =	wrdreg $0xC0  }
0xab: {  	_ =	task [dreg:s7], $0x5FFFF  }
0xac: {  	[dreg:$0x1] =	wrdreg $0xFFFFFFFF  }
0xad: {  	[dreg:$0x0] =	wrdreg $0x60  }
0xae: {  	[dreg:$0x2] =	wrdreg s2  }
0xaf: {  	[dreg:$0x3] =	wrdreg s24  }
0xb0: {  	[dreg:$0x4] =	wrdreg $0x0  }
0xb1: {  	[dreg:$0x5] =	wrdreg $0x9  }
0xb2: {  	_ =	task.clear_ibuf [dreg:s7], $0x6FFFF;
	_ =	strace $0x90000046  }
0xb3: {  	s29 =	simm.s32 $0x9;
	_ =	strace $0x80000048  }
0xb4: {  	_ =	swait.ge [sflag:s29], $0x1  }
0xb5: {  	[sflag:s29] =	ssyncadd.s32 $0xFFFFFFFF  }
0xb6: {  	_ =	strace $0x90000048  }
0xb7: {  	_ =	sfence  }
0xb8: {  	s30 =	sld [smem:$0x0];
	_ =	sdelay $0x2  }
0xb9: {  	s31 =	sshll.u32 s1, $0xD;
	s1 =	sshrl.u32 s1, $0x2  }
0xba: {  	s3 =	sand.u32 $0x4000, s31;
	s1 =	sadd.s32 s1, s30  }
0xbb: {  	s0 =	sor.u32 s3, s0;
	s1 =	sshll.u32 s1, $0x11  }
0xbc: {  	s0 =	sor.u32 s1, s0  }
0xbd: {  	s0 =	sadd.s32 $0x8F2B, s0  }
0xbe: {  	[sflag:s0] =	ssyncadd.remote.s32 $0x1  }
0xbf: {  	_ =	sfence.sel $0xFFFF  }
0xc0: {  	[dreg:$0x0] =	wrdreg $0xFFFFFFFF;
	(pc) =	sbr.abs _section_cstart, $3  }
0xc1: {  	[dreg:$0x1] =	wrdreg $0xFFFFFFFF  }
0xc2: {  	_ =	task.clear_ibuf [dreg:s7], $0x2FFFF;
	_ =	strace $0x9FFFFFFF  }
0xc3: {  	(tm) =	ssettm $0x7FFFFFFF  }
tec
execute0_lowered:
.L_overlay_start_1:
0x0: {  	(tag) =	ssettag $0x1  }
0x1: {  	s1 =	srdreg.scid;
	s0 =	rddreg [dreg:$0x0]  }
0x2: {  	s12 =	stileid.u32;
	s5 =	rddreg [dreg:$0x1]  }
0x3: {  	s2 =	rddreg [dreg:$0x2];
	s3 =	simm.s32 $0x0;
	s11 =	simm.s32 $0x1  }
0x4: {  	s13 =	simm.s32 $0x50;
	s6 =	sand.u32 $0x1, s1;
	s1 =	rddreg [dreg:$0x3]  }
0x5: {  	s17 =	simm.s32 $0x0;
	s7 =	smul.u32 $0x1400, s12;
	[smem:$0x7FF] =	sst s3  }
0x6: {  	p0 =	seq.s32 s12, $0x0;
	s4 =	smul.u32 $0x14000, s6;
	_ =	strace $0x80000047  }
0x7: {  	s31 =	ssub.s32 $0x2, s6;
	p1 =	seq.s32 s6, $0x1;
	s10 =	sor.u32 s12, s6  }
0x8: {  	s9 =	sshrl.u32 s31, $0x1;
	p0 =	por !p0, !p1;
	p2 =	sne.s32 s10, $0x0  }
0x9: {  	s10 =	simm.s32 $0x278;
	s4 =	sadd.s32 s7, s4;
	s7 =	ssub.s32 s31, s9  }
0xa: {  	p1 =	por !p0, !p0;
	p0 =	sne.s32 s12, $0x0;
	s14 =	sshll.u32 @!p2 s12, $0x6  }
0xb: {  	s12 =	simm.s32 $0x2F8;
	s15 =	sshrl.u32 @!p2 s2, $0x3;
	s4 =	sshrl.u32 s4, $0x3  }
0xc: {  	s6 =	smax.u32 s7, $0x1;
	s9 =	sshrl.u32 @!p0 s2, $0x3;
	s14 =	sor.u32 @!p2 $0x1C01, s14  }
0xd: {  	s16 =	sshrl.u32 @p1 s2, $0x3;
	s8 =	sadd.s32 s4, s5;
	s4 =	sadd.s32 $0xD400, s5  }
0xe: {  	s5 =	sadd.s32 $0xDA00, s5;
	s7 =	sadd.s32 $0x3400, s8;
	s8 =	sadd.s32 $0x8400, s8  }
.LBB2_1:
0xf: {  	s18 =	simm.s32 @!p0 $0x1C01  }
0x10: {  	[spmem:s9], [sflag:s18] =	dma.local @!p0 [hbm:s0], $0x4F0  }
0x11: {  	s18 =	simm.s32 @!p0 $0x1  }
0x12: {  	_ =	swait.ge @!p0 [sflag:s18], $0x4F0  }
0x13: {  	[sflag:s18] =	ssyncset.done @!p0 $0x0  }
0x14: {  	[sflag:s18] =	ssyncadd.s32 @!p0 $0xFFFFFB10  }
0x15: {  	s30 =	sadd.s32 $0x0, s8;
	[bflag:$0x0] =	sbarrier.arrive $0xFFFF  }
0x16: {  	[tilespmem:s10], [sflag:$0x1] =	stream.linear.gather [hbm4b:s30+s3], $0x50, $0x38;
	[tilespmem:$0x378] =	vst v63  }
0x17: {  	_ =	swait.ge [sflag:s11], $0x50  }
0x18: {  	[sflag:s11] =	ssyncset.done $0x0  }
0x19: {  	s31 =	sadd.s32 $0x0, s7;
	[sflag:s11] =	ssyncadd.s32 $0xFFFFFFB0  }
0x1a: {  	[tilespmem:s12], [sflag:$0x1] =	stream.linear.gather [hbm4b:s31+s3], $0x50, $0x38;
	[tilespmem:$0x378] =	vst v63  }
0x1b: {  	_ =	swait.ge [sflag:s11], $0x50  }
0x1c: {  	[sflag:s11] =	ssyncset.done $0x0  }
0x1d: {  	[sflag:s11] =	ssyncadd.s32 $0xFFFFFFB0  }
0x1e: {  	[spmem:s2] =	stream.indirect.scatter.add.f32 [tilespmem:s12], [sflag:$0x1], $0x1, s10, s13, $0xb8;
	[tilespmem:$0x378] =	vst v63  }
0x1f: {  	_ =	swait.ge [sflag:s11], $0x50  }
0x20: {  	s19 =	simm.s32 $0x14;
	s18 =	simm.s32 $0xA;
	[sflag:s11] =	ssyncset.done $0x0  }
.LBB2_2:
0x21: {  	s20 =	sadd.s32 s18, s8  }
0x22: {  	[sflag:s11] =	ssyncadd.s32 $0xFFFFFFB0;
	s21 =	smov.u32 s19;
	s22 =	sadd.s32 $0xA, s19  }
0x23: {  	[tilespmem:s10], [sflag:$0x1] =	stream.linear.gather [hbm4b:s20+s3], $0x50, $0x38;
	[tilespmem:$0x378] =	vst v63  }
0x24: {  	p3 =	sne.s32 s19, $0x276;
	_ =	swait.ge [sflag:s11], $0x50  }
0x25: {  	[sflag:s11] =	ssyncset.done $0x0  }
0x26: {  	s19 =	sadd.s32 s18, s7;
	s18 =	smov.u32 s21;
	[sflag:s11] =	ssyncadd.s32 $0xFFFFFFB0  }
0x27: {  	[tilespmem:s12], [sflag:$0x1] =	stream.linear.gather [hbm4b:s19+s3], $0x50, $0x38;
	[tilespmem:$0x378] =	vst v63  }
0x28: {  	_ =	swait.ge [sflag:s11], $0x50  }
.Ltmp0:
0x29: {  	[sflag:s11] =	ssyncset.done $0x0;
	(pc) =	sbr.rel @p3 .LBB2_2-.Ltmp0, $4  }
0x2a: {  	[sflag:s11] =	ssyncadd.s32 $0xFFFFFFB0  }
0x2b: {  	[spmem:s2] =	stream.indirect.scatter.add.f32 [tilespmem:s12], [sflag:$0x1], $0x1, s10, s13, $0xb8;
	[tilespmem:$0x378] =	vst v63  }
0x2c: {  	_ =	swait.ge [sflag:s11], $0x50  }
0x2d: {  	s19 =	smov.u32 s22;
	[sflag:s11] =	ssyncset.done $0x0  }
0x2e: {  	s19 =	sadd.s32 s18, s8;
	[sflag:s11] =	ssyncadd.s32 $0xFFFFFFB0  }
0x2f: {  	[tilespmem:s10], [sflag:$0x1] =	stream.linear.gather [hbm4b:s19+s3], $0x50, $0x38;
	[tilespmem:$0x378] =	vst v63  }
0x30: {  	_ =	swait.ge [sflag:s11], $0x50  }
0x31: {  	[sflag:s11] =	ssyncset.done $0x0  }
0x32: {  	s31 =	sadd.s32 s18, s7;
	[sflag:s11] =	ssyncadd.s32 $0xFFFFFFB0  }
0x33: {  	[tilespmem:s12], [sflag:$0x1] =	stream.linear.gather [hbm4b:s31+s3], $0x50, $0x38;
	[tilespmem:$0x378] =	vst v63  }
0x34: {  	_ =	swait.ge [sflag:s11], $0x50  }
0x35: {  	[sflag:s11] =	ssyncset.done $0x0  }
0x36: {  	[sflag:s11] =	ssyncadd.s32 $0xFFFFFFB0  }
0x37: {  	[spmem:s2] =	stream.indirect.scatter.add.f32 [tilespmem:s12], [sflag:$0x1], $0x1, s10, s13, $0xb8;
	[tilespmem:$0x378] =	vst v63  }
0x38: {  	_ =	swait.ge [sflag:s11], $0x50  }
0x39: {  	[sflag:s11] =	ssyncset.done $0x0  }
0x3a: {  	[sflag:s11] =	ssyncadd.s32 $0xFFFFFFB0  }
0x3b: {  	s18 =	simm.s32 @!p2 $0x1;
	[bflag:$0x0] =	sbarrier.arrive $0xFFFF  }
0x3c: {  	[hbm:s4], [sflag:s14] =	dma.local @!p2 [spmem:s15], $0x4F0  }
0x3d: {  	_ =	swait.ge @!p2 [sflag:s18], $0x4F0  }
0x3e: {  	s17 =	sadd.s32 $0x1, s17;
	[sflag:s18] =	ssyncset.done @!p2 $0x0  }
0x3f: {  	p3 =	sne.s32 s17, s6;
	[sflag:s18] =	ssyncadd.s32 @!p2 $0xFFFFFB10;
	s18 =	simm.s32 @p1 $0x1C01  }
0x40: {  	[hbm:s5], [sflag:s18] =	dma.local @p1 [spmem:s16], $0x4F0  }
.Ltmp1:
0x41: {  	_ = 	snop;
	(pc) =	sbr.rel @p3 .LBB2_1-.Ltmp1, $4  }
0x42: {  	s18 =	simm.s32 @p1 $0x1  }
0x43: {  	_ =	swait.ge @p1 [sflag:s18], $0x4F0  }
0x44: {  	[sflag:s18] =	ssyncset.done @p1 $0x0  }
0x45: {  	[sflag:s18] =	ssyncadd.s32 @p1 $0xFFFFFB10  }
0x46: {  	_ =	sfence.sel $0x180000  }
0x47: {  	[bflag:$0x0] =	sbarrier.arrive $0xFFFF  }
0x48: {  	_ =	strace $0x90000047  }
0x49: {  	s0 =	sadd.s32 @!p0 $0x100000, s1;
	[bflag:$0x2] =	sbarrier.arrive $0xFFFF  }
0x4a: {  	[sflag:s0] =	ssyncadd.tile.s32 @!p0 $0x1;
	_ =	shalt  }
.Lfunc_end2:
_tile_overlayer_lowered:
.L_overlay_start_2:
0x4b: {  	(tag) =	ssettag $0x2  }
0x4c: {  	s0 =	rddreg [dreg:$0x0];
	s2 =	stileid.u32  }
0x4d: {  	s1 =	rddreg [dreg:$0x1];
	p0 =	sne.s32 s2, $0x0  }
0x4e: {  	s3 =	rddreg [dreg:$0x2];
	[bflag:$0x3] =	sbarrier.arrive $0xFFFF;
	s2 =	simm.s32 @!p0 $0x1C01  }
0x4f: {  	[timem:s3], [sflag:s2] =	dma.local @!p0 [hbm:s0], s1  }
0x50: {  	s0 =	simm.s32 @!p0 $0x1  }
0x51: {  	_ =	swait.ge @!p0 [sflag:s0], s1  }
0x52: {  	s1 =	ssub.s32 @!p0 $0x0, s1;
	[sflag:s0] =	ssyncset.done @!p0 $0x0  }
0x53: {  	[sflag:s0] =	ssyncadd.s32 @!p0 s1  }
0x54: {  	[bflag:$0x3] =	sbarrier.arrive $0xFFFF  }
0x55: {  	_ =	shalt  }

</sc_bundles>
